<compile_context>
chip_gen: v7x
topology: tpu7x:2x2x1
jax: 0.10.2.dev20260603
libtpu: 0.0.44.dev20260713+nightly
codegen_flags: <defaults>
</compile_context>

<pallas_src>
import functools

import jax
import jax.numpy as jnp
from jax import lax
from jax.experimental import pallas as pl
from jax.experimental.pallas import tpu as pltpu
from jax.experimental.pallas import tpu_sc as plsc

_PULL_W = 0.25
_PUSH_W = 0.25
_MARGIN = 2.0

_B, _C, _H, _W = 8, 16, 256, 256
_HW = _H * _W
_N = 20
_K = 64

_NC, _NS, _L = 2, 16, 16
_NW = _NC * _NS
_CPW = (_B * _C) // _NW
_TPB = _NW // _B
_QR = _H // 2
_NBUF = 3
_OW = 3 * _L


def _sc_gather_reduce(pred2, inds):
  mesh = plsc.VectorSubcoreMesh(core_axis_name="c", subcore_axis_name="s")

  @functools.partial(
      pl.kernel,
      out_type=jax.ShapeDtypeStruct((_NW, _OW), jnp.float32),
      mesh=mesh,
      compiler_params=pltpu.CompilerParams(needs_layout_passes=False),
      scratch_types=[
          pltpu.VMEM((_N, _K), jnp.int32),
          [pltpu.VMEM((_QR, _W), jnp.float32) for _ in range(_NBUF)],
          pltpu.VMEM((_N * _L,), jnp.float32),
          pltpu.VMEM((_OW,), jnp.float32),
          [pltpu.SemaphoreType.DMA for _ in range(_NBUF)],
      ],
  )
  def k(pred_hbm, inds_hbm, out_hbm, ik_v, bufs, y_v, o_v, sems):
    wid = lax.axis_index("s") * _NC + lax.axis_index("c")
    b = wid // _TPB
    c0 = (wid % _TPB) * _CPW
    lane = lax.iota(jnp.int32, _L)

    copies = {}

    def fire(hi):
      j, half = divmod(hi, 2)
      rbase = (b * _C + c0 + j) * _H + half * _QR
      copies[hi] = pltpu.async_copy(
          pred_hbm.at[pl.ds(rbase, _QR)], bufs[hi % _NBUF], sems[hi % _NBUF])

    for hi in range(_NBUF):
      fire(hi)

    pltpu.sync_copy(inds_hbm.at[:, b], ik_v)

    carry = (jnp.zeros((_L,), jnp.float32), jnp.zeros((_L,), jnp.float32),
             jnp.zeros((_L,), jnp.float32), jnp.float32(0.0))
    for j in range(_CPW):
      for half in range(2):
        hi = 2 * j + half
        copies.pop(hi).wait()
        buf = bufs[hi % _NBUF]

        def nbody(n, c, buf=buf, half=half):
          sq_acc, sv0, sv1, b2 = c
          y = jnp.zeros((_L,), jnp.float32)
          for q in range(_K // _L):
            p = ik_v[n, pl.ds(q * _L, _L)]
            row = lax.shift_right_logical(p, 8)
            hsel = lax.shift_right_logical(p, 15)
            rowm = lax.bitwise_and(row, _QR - 1)
            col = lax.bitwise_and(p, _W - 1)
            g = plsc.load_gather(buf, [rowm, col])
            v = jnp.where(hsel == half, g, 0.0)
            y = y + v
            sq_acc = sq_acc + v * v
          if half == 0:
            y_v[pl.ds(n * _L, _L)] = y
          else:
            s_c = jnp.sum(y_v[pl.ds(n * _L, _L)] + y)
            b2 = b2 + s_c * s_c
            sv0 = sv0 + jnp.where(lane == n, s_c, 0.0)
            sv1 = sv1 + jnp.where(lane == n - _L, s_c, 0.0)
          return (sq_acc, sv0, sv1, b2)

        carry = lax.fori_loop(0, _N, nbody, carry)
        if hi + _NBUF < 2 * _CPW:
          fire(hi + _NBUF)

    sq_acc, sv0, sv1, b2 = carry
    a = jnp.sum(sq_acc)
    o_v[pl.ds(0, _L)] = sv0
    o_v[pl.ds(_L, _L)] = sv1
    o_v[pl.ds(2 * _L, _L)] = (jnp.where(lane == 0, a, 0.0) +
                              jnp.where(lane == 1, b2, 0.0))
    pltpu.sync_copy(o_v, out_hbm.at[wid])

  return k(pred2, inds)


def _tc_finish(parts):

  def body(x_ref, o_ref, o2_ref):
    x = x_ref[...]
    a = jnp.sum(x[:, 2 * _L:2 * _L + 1])
    b2 = jnp.sum(x[:, 2 * _L + 1:2 * _L + 2])
    pull_all = _PULL_W * (a * (1.0 / _K) - b2 * (1.0 / (_K * _K)))

    sv = jnp.sum(x.reshape(_B, _TPB, _OW), axis=1)[:, :2 * _L]
    s = sv * (1.0 / _K)
    lane2 = lax.broadcasted_iota(jnp.int32, (_B, 2 * _L, 2 * _L), 1)
    lane3 = lax.broadcasted_iota(jnp.int32, (_B, 2 * _L, 2 * _L), 2)
    diff = s[:, :, None] - s[:, None, :]
    m = jnp.maximum(_MARGIN - jnp.abs(diff), 0.0)
    valid = (lane2 < _N) & (lane3 < _N) & (lane2 != lane3)
    m = jnp.where(valid, m, 0.0)
    push_all = _PUSH_W * jnp.sum(m) / (_N * (_N - 1))

    o_ref[...] = jnp.zeros((1, 1), jnp.float32) + pull_all
    o2_ref[...] = jnp.zeros((1, 1), jnp.float32) + push_all

  return pl.pallas_call(
      body,
      out_shape=[
          jax.ShapeDtypeStruct((1, 1), jnp.float32),
          jax.ShapeDtypeStruct((1, 1), jnp.float32),
      ],
  )(parts)


@jax.jit
def kernel(pred, inds):
  pred2 = pred.reshape(_B * _C * _H, _W)
  inds_t = jnp.transpose(inds, (1, 0, 2))
  parts = _sc_gather_reduce(pred2, inds_t)
  pull_all, push_all = _tc_finish(parts)
  return (pull_all.reshape(()), push_all.reshape(()))

# --- scband reference (transcript-rebuilt; emitter-appended) ---
"""Pipeline reference for scband-dense-associative-embedding-loss-78108275245640 (READ-ONLY COPY).

The authoritative reference and input builder live on the scoring server;
editing this copy changes nothing except your own understanding.
"""

import jax, jax.numpy as jnp
import numpy as np

PULL_W = 0.25
PUSH_W = 0.25
MARGIN = 2.0


def setup_inputs(seed: int = 0) -> dict:
    key = jax.random.key(seed)
    k1, k2 = jax.random.split(key)
    pred = jax.random.normal(k1, (8, 16, 256, 256), dtype=jnp.float32)
    inds = jax.random.randint(k2, (8, 20, 64), 0, 256 * 256, dtype=jnp.int32)
    return {"pred": pred, "inds": inds}


def reference(pred, inds):
    # pred: [B, C, H, W]; inds: [B, N_inst, K] flat spatial indices into H*W
    B, C, H, W = pred.shape
    N = inds.shape[1]
    # transpose_and_gather_feat: [B, C, H, W] -> [B, H*W, C], gather rows at inds
    flat = jnp.transpose(pred.reshape(B, C, H * W), (0, 2, 1))  # [B, HW, C]
    feats = flat[jnp.arange(B)[:, None, None], inds]  # [B, N, K, C]
    # pull: per-instance mean squared distance to instance embedding center
    centers = feats.mean(axis=2)  # [B, N, C]
    diffs = feats - centers[:, :, None, :]
    pull_per_inst = jnp.sum(diffs * diffs, axis=-1).mean(axis=-1)  # [B, N]
    pull_all = PULL_W * pull_per_inst.sum()
    # push: pairwise center separation with margin
    pair = centers[:, :, None, :] - centers[:, None, :, :]  # [B, N, N, C]
    conf = jnp.abs(pair.sum(axis=-1))  # [B, N, N]
    conf_weight = 1.0 - jnp.eye(N, dtype=pred.dtype)
    conf_mat = conf_weight[None, :, :] * (MARGIN - conf)
    push_per_img = jax.nn.relu(conf_mat).sum(axis=(1, 2)) / (N * (N - 1))  # [B]
    push_all = PUSH_W * push_per_img.sum()
    return (pull_all, push_all)

if __name__ == "__main__":
    import jax
    _d = setup_inputs()
    print(jax.jit(kernel)(*tuple(_d.values())))

</pallas_src>

<mosaic_0001>
#map = affine_map<(d0, d1) -> (0, 0)>
#map1 = affine_map<(d0, d1) -> (0, 0, 0)>
module attributes {stable_mosaic.version = 14 : i64} {
  func.func @k(%arg0: i32, %arg1: i32, %arg2: memref<32768x256xf32, #tpu.memory_space<hbm>>, %arg3: memref<20x8x64xi32, #tpu.memory_space<hbm>>, %arg4: memref<32x48xf32, #tpu.memory_space<hbm>>, %arg5: memref<20x64xi32, #tpu.memory_space<vmem>>, %arg6: memref<128x256xf32, #tpu.memory_space<vmem>>, %arg7: memref<128x256xf32, #tpu.memory_space<vmem>>, %arg8: memref<128x256xf32, #tpu.memory_space<vmem>>, %arg9: memref<320xf32, #tpu.memory_space<vmem>>, %arg10: memref<48xf32, #tpu.memory_space<vmem>>, %arg11: memref<!tpu.dma_semaphore, #tpu.memory_space<semaphore_mem>>, %arg12: memref<!tpu.dma_semaphore, #tpu.memory_space<semaphore_mem>>, %arg13: memref<!tpu.dma_semaphore, #tpu.memory_space<semaphore_mem>>) attributes {dimension_semantics = [#tpu.dimension_semantics<core_parallel>, #tpu.dimension_semantics<subcore_parallel>], iteration_bounds = array<i64: 2, 16>, scalar_prefetch = 0 : i64, scratch_operands = 9 : i64, tpu.core_type = #tpu.core_type<sc_vector_subcore>, window_params = [{transform_indices = #map}, {transform_indices = #map1}, {transform_indices = #map}]} {
    %mul3A = arith.constant 2 : i32
    %mul3A_0 = arith.muli %arg1, %mul3A : i32
    %add3A = arith.addi %mul3A_0, %arg0 : i32
    %jit3A = arith.constant 4 : i32
    %div3A = arith.divsi %add3A, %jit3A : i32
    %sign3A = arith.constant 0 : i32
    %sign3A_1 = arith.cmpi sgt, %add3A, %sign3A : i32
    %sign3A_2 = arith.extui %sign3A_1 : i1 to i32
    %sign3A_3 = arith.constant 0 : i32
    %sign3A_4 = arith.cmpi slt, %add3A, %sign3A_3 : i32
    %sign3A_5 = arith.extui %sign3A_4 : i1 to i32
    %sign3A_6 = arith.subi %sign3A_2, %sign3A_5 : i32
    %sign3A_7 = arith.constant 0 : i32
    %sign3A_8 = arith.cmpi sgt, %jit3A, %sign3A_7 : i32
    %sign3A_9 = arith.extui %sign3A_8 : i1 to i32
    %sign3A_10 = arith.constant 0 : i32
    %sign3A_11 = arith.cmpi slt, %jit3A, %sign3A_10 : i32
    %sign3A_12 = arith.extui %sign3A_11 : i1 to i32
    %sign3A_13 = arith.subi %sign3A_9, %sign3A_12 : i32
    %ne3A = arith.cmpi ne, %sign3A_6, %sign3A_13 : i32
    %rem3A = arith.remsi %add3A, %jit3A : i32
    %ne3A_14 = arith.constant 0 : i32
    %ne3A_15 = arith.cmpi ne, %rem3A, %ne3A_14 : i32
    %and3A = arith.andi %ne3A, %ne3A_15 : i1
    %sub3A = arith.constant 1 : i32
    %sub3A_16 = arith.subi %div3A, %sub3A : i32
    %select_n3A = arith.select %and3A, %sub3A_16, %div3A : i32
    %jit3A_17 = arith.constant 4 : i32
    %eq3A = arith.constant 0 : i32
    %eq3A_18 = arith.cmpi eq, %jit3A_17, %eq3A : i32
    %jit3A_19 = arith.constant 1 : i32
    %select_n3A_20 = arith.select %eq3A_18, %jit3A_19, %jit3A_17 : i32
    %rem3A_21 = arith.remsi %add3A, %select_n3A_20 : i32
    %ne3A_22 = arith.constant 0 : i32
    %ne3A_23 = arith.cmpi ne, %rem3A_21, %ne3A_22 : i32
    %lt3A = arith.constant 0 : i32
    %lt3A_24 = arith.cmpi slt, %rem3A_21, %lt3A : i32
    %lt3A_25 = arith.constant 0 : i32
    %lt3A_26 = arith.cmpi slt, %select_n3A_20, %lt3A_25 : i32
    %ne3A_27 = arith.xori %lt3A_24, %lt3A_26 : i1
    %and3A_28 = arith.andi %ne3A_27, %ne3A_23 : i1
    %add3A_29 = arith.addi %rem3A_21, %select_n3A_20 : i32
    %select_n3A_30 = arith.select %and3A_28, %add3A_29, %rem3A_21 : i32
    %mul3A_31 = arith.constant 4 : i32
    %mul3A_32 = arith.muli %select_n3A_30, %mul3A_31 : i32
    %iota3A = tpu.iota {dimensions = array<i32: 0>} : vector<16xi32>
    %mul3A_33 = arith.constant 16 : i32
    %mul3A_34 = arith.muli %select_n3A, %mul3A_33 : i32
    %add3A_35 = arith.addi %mul3A_34, %mul3A_32 : i32
    %add3A_36 = arith.constant 0 : i32
    %add3A_37 = arith.addi %add3A_35, %add3A_36 : i32
    %mul3A_38 = arith.constant 256 : i32
    %mul3A_39 = arith.muli %add3A_37, %mul3A_38 : i32
    %add3A_40 = arith.constant 0 : i32
    %add3A_41 = arith.addi %mul3A_39, %add3A_40 : i32
    %dma_start3A = arith.constant 0 : i32
    %dma_start3A_42 = tpu.memref_slice %arg2[%add3A_41, %dma_start3A] : memref<32768x256xf32, #tpu.memory_space<hbm>> -> memref<128x256xf32, #tpu.memory_space<hbm>>
    %dma_start3A_43 = arith.constant 0 : i32
    %dma_start3A_44 = tpu.memref_slice %arg2[%add3A_41, %dma_start3A_43] : memref<32768x256xf32, #tpu.memory_space<hbm>> -> memref<128x256xf32, #tpu.memory_space<hbm>>
    tpu.enqueue_dma source(%dma_start3A_44 : memref<128x256xf32, #tpu.memory_space<hbm>>) target(%arg6 : memref<128x256xf32, #tpu.memory_space<vmem>>) target_semaphore(%arg11 : memref<!tpu.dma_semaphore, #tpu.memory_space<semaphore_mem>>)
    %mul3A_45 = arith.constant 16 : i32
    %mul3A_46 = arith.muli %select_n3A, %mul3A_45 : i32
    %add3A_47 = arith.addi %mul3A_46, %mul3A_32 : i32
    %add3A_48 = arith.constant 0 : i32
    %add3A_49 = arith.addi %add3A_47, %add3A_48 : i32
    %mul3A_50 = arith.constant 256 : i32
    %mul3A_51 = arith.muli %add3A_49, %mul3A_50 : i32
    %add3A_52 = arith.constant 128 : i32
    %add3A_53 = arith.addi %mul3A_51, %add3A_52 : i32
    %dma_start3A_54 = arith.constant 0 : i32
    %dma_start3A_55 = tpu.memref_slice %arg2[%add3A_53, %dma_start3A_54] : memref<32768x256xf32, #tpu.memory_space<hbm>> -> memref<128x256xf32, #tpu.memory_space<hbm>>
    %dma_start3A_56 = arith.constant 0 : i32
    %dma_start3A_57 = tpu.memref_slice %arg2[%add3A_53, %dma_start3A_56] : memref<32768x256xf32, #tpu.memory_space<hbm>> -> memref<128x256xf32, #tpu.memory_space<hbm>>
    tpu.enqueue_dma source(%dma_start3A_57 : memref<128x256xf32, #tpu.memory_space<hbm>>) target(%arg7 : memref<128x256xf32, #tpu.memory_space<vmem>>) target_semaphore(%arg12 : memref<!tpu.dma_semaphore, #tpu.memory_space<semaphore_mem>>)
    %mul3A_58 = arith.constant 16 : i32
    %mul3A_59 = arith.muli %select_n3A, %mul3A_58 : i32
    %add3A_60 = arith.addi %mul3A_59, %mul3A_32 : i32
    %add3A_61 = arith.constant 1 : i32
    %add3A_62 = arith.addi %add3A_60, %add3A_61 : i32
    %mul3A_63 = arith.constant 256 : i32
    %mul3A_64 = arith.muli %add3A_62, %mul3A_63 : i32
    %add3A_65 = arith.constant 0 : i32
    %add3A_66 = arith.addi %mul3A_64, %add3A_65 : i32
    %dma_start3A_67 = arith.constant 0 : i32
    %dma_start3A_68 = tpu.memref_slice %arg2[%add3A_66, %dma_start3A_67] : memref<32768x256xf32, #tpu.memory_space<hbm>> -> memref<128x256xf32, #tpu.memory_space<hbm>>
    %dma_start3A_69 = arith.constant 0 : i32
    %dma_start3A_70 = tpu.memref_slice %arg2[%add3A_66, %dma_start3A_69] : memref<32768x256xf32, #tpu.memory_space<hbm>> -> memref<128x256xf32, #tpu.memory_space<hbm>>
    tpu.enqueue_dma source(%dma_start3A_70 : memref<128x256xf32, #tpu.memory_space<hbm>>) target(%arg8 : memref<128x256xf32, #tpu.memory_space<vmem>>) target_semaphore(%arg13 : memref<!tpu.dma_semaphore, #tpu.memory_space<semaphore_mem>>)
    "tpu.region"() ({
      %run_scoped3A = tpu.sem_alloc : memref<!tpu.dma_semaphore, #tpu.memory_space<semaphore_mem>>
      %dma_start3A_244 = arith.constant 0 : i32
      %dma_start3A_245 = arith.constant 0 : i32
      %dma_start3A_246 = tpu.memref_slice %arg3[%dma_start3A_244, %select_n3A, %dma_start3A_245] : memref<20x8x64xi32, #tpu.memory_space<hbm>> -> memref<20x1x64xi32, #tpu.memory_space<hbm>>
      %dma_start3A_247 = tpu.memref_squeeze %dma_start3A_246 : memref<20x1x64xi32, #tpu.memory_space<hbm>> -> memref<20x64xi32, #tpu.memory_space<hbm>>
      %dma_start3A_248 = arith.constant 0 : i32
      %dma_start3A_249 = arith.constant 0 : i32
      %dma_start3A_250 = tpu.memref_slice %arg3[%dma_start3A_248, %select_n3A, %dma_start3A_249] : memref<20x8x64xi32, #tpu.memory_space<hbm>> -> memref<20x1x64xi32, #tpu.memory_space<hbm>>
      %dma_start3A_251 = tpu.memref_squeeze %dma_start3A_250 : memref<20x1x64xi32, #tpu.memory_space<hbm>> -> memref<20x64xi32, #tpu.memory_space<hbm>>
      tpu.enqueue_dma source(%dma_start3A_251 : memref<20x64xi32, #tpu.memory_space<hbm>>) target(%arg5 : memref<20x64xi32, #tpu.memory_space<vmem>>) target_semaphore(%run_scoped3A : memref<!tpu.dma_semaphore, #tpu.memory_space<semaphore_mem>>)
      %dma_wait3A_252 = arith.constant 0 : i32
      %dma_wait3A_253 = arith.constant 0 : i32
      %dma_wait3A_254 = tpu.memref_slice %arg3[%dma_wait3A_252, %select_n3A, %dma_wait3A_253] : memref<20x8x64xi32, #tpu.memory_space<hbm>> -> memref<20x1x64xi32, #tpu.memory_space<hbm>>
      %dma_wait3A_255 = tpu.memref_squeeze %dma_wait3A_254 : memref<20x1x64xi32, #tpu.memory_space<hbm>> -> memref<20x64xi32, #tpu.memory_space<hbm>>
      %dma_wait3A_256 = arith.constant 0 : i32
      %dma_wait3A_257 = arith.constant 0 : i32
      %dma_wait3A_258 = tpu.memref_slice %arg3[%dma_wait3A_256, %select_n3A, %dma_wait3A_257] : memref<20x8x64xi32, #tpu.memory_space<hbm>> -> memref<20x1x64xi32, #tpu.memory_space<hbm>>
      %dma_wait3A_259 = tpu.memref_squeeze %dma_wait3A_258 : memref<20x1x64xi32, #tpu.memory_space<hbm>> -> memref<20x64xi32, #tpu.memory_space<hbm>>
      tpu.wait_dma2 semaphore(%run_scoped3A : memref<!tpu.dma_semaphore, #tpu.memory_space<semaphore_mem>>) src(%dma_wait3A_259 : memref<20x64xi32, #tpu.memory_space<hbm>>) dst(%arg5 : memref<20x64xi32, #tpu.memory_space<vmem>>)
      tpu.yield
    }) : () -> ()
    %broadcast_in_dim3A = arith.constant 0.000000e+00 : f32
    %broadcast_in_dim3A_71 = vector.broadcast %broadcast_in_dim3A : f32 to vector<16xf32>
    %broadcast_in_dim3A_72 = arith.constant 0.000000e+00 : f32
    %broadcast_in_dim3A_73 = vector.broadcast %broadcast_in_dim3A_72 : f32 to vector<16xf32>
    %broadcast_in_dim3A_74 = arith.constant 0.000000e+00 : f32
    %broadcast_in_dim3A_75 = vector.broadcast %broadcast_in_dim3A_74 : f32 to vector<16xf32>
    %dma_wait3A = arith.constant 0 : i32
    %dma_wait3A_76 = tpu.memref_slice %arg2[%add3A_41, %dma_wait3A] : memref<32768x256xf32, #tpu.memory_space<hbm>> -> memref<128x256xf32, #tpu.memory_space<hbm>>
    %dma_wait3A_77 = arith.constant 0 : i32
    %dma_wait3A_78 = tpu.memref_slice %arg2[%add3A_41, %dma_wait3A_77] : memref<32768x256xf32, #tpu.memory_space<hbm>> -> memref<128x256xf32, #tpu.memory_space<hbm>>
    tpu.wait_dma2 semaphore(%arg11 : memref<!tpu.dma_semaphore, #tpu.memory_space<semaphore_mem>>) src(%dma_wait3A_78 : memref<128x256xf32, #tpu.memory_space<hbm>>) dst(%arg6 : memref<128x256xf32, #tpu.memory_space<vmem>>)
    %scan3A = arith.constant 0.000000e+00 : f32
    %scan3A_79 = arith.constant 0 : i32
    %scan3A_80 = arith.constant 20 : i32
    %scan3A_81 = arith.addi %scan3A_79, %scan3A_80 : i32
    %scan3A_82 = arith.constant 1 : i32
    %scan3A_83 = scf.for %scan3A_244 = %scan3A_79 to %scan3A_81 step %scan3A_82 iter_args(%scan3A_245 = %broadcast_in_dim3A_71) -> (vector<16xf32>)  : i32 {
      %broadcast_in_dim3A_246 = arith.constant 0.000000e+00 : f32
      %broadcast_in_dim3A_247 = vector.broadcast %broadcast_in_dim3A_246 : f32 to vector<16xf32>
      %get3A = arith.index_cast %scan3A_244 : i32 to index
      %get3A_248 = arith.constant 0 : index
      %get3A_249 = tpu.vector_load %arg5[%get3A, %get3A_248] {strides = array<i32>} : memref<20x64xi32, #tpu.memory_space<vmem>>, vector<16xi32>,
      %shift_right_logical3A = arith.constant 8 : i32
      %shift_right_logical3A_250 = vector.broadcast %shift_right_logical3A : i32 to vector<16xi32>
      %shift_right_logical3A_251 = arith.shrui %get3A_249, %shift_right_logical3A_250 : vector<16xi32>
      %shift_right_logical3A_252 = arith.constant 15 : i32
      %shift_right_logical3A_253 = vector.broadcast %shift_right_logical3A_252 : i32 to vector<16xi32>
      %shift_right_logical3A_254 = arith.shrui %get3A_249, %shift_right_logical3A_253 : vector<16xi32>
      %and3A_255 = arith.constant 127 : i32
      %and3A_256 = vector.broadcast %and3A_255 : i32 to vector<16xi32>
      %and3A_257 = arith.andi %shift_right_logical3A_251, %and3A_256 : vector<16xi32>
      %and3A_258 = arith.constant 255 : i32
      %and3A_259 = vector.broadcast %and3A_258 : i32 to vector<16xi32>
      %and3A_260 = arith.andi %get3A_249, %and3A_259 : vector<16xi32>
      %gather3A = tpu.vector_load_idx %arg6[%and3A_257, %and3A_260] : memref<128x256xf32, #tpu.memory_space<vmem>>[vector<16xi32>, vector<16xi32>], vector<16xf32>,
      %eq3A_261 = arith.constant 0 : i32
      %eq3A_262 = vector.broadcast %eq3A_261 : i32 to vector<16xi32>
      %eq3A_263 = arith.cmpi eq, %shift_right_logical3A_254, %eq3A_262 : vector<16xi32>
      %jit3A_264 = arith.constant 0.000000e+00 : f32
      %broadcast_in_dim3A_265 = vector.broadcast %jit3A_264 : f32 to vector<16xf32>
      %select_n3A_266 = arith.select %eq3A_263, %gather3A, %broadcast_in_dim3A_265 : vector<16xi1>, vector<16xf32>
      %add3A_267 = arith.addf %broadcast_in_dim3A_247, %select_n3A_266 : vector<16xf32>
      %mul3A_268 = arith.mulf %select_n3A_266, %select_n3A_266 : vector<16xf32>
      %add3A_269 = arith.addf %scan3A_245, %mul3A_268 : vector<16xf32>
      %get3A_270 = arith.index_cast %scan3A_244 : i32 to index
      %get3A_271 = arith.constant 16 : index
      %get3A_272 = tpu.vector_load %arg5[%get3A_270, %get3A_271] {strides = array<i32>} : memref<20x64xi32, #tpu.memory_space<vmem>>, vector<16xi32>,
      %shift_right_logical3A_273 = arith.constant 8 : i32
      %shift_right_logical3A_274 = vector.broadcast %shift_right_logical3A_273 : i32 to vector<16xi32>
      %shift_right_logical3A_275 = arith.shrui %get3A_272, %shift_right_logical3A_274 : vector<16xi32>
      %shift_right_logical3A_276 = arith.constant 15 : i32
      %shift_right_logical3A_277 = vector.broadcast %shift_right_logical3A_276 : i32 to vector<16xi32>
      %shift_right_logical3A_278 = arith.shrui %get3A_272, %shift_right_logical3A_277 : vector<16xi32>
      %and3A_279 = arith.constant 127 : i32
      %and3A_280 = vector.broadcast %and3A_279 : i32 to vector<16xi32>
      %and3A_281 = arith.andi %shift_right_logical3A_275, %and3A_280 : vector<16xi32>
      %and3A_282 = arith.constant 255 : i32
      %and3A_283 = vector.broadcast %and3A_282 : i32 to vector<16xi32>
      %and3A_284 = arith.andi %get3A_272, %and3A_283 : vector<16xi32>
      %gather3A_285 = tpu.vector_load_idx %arg6[%and3A_281, %and3A_284] : memref<128x256xf32, #tpu.memory_space<vmem>>[vector<16xi32>, vector<16xi32>], vector<16xf32>,
      %eq3A_286 = arith.constant 0 : i32
      %eq3A_287 = vector.broadcast %eq3A_286 : i32 to vector<16xi32>
      %eq3A_288 = arith.cmpi eq, %shift_right_logical3A_278, %eq3A_287 : vector<16xi32>
      %jit3A_289 = arith.constant 0.000000e+00 : f32
      %broadcast_in_dim3A_290 = vector.broadcast %jit3A_289 : f32 to vector<16xf32>
      %select_n3A_291 = arith.select %eq3A_288, %gather3A_285, %broadcast_in_dim3A_290 : vector<16xi1>, vector<16xf32>
      %add3A_292 = arith.addf %add3A_267, %select_n3A_291 : vector<16xf32>
      %mul3A_293 = arith.mulf %select_n3A_291, %select_n3A_291 : vector<16xf32>
      %add3A_294 = arith.addf %add3A_269, %mul3A_293 : vector<16xf32>
      %get3A_295 = arith.index_cast %scan3A_244 : i32 to index
      %get3A_296 = arith.constant 32 : index
      %get3A_297 = tpu.vector_load %arg5[%get3A_295, %get3A_296] {strides = array<i32>} : memref<20x64xi32, #tpu.memory_space<vmem>>, vector<16xi32>,
      %shift_right_logical3A_298 = arith.constant 8 : i32
      %shift_right_logical3A_299 = vector.broadcast %shift_right_logical3A_298 : i32 to vector<16xi32>
      %shift_right_logical3A_300 = arith.shrui %get3A_297, %shift_right_logical3A_299 : vector<16xi32>
      %shift_right_logical3A_301 = arith.constant 15 : i32
      %shift_right_logical3A_302 = vector.broadcast %shift_right_logical3A_301 : i32 to vector<16xi32>
      %shift_right_logical3A_303 = arith.shrui %get3A_297, %shift_right_logical3A_302 : vector<16xi32>
      %and3A_304 = arith.constant 127 : i32
      %and3A_305 = vector.broadcast %and3A_304 : i32 to vector<16xi32>
      %and3A_306 = arith.andi %shift_right_logical3A_300, %and3A_305 : vector<16xi32>
      %and3A_307 = arith.constant 255 : i32
      %and3A_308 = vector.broadcast %and3A_307 : i32 to vector<16xi32>
      %and3A_309 = arith.andi %get3A_297, %and3A_308 : vector<16xi32>
      %gather3A_310 = tpu.vector_load_idx %arg6[%and3A_306, %and3A_309] : memref<128x256xf32, #tpu.memory_space<vmem>>[vector<16xi32>, vector<16xi32>], vector<16xf32>,
      %eq3A_311 = arith.constant 0 : i32
      %eq3A_312 = vector.broadcast %eq3A_311 : i32 to vector<16xi32>
      %eq3A_313 = arith.cmpi eq, %shift_right_logical3A_303, %eq3A_312 : vector<16xi32>
      %jit3A_314 = arith.constant 0.000000e+00 : f32
      %broadcast_in_dim3A_315 = vector.broadcast %jit3A_314 : f32 to vector<16xf32>
      %select_n3A_316 = arith.select %eq3A_313, %gather3A_310, %broadcast_in_dim3A_315 : vector<16xi1>, vector<16xf32>
      %add3A_317 = arith.addf %add3A_292, %select_n3A_316 : vector<16xf32>
      %mul3A_318 = arith.mulf %select_n3A_316, %select_n3A_316 : vector<16xf32>
      %add3A_319 = arith.addf %add3A_294, %mul3A_318 : vector<16xf32>
      %get3A_320 = arith.index_cast %scan3A_244 : i32 to index
      %get3A_321 = arith.constant 48 : index
      %get3A_322 = tpu.vector_load %arg5[%get3A_320, %get3A_321] {strides = array<i32>} : memref<20x64xi32, #tpu.memory_space<vmem>>, vector<16xi32>,
      %shift_right_logical3A_323 = arith.constant 8 : i32
      %shift_right_logical3A_324 = vector.broadcast %shift_right_logical3A_323 : i32 to vector<16xi32>
      %shift_right_logical3A_325 = arith.shrui %get3A_322, %shift_right_logical3A_324 : vector<16xi32>
      %shift_right_logical3A_326 = arith.constant 15 : i32
      %shift_right_logical3A_327 = vector.broadcast %shift_right_logical3A_326 : i32 to vector<16xi32>
      %shift_right_logical3A_328 = arith.shrui %get3A_322, %shift_right_logical3A_327 : vector<16xi32>
      %and3A_329 = arith.constant 127 : i32
      %and3A_330 = vector.broadcast %and3A_329 : i32 to vector<16xi32>
      %and3A_331 = arith.andi %shift_right_logical3A_325, %and3A_330 : vector<16xi32>
      %and3A_332 = arith.constant 255 : i32
      %and3A_333 = vector.broadcast %and3A_332 : i32 to vector<16xi32>
      %and3A_334 = arith.andi %get3A_322, %and3A_333 : vector<16xi32>
      %gather3A_335 = tpu.vector_load_idx %arg6[%and3A_331, %and3A_334] : memref<128x256xf32, #tpu.memory_space<vmem>>[vector<16xi32>, vector<16xi32>], vector<16xf32>,
      %eq3A_336 = arith.constant 0 : i32
      %eq3A_337 = vector.broadcast %eq3A_336 : i32 to vector<16xi32>
      %eq3A_338 = arith.cmpi eq, %shift_right_logical3A_328, %eq3A_337 : vector<16xi32>
      %jit3A_339 = arith.constant 0.000000e+00 : f32
      %broadcast_in_dim3A_340 = vector.broadcast %jit3A_339 : f32 to vector<16xf32>
      %select_n3A_341 = arith.select %eq3A_338, %gather3A_335, %broadcast_in_dim3A_340 : vector<16xi1>, vector<16xf32>
      %add3A_342 = arith.addf %add3A_317, %select_n3A_341 : vector<16xf32>
      %mul3A_343 = arith.mulf %select_n3A_341, %select_n3A_341 : vector<16xf32>
      %add3A_344 = arith.addf %add3A_319, %mul3A_343 : vector<16xf32>
      %mul3A_345 = arith.constant 16 : i32
      %mul3A_346 = arith.muli %scan3A_244, %mul3A_345 : i32
      %swap3A_347 = arith.index_cast %mul3A_346 : i32 to index
      %swap3A_348 = tpu.vector_load %arg9[%swap3A_347] {strides = array<i32>} : memref<320xf32, #tpu.memory_space<vmem>>, vector<16xf32>,
      tpu.vector_store %arg9[%swap3A_347], %add3A_342 {strides = array<i32>} : memref<320xf32, #tpu.memory_space<vmem>>, vector<16xf32>,
      scf.yield %add3A_344 : vector<16xf32>
    }
    %scan3A_84 = arith.constant 20 : i32
    %mul3A_85 = arith.constant 16 : i32
    %mul3A_86 = arith.muli %select_n3A, %mul3A_85 : i32
    %add3A_87 = arith.addi %mul3A_86, %mul3A_32 : i32
    %add3A_88 = arith.constant 1 : i32
    %add3A_89 = arith.addi %add3A_87, %add3A_88 : i32
    %mul3A_90 = arith.constant 256 : i32
    %mul3A_91 = arith.muli %add3A_89, %mul3A_90 : i32
    %add3A_92 = arith.constant 128 : i32
    %add3A_93 = arith.addi %mul3A_91, %add3A_92 : i32
    %dma_start3A_94 = arith.constant 0 : i32
    %dma_start3A_95 = tpu.memref_slice %arg2[%add3A_93, %dma_start3A_94] : memref<32768x256xf32, #tpu.memory_space<hbm>> -> memref<128x256xf32, #tpu.memory_space<hbm>>
    %dma_start3A_96 = arith.constant 0 : i32
    %dma_start3A_97 = tpu.memref_slice %arg2[%add3A_93, %dma_start3A_96] : memref<32768x256xf32, #tpu.memory_space<hbm>> -> memref<128x256xf32, #tpu.memory_space<hbm>>
    tpu.enqueue_dma source(%dma_start3A_97 : memref<128x256xf32, #tpu.memory_space<hbm>>) target(%arg6 : memref<128x256xf32, #tpu.memory_space<vmem>>) target_semaphore(%arg11 : memref<!tpu.dma_semaphore, #tpu.memory_space<semaphore_mem>>)
    %dma_wait3A_98 = arith.constant 0 : i32
    %dma_wait3A_99 = tpu.memref_slice %arg2[%add3A_53, %dma_wait3A_98] : memref<32768x256xf32, #tpu.memory_space<hbm>> -> memref<128x256xf32, #tpu.memory_space<hbm>>
    %dma_wait3A_100 = arith.constant 0 : i32
    %dma_wait3A_101 = tpu.memref_slice %arg2[%add3A_53, %dma_wait3A_100] : memref<32768x256xf32, #tpu.memory_space<hbm>> -> memref<128x256xf32, #tpu.memory_space<hbm>>
    tpu.wait_dma2 semaphore(%arg12 : memref<!tpu.dma_semaphore, #tpu.memory_space<semaphore_mem>>) src(%dma_wait3A_101 : memref<128x256xf32, #tpu.memory_space<hbm>>) dst(%arg7 : memref<128x256xf32, #tpu.memory_space<vmem>>)
    %scan3A_102 = arith.constant 0.000000e+00 : f32
    %scan3A_103 = arith.constant 0 : i32
    %scan3A_104 = arith.constant 20 : i32
    %scan3A_105 = arith.addi %scan3A_103, %scan3A_104 : i32
    %scan3A_106 = arith.constant 1 : i32
    %scan3A_107:4 = scf.for %scan3A_244 = %scan3A_103 to %scan3A_105 step %scan3A_106 iter_args(%scan3A_245 = %scan3A_83, %scan3A_246 = %broadcast_in_dim3A_73, %scan3A_247 = %broadcast_in_dim3A_75, %scan3A_248 = %scan3A_102) -> (vector<16xf32>, vector<16xf32>, vector<16xf32>, f32)  : i32 {
      %broadcast_in_dim3A_249 = arith.constant 0.000000e+00 : f32
      %broadcast_in_dim3A_250 = vector.broadcast %broadcast_in_dim3A_249 : f32 to vector<16xf32>
      %get3A = arith.index_cast %scan3A_244 : i32 to index
      %get3A_251 = arith.constant 0 : index
      %get3A_252 = tpu.vector_load %arg5[%get3A, %get3A_251] {strides = array<i32>} : memref<20x64xi32, #tpu.memory_space<vmem>>, vector<16xi32>,
      %shift_right_logical3A = arith.constant 8 : i32
      %shift_right_logical3A_253 = vector.broadcast %shift_right_logical3A : i32 to vector<16xi32>
      %shift_right_logical3A_254 = arith.shrui %get3A_252, %shift_right_logical3A_253 : vector<16xi32>
      %shift_right_logical3A_255 = arith.constant 15 : i32
      %shift_right_logical3A_256 = vector.broadcast %shift_right_logical3A_255 : i32 to vector<16xi32>
      %shift_right_logical3A_257 = arith.shrui %get3A_252, %shift_right_logical3A_256 : vector<16xi32>
      %and3A_258 = arith.constant 127 : i32
      %and3A_259 = vector.broadcast %and3A_258 : i32 to vector<16xi32>
      %and3A_260 = arith.andi %shift_right_logical3A_254, %and3A_259 : vector<16xi32>
      %and3A_261 = arith.constant 255 : i32
      %and3A_262 = vector.broadcast %and3A_261 : i32 to vector<16xi32>
      %and3A_263 = arith.andi %get3A_252, %and3A_262 : vector<16xi32>
      %gather3A = tpu.vector_load_idx %arg7[%and3A_260, %and3A_263] : memref<128x256xf32, #tpu.memory_space<vmem>>[vector<16xi32>, vector<16xi32>], vector<16xf32>,
      %eq3A_264 = arith.constant 1 : i32
      %eq3A_265 = vector.broadcast %eq3A_264 : i32 to vector<16xi32>
      %eq3A_266 = arith.cmpi eq, %shift_right_logical3A_257, %eq3A_265 : vector<16xi32>
      %jit3A_267 = arith.constant 0.000000e+00 : f32
      %broadcast_in_dim3A_268 = vector.broadcast %jit3A_267 : f32 to vector<16xf32>
      %select_n3A_269 = arith.select %eq3A_266, %gather3A, %broadcast_in_dim3A_268 : vector<16xi1>, vector<16xf32>
      %add3A_270 = arith.addf %broadcast_in_dim3A_250, %select_n3A_269 : vector<16xf32>
      %mul3A_271 = arith.mulf %select_n3A_269, %select_n3A_269 : vector<16xf32>
      %add3A_272 = arith.addf %scan3A_245, %mul3A_271 : vector<16xf32>
      %get3A_273 = arith.index_cast %scan3A_244 : i32 to index
      %get3A_274 = arith.constant 16 : index
      %get3A_275 = tpu.vector_load %arg5[%get3A_273, %get3A_274] {strides = array<i32>} : memref<20x64xi32, #tpu.memory_space<vmem>>, vector<16xi32>,
      %shift_right_logical3A_276 = arith.constant 8 : i32
      %shift_right_logical3A_277 = vector.broadcast %shift_right_logical3A_276 : i32 to vector<16xi32>
      %shift_right_logical3A_278 = arith.shrui %get3A_275, %shift_right_logical3A_277 : vector<16xi32>
      %shift_right_logical3A_279 = arith.constant 15 : i32
      %shift_right_logical3A_280 = vector.broadcast %shift_right_logical3A_279 : i32 to vector<16xi32>
      %shift_right_logical3A_281 = arith.shrui %get3A_275, %shift_right_logical3A_280 : vector<16xi32>
      %and3A_282 = arith.constant 127 : i32
      %and3A_283 = vector.broadcast %and3A_282 : i32 to vector<16xi32>
      %and3A_284 = arith.andi %shift_right_logical3A_278, %and3A_283 : vector<16xi32>
      %and3A_285 = arith.constant 255 : i32
      %and3A_286 = vector.broadcast %and3A_285 : i32 to vector<16xi32>
      %and3A_287 = arith.andi %get3A_275, %and3A_286 : vector<16xi32>
      %gather3A_288 = tpu.vector_load_idx %arg7[%and3A_284, %and3A_287] : memref<128x256xf32, #tpu.memory_space<vmem>>[vector<16xi32>, vector<16xi32>], vector<16xf32>,
      %eq3A_289 = arith.constant 1 : i32
      %eq3A_290 = vector.broadcast %eq3A_289 : i32 to vector<16xi32>
      %eq3A_291 = arith.cmpi eq, %shift_right_logical3A_281, %eq3A_290 : vector<16xi32>
      %jit3A_292 = arith.constant 0.000000e+00 : f32
      %broadcast_in_dim3A_293 = vector.broadcast %jit3A_292 : f32 to vector<16xf32>
      %select_n3A_294 = arith.select %eq3A_291, %gather3A_288, %broadcast_in_dim3A_293 : vector<16xi1>, vector<16xf32>
      %add3A_295 = arith.addf %add3A_270, %select_n3A_294 : vector<16xf32>
      %mul3A_296 = arith.mulf %select_n3A_294, %select_n3A_294 : vector<16xf32>
      %add3A_297 = arith.addf %add3A_272, %mul3A_296 : vector<16xf32>
      %get3A_298 = arith.index_cast %scan3A_244 : i32 to index
      %get3A_299 = arith.constant 32 : index
      %get3A_300 = tpu.vector_load %arg5[%get3A_298, %get3A_299] {strides = array<i32>} : memref<20x64xi32, #tpu.memory_space<vmem>>, vector<16xi32>,
      %shift_right_logical3A_301 = arith.constant 8 : i32
      %shift_right_logical3A_302 = vector.broadcast %shift_right_logical3A_301 : i32 to vector<16xi32>
      %shift_right_logical3A_303 = arith.shrui %get3A_300, %shift_right_logical3A_302 : vector<16xi32>
      %shift_right_logical3A_304 = arith.constant 15 : i32
      %shift_right_logical3A_305 = vector.broadcast %shift_right_logical3A_304 : i32 to vector<16xi32>
      %shift_right_logical3A_306 = arith.shrui %get3A_300, %shift_right_logical3A_305 : vector<16xi32>
      %and3A_307 = arith.constant 127 : i32
      %and3A_308 = vector.broadcast %and3A_307 : i32 to vector<16xi32>
      %and3A_309 = arith.andi %shift_right_logical3A_303, %and3A_308 : vector<16xi32>
      %and3A_310 = arith.constant 255 : i32
      %and3A_311 = vector.broadcast %and3A_310 : i32 to vector<16xi32>
      %and3A_312 = arith.andi %get3A_300, %and3A_311 : vector<16xi32>
      %gather3A_313 = tpu.vector_load_idx %arg7[%and3A_309, %and3A_312] : memref<128x256xf32, #tpu.memory_space<vmem>>[vector<16xi32>, vector<16xi32>], vector<16xf32>,
      %eq3A_314 = arith.constant 1 : i32
      %eq3A_315 = vector.broadcast %eq3A_314 : i32 to vector<16xi32>
      %eq3A_316 = arith.cmpi eq, %shift_right_logical3A_306, %eq3A_315 : vector<16xi32>
      %jit3A_317 = arith.constant 0.000000e+00 : f32
      %broadcast_in_dim3A_318 = vector.broadcast %jit3A_317 : f32 to vector<16xf32>
      %select_n3A_319 = arith.select %eq3A_316, %gather3A_313, %broadcast_in_dim3A_318 : vector<16xi1>, vector<16xf32>
      %add3A_320 = arith.addf %add3A_295, %select_n3A_319 : vector<16xf32>
      %mul3A_321 = arith.mulf %select_n3A_319, %select_n3A_319 : vector<16xf32>
      %add3A_322 = arith.addf %add3A_297, %mul3A_321 : vector<16xf32>
      %get3A_323 = arith.index_cast %scan3A_244 : i32 to index
      %get3A_324 = arith.constant 48 : index
      %get3A_325 = tpu.vector_load %arg5[%get3A_323, %get3A_324] {strides = array<i32>} : memref<20x64xi32, #tpu.memory_space<vmem>>, vector<16xi32>,
      %shift_right_logical3A_326 = arith.constant 8 : i32
      %shift_right_logical3A_327 = vector.broadcast %shift_right_logical3A_326 : i32 to vector<16xi32>
      %shift_right_logical3A_328 = arith.shrui %get3A_325, %shift_right_logical3A_327 : vector<16xi32>
      %shift_right_logical3A_329 = arith.constant 15 : i32
      %shift_right_logical3A_330 = vector.broadcast %shift_right_logical3A_329 : i32 to vector<16xi32>
      %shift_right_logical3A_331 = arith.shrui %get3A_325, %shift_right_logical3A_330 : vector<16xi32>
      %and3A_332 = arith.constant 127 : i32
      %and3A_333 = vector.broadcast %and3A_332 : i32 to vector<16xi32>
      %and3A_334 = arith.andi %shift_right_logical3A_328, %and3A_333 : vector<16xi32>
      %and3A_335 = arith.constant 255 : i32
      %and3A_336 = vector.broadcast %and3A_335 : i32 to vector<16xi32>
      %and3A_337 = arith.andi %get3A_325, %and3A_336 : vector<16xi32>
      %gather3A_338 = tpu.vector_load_idx %arg7[%and3A_334, %and3A_337] : memref<128x256xf32, #tpu.memory_space<vmem>>[vector<16xi32>, vector<16xi32>], vector<16xf32>,
      %eq3A_339 = arith.constant 1 : i32
      %eq3A_340 = vector.broadcast %eq3A_339 : i32 to vector<16xi32>
      %eq3A_341 = arith.cmpi eq, %shift_right_logical3A_331, %eq3A_340 : vector<16xi32>
      %jit3A_342 = arith.constant 0.000000e+00 : f32
      %broadcast_in_dim3A_343 = vector.broadcast %jit3A_342 : f32 to vector<16xf32>
      %select_n3A_344 = arith.select %eq3A_341, %gather3A_338, %broadcast_in_dim3A_343 : vector<16xi1>, vector<16xf32>
      %add3A_345 = arith.addf %add3A_320, %select_n3A_344 : vector<16xf32>
      %mul3A_346 = arith.mulf %select_n3A_344, %select_n3A_344 : vector<16xf32>
      %add3A_347 = arith.addf %add3A_322, %mul3A_346 : vector<16xf32>
      %mul3A_348 = arith.constant 16 : i32
      %mul3A_349 = arith.muli %scan3A_244, %mul3A_348 : i32
      %get3A_350 = arith.index_cast %mul3A_349 : i32 to index
      %get3A_351 = tpu.vector_load %arg9[%get3A_350] {strides = array<i32>} : memref<320xf32, #tpu.memory_space<vmem>>, vector<16xf32>,
      %add3A_352 = arith.addf %get3A_351, %add3A_345 : vector<16xf32>
      %reduce_sum3A_353 = arith.constant true
      %reduce_sum3A_354 = vector.broadcast %reduce_sum3A_353 : i1 to vector<16xi1>
      %reduce_sum3A_355 = tpu.scan <sum>, %add3A_352 masked %reduce_sum3A_354 : vector<16xf32>, vector<16xi1> -> vector<16xf32>
      %reduce_sum3A_356 = vector.extract %reduce_sum3A_355[15] : f32 from vector<16xf32>
      %mul3A_357 = arith.mulf %reduce_sum3A_356, %reduce_sum3A_356 : f32
      %add3A_358 = arith.addf %scan3A_248, %mul3A_357 : f32
      %eq3A_359 = vector.broadcast %scan3A_244 : i32 to vector<16xi32>
      %eq3A_360 = arith.cmpi eq, %iota3A, %eq3A_359 : vector<16xi32>
      %jit3A_361 = arith.constant 0.000000e+00 : f32
      %broadcast_in_dim3A_362 = vector.broadcast %reduce_sum3A_356 : f32 to vector<16xf32>
      %broadcast_in_dim3A_363 = vector.broadcast %jit3A_361 : f32 to vector<16xf32>
      %select_n3A_364 = arith.select %eq3A_360, %broadcast_in_dim3A_362, %broadcast_in_dim3A_363 : vector<16xi1>, vector<16xf32>
      %add3A_365 = arith.addf %scan3A_246, %select_n3A_364 : vector<16xf32>
      %sub3A_366 = arith.constant 16 : i32
      %sub3A_367 = arith.subi %scan3A_244, %sub3A_366 : i32
      %eq3A_368 = vector.broadcast %sub3A_367 : i32 to vector<16xi32>
      %eq3A_369 = arith.cmpi eq, %iota3A, %eq3A_368 : vector<16xi32>
      %jit3A_370 = arith.constant 0.000000e+00 : f32
      %broadcast_in_dim3A_371 = vector.broadcast %reduce_sum3A_356 : f32 to vector<16xf32>
      %broadcast_in_dim3A_372 = vector.broadcast %jit3A_370 : f32 to vector<16xf32>
      %select_n3A_373 = arith.select %eq3A_369, %broadcast_in_dim3A_371, %broadcast_in_dim3A_372 : vector<16xi1>, vector<16xf32>
      %add3A_374 = arith.addf %scan3A_247, %select_n3A_373 : vector<16xf32>
      scf.yield %add3A_347, %add3A_365, %add3A_374, %add3A_358 : vector<16xf32>, vector<16xf32>, vector<16xf32>, f32
    }
    %scan3A_108 = arith.constant 20 : i32
    %mul3A_109 = arith.constant 16 : i32
    %mul3A_110 = arith.muli %select_n3A, %mul3A_109 : i32
    %add3A_111 = arith.addi %mul3A_110, %mul3A_32 : i32
    %add3A_112 = arith.constant 2 : i32
    %add3A_113 = arith.addi %add3A_111, %add3A_112 : i32
    %mul3A_114 = arith.constant 256 : i32
    %mul3A_115 = arith.muli %add3A_113, %mul3A_114 : i32
    %add3A_116 = arith.constant 0 : i32
    %add3A_117 = arith.addi %mul3A_115, %add3A_116 : i32
    %dma_start3A_118 = arith.constant 0 : i32
    %dma_start3A_119 = tpu.memref_slice %arg2[%add3A_117, %dma_start3A_118] : memref<32768x256xf32, #tpu.memory_space<hbm>> -> memref<128x256xf32, #tpu.memory_space<hbm>>
    %dma_start3A_120 = arith.constant 0 : i32
    %dma_start3A_121 = tpu.memref_slice %arg2[%add3A_117, %dma_start3A_120] : memref<32768x256xf32, #tpu.memory_space<hbm>> -> memref<128x256xf32, #tpu.memory_space<hbm>>
    tpu.enqueue_dma source(%dma_start3A_121 : memref<128x256xf32, #tpu.memory_space<hbm>>) target(%arg7 : memref<128x256xf32, #tpu.memory_space<vmem>>) target_semaphore(%arg12 : memref<!tpu.dma_semaphore, #tpu.memory_space<semaphore_mem>>)
    %dma_wait3A_122 = arith.constant 0 : i32
    %dma_wait3A_123 = tpu.memref_slice %arg2[%add3A_66, %dma_wait3A_122] : memref<32768x256xf32, #tpu.memory_space<hbm>> -> memref<128x256xf32, #tpu.memory_space<hbm>>
    %dma_wait3A_124 = arith.constant 0 : i32
    %dma_wait3A_125 = tpu.memref_slice %arg2[%add3A_66, %dma_wait3A_124] : memref<32768x256xf32, #tpu.memory_space<hbm>> -> memref<128x256xf32, #tpu.memory_space<hbm>>
    tpu.wait_dma2 semaphore(%arg13 : memref<!tpu.dma_semaphore, #tpu.memory_space<semaphore_mem>>) src(%dma_wait3A_125 : memref<128x256xf32, #tpu.memory_space<hbm>>) dst(%arg8 : memref<128x256xf32, #tpu.memory_space<vmem>>)
    %scan3A_126 = arith.constant 0 : i32
    %scan3A_127 = arith.constant 20 : i32
    %scan3A_128 = arith.addi %scan3A_126, %scan3A_127 : i32
    %scan3A_129 = arith.constant 1 : i32
    %scan3A_130 = scf.for %scan3A_244 = %scan3A_126 to %scan3A_128 step %scan3A_129 iter_args(%scan3A_245 = %scan3A_107#0) -> (vector<16xf32>)  : i32 {
      %broadcast_in_dim3A_246 = arith.constant 0.000000e+00 : f32
      %broadcast_in_dim3A_247 = vector.broadcast %broadcast_in_dim3A_246 : f32 to vector<16xf32>
      %get3A = arith.index_cast %scan3A_244 : i32 to index
      %get3A_248 = arith.constant 0 : index
      %get3A_249 = tpu.vector_load %arg5[%get3A, %get3A_248] {strides = array<i32>} : memref<20x64xi32, #tpu.memory_space<vmem>>, vector<16xi32>,
      %shift_right_logical3A = arith.constant 8 : i32
      %shift_right_logical3A_250 = vector.broadcast %shift_right_logical3A : i32 to vector<16xi32>
      %shift_right_logical3A_251 = arith.shrui %get3A_249, %shift_right_logical3A_250 : vector<16xi32>
      %shift_right_logical3A_252 = arith.constant 15 : i32
      %shift_right_logical3A_253 = vector.broadcast %shift_right_logical3A_252 : i32 to vector<16xi32>
      %shift_right_logical3A_254 = arith.shrui %get3A_249, %shift_right_logical3A_253 : vector<16xi32>
      %and3A_255 = arith.constant 127 : i32
      %and3A_256 = vector.broadcast %and3A_255 : i32 to vector<16xi32>
      %and3A_257 = arith.andi %shift_right_logical3A_251, %and3A_256 : vector<16xi32>
      %and3A_258 = arith.constant 255 : i32
      %and3A_259 = vector.broadcast %and3A_258 : i32 to vector<16xi32>
      %and3A_260 = arith.andi %get3A_249, %and3A_259 : vector<16xi32>
      %gather3A = tpu.vector_load_idx %arg8[%and3A_257, %and3A_260] : memref<128x256xf32, #tpu.memory_space<vmem>>[vector<16xi32>, vector<16xi32>], vector<16xf32>,
      %eq3A_261 = arith.constant 0 : i32
      %eq3A_262 = vector.broadcast %eq3A_261 : i32 to vector<16xi32>
      %eq3A_263 = arith.cmpi eq, %shift_right_logical3A_254, %eq3A_262 : vector<16xi32>
      %jit3A_264 = arith.constant 0.000000e+00 : f32
      %broadcast_in_dim3A_265 = vector.broadcast %jit3A_264 : f32 to vector<16xf32>
      %select_n3A_266 = arith.select %eq3A_263, %gather3A, %broadcast_in_dim3A_265 : vector<16xi1>, vector<16xf32>
      %add3A_267 = arith.addf %broadcast_in_dim3A_247, %select_n3A_266 : vector<16xf32>
      %mul3A_268 = arith.mulf %select_n3A_266, %select_n3A_266 : vector<16xf32>
      %add3A_269 = arith.addf %scan3A_245, %mul3A_268 : vector<16xf32>
      %get3A_270 = arith.index_cast %scan3A_244 : i32 to index
      %get3A_271 = arith.constant 16 : index
      %get3A_272 = tpu.vector_load %arg5[%get3A_270, %get3A_271] {strides = array<i32>} : memref<20x64xi32, #tpu.memory_space<vmem>>, vector<16xi32>,
      %shift_right_logical3A_273 = arith.constant 8 : i32
      %shift_right_logical3A_274 = vector.broadcast %shift_right_logical3A_273 : i32 to vector<16xi32>
      %shift_right_logical3A_275 = arith.shrui %get3A_272, %shift_right_logical3A_274 : vector<16xi32>
      %shift_right_logical3A_276 = arith.constant 15 : i32
      %shift_right_logical3A_277 = vector.broadcast %shift_right_logical3A_276 : i32 to vector<16xi32>
      %shift_right_logical3A_278 = arith.shrui %get3A_272, %shift_right_logical3A_277 : vector<16xi32>
      %and3A_279 = arith.constant 127 : i32
      %and3A_280 = vector.broadcast %and3A_279 : i32 to vector<16xi32>
      %and3A_281 = arith.andi %shift_right_logical3A_275, %and3A_280 : vector<16xi32>
      %and3A_282 = arith.constant 255 : i32
      %and3A_283 = vector.broadcast %and3A_282 : i32 to vector<16xi32>
      %and3A_284 = arith.andi %get3A_272, %and3A_283 : vector<16xi32>
      %gather3A_285 = tpu.vector_load_idx %arg8[%and3A_281, %and3A_284] : memref<128x256xf32, #tpu.memory_space<vmem>>[vector<16xi32>, vector<16xi32>], vector<16xf32>,
      %eq3A_286 = arith.constant 0 : i32
      %eq3A_287 = vector.broadcast %eq3A_286 : i32 to vector<16xi32>
      %eq3A_288 = arith.cmpi eq, %shift_right_logical3A_278, %eq3A_287 : vector<16xi32>
      %jit3A_289 = arith.constant 0.000000e+00 : f32
      %broadcast_in_dim3A_290 = vector.broadcast %jit3A_289 : f32 to vector<16xf32>
      %select_n3A_291 = arith.select %eq3A_288, %gather3A_285, %broadcast_in_dim3A_290 : vector<16xi1>, vector<16xf32>
      %add3A_292 = arith.addf %add3A_267, %select_n3A_291 : vector<16xf32>
      %mul3A_293 = arith.mulf %select_n3A_291, %select_n3A_291 : vector<16xf32>
      %add3A_294 = arith.addf %add3A_269, %mul3A_293 : vector<16xf32>
      %get3A_295 = arith.index_cast %scan3A_244 : i32 to index
      %get3A_296 = arith.constant 32 : index
      %get3A_297 = tpu.vector_load %arg5[%get3A_295, %get3A_296] {strides = array<i32>} : memref<20x64xi32, #tpu.memory_space<vmem>>, vector<16xi32>,
      %shift_right_logical3A_298 = arith.constant 8 : i32
      %shift_right_logical3A_299 = vector.broadcast %shift_right_logical3A_298 : i32 to vector<16xi32>
      %shift_right_logical3A_300 = arith.shrui %get3A_297, %shift_right_logical3A_299 : vector<16xi32>
      %shift_right_logical3A_301 = arith.constant 15 : i32
      %shift_right_logical3A_302 = vector.broadcast %shift_right_logical3A_301 : i32 to vector<16xi32>
      %shift_right_logical3A_303 = arith.shrui %get3A_297, %shift_right_logical3A_302 : vector<16xi32>
      %and3A_304 = arith.constant 127 : i32
      %and3A_305 = vector.broadcast %and3A_304 : i32 to vector<16xi32>
      %and3A_306 = arith.andi %shift_right_logical3A_300, %and3A_305 : vector<16xi32>
      %and3A_307 = arith.constant 255 : i32
      %and3A_308 = vector.broadcast %and3A_307 : i32 to vector<16xi32>
      %and3A_309 = arith.andi %get3A_297, %and3A_308 : vector<16xi32>
      %gather3A_310 = tpu.vector_load_idx %arg8[%and3A_306, %and3A_309] : memref<128x256xf32, #tpu.memory_space<vmem>>[vector<16xi32>, vector<16xi32>], vector<16xf32>,
      %eq3A_311 = arith.constant 0 : i32
      %eq3A_312 = vector.broadcast %eq3A_311 : i32 to vector<16xi32>
      %eq3A_313 = arith.cmpi eq, %shift_right_logical3A_303, %eq3A_312 : vector<16xi32>
      %jit3A_314 = arith.constant 0.000000e+00 : f32
      %broadcast_in_dim3A_315 = vector.broadcast %jit3A_314 : f32 to vector<16xf32>
      %select_n3A_316 = arith.select %eq3A_313, %gather3A_310, %broadcast_in_dim3A_315 : vector<16xi1>, vector<16xf32>
      %add3A_317 = arith.addf %add3A_292, %select_n3A_316 : vector<16xf32>
      %mul3A_318 = arith.mulf %select_n3A_316, %select_n3A_316 : vector<16xf32>
      %add3A_319 = arith.addf %add3A_294, %mul3A_318 : vector<16xf32>
      %get3A_320 = arith.index_cast %scan3A_244 : i32 to index
      %get3A_321 = arith.constant 48 : index
      %get3A_322 = tpu.vector_load %arg5[%get3A_320, %get3A_321] {strides = array<i32>} : memref<20x64xi32, #tpu.memory_space<vmem>>, vector<16xi32>,
      %shift_right_logical3A_323 = arith.constant 8 : i32
      %shift_right_logical3A_324 = vector.broadcast %shift_right_logical3A_323 : i32 to vector<16xi32>
      %shift_right_logical3A_325 = arith.shrui %get3A_322, %shift_right_logical3A_324 : vector<16xi32>
      %shift_right_logical3A_326 = arith.constant 15 : i32
      %shift_right_logical3A_327 = vector.broadcast %shift_right_logical3A_326 : i32 to vector<16xi32>
      %shift_right_logical3A_328 = arith.shrui %get3A_322, %shift_right_logical3A_327 : vector<16xi32>
      %and3A_329 = arith.constant 127 : i32
      %and3A_330 = vector.broadcast %and3A_329 : i32 to vector<16xi32>
      %and3A_331 = arith.andi %shift_right_logical3A_325, %and3A_330 : vector<16xi32>
      %and3A_332 = arith.constant 255 : i32
      %and3A_333 = vector.broadcast %and3A_332 : i32 to vector<16xi32>
      %and3A_334 = arith.andi %get3A_322, %and3A_333 : vector<16xi32>
      %gather3A_335 = tpu.vector_load_idx %arg8[%and3A_331, %and3A_334] : memref<128x256xf32, #tpu.memory_space<vmem>>[vector<16xi32>, vector<16xi32>], vector<16xf32>,
      %eq3A_336 = arith.constant 0 : i32
      %eq3A_337 = vector.broadcast %eq3A_336 : i32 to vector<16xi32>
      %eq3A_338 = arith.cmpi eq, %shift_right_logical3A_328, %eq3A_337 : vector<16xi32>
      %jit3A_339 = arith.constant 0.000000e+00 : f32
      %broadcast_in_dim3A_340 = vector.broadcast %jit3A_339 : f32 to vector<16xf32>
      %select_n3A_341 = arith.select %eq3A_338, %gather3A_335, %broadcast_in_dim3A_340 : vector<16xi1>, vector<16xf32>
      %add3A_342 = arith.addf %add3A_317, %select_n3A_341 : vector<16xf32>
      %mul3A_343 = arith.mulf %select_n3A_341, %select_n3A_341 : vector<16xf32>
      %add3A_344 = arith.addf %add3A_319, %mul3A_343 : vector<16xf32>
      %mul3A_345 = arith.constant 16 : i32
      %mul3A_346 = arith.muli %scan3A_244, %mul3A_345 : i32
      %swap3A_347 = arith.index_cast %mul3A_346 : i32 to index
      %swap3A_348 = tpu.vector_load %arg9[%swap3A_347] {strides = array<i32>} : memref<320xf32, #tpu.memory_space<vmem>>, vector<16xf32>,
      tpu.vector_store %arg9[%swap3A_347], %add3A_342 {strides = array<i32>} : memref<320xf32, #tpu.memory_space<vmem>>, vector<16xf32>,
      scf.yield %add3A_344 : vector<16xf32>
    }
    %scan3A_131 = arith.constant 20 : i32
    %mul3A_132 = arith.constant 16 : i32
    %mul3A_133 = arith.muli %select_n3A, %mul3A_132 : i32
    %add3A_134 = arith.addi %mul3A_133, %mul3A_32 : i32
    %add3A_135 = arith.constant 2 : i32
    %add3A_136 = arith.addi %add3A_134, %add3A_135 : i32
    %mul3A_137 = arith.constant 256 : i32
    %mul3A_138 = arith.muli %add3A_136, %mul3A_137 : i32
    %add3A_139 = arith.constant 128 : i32
    %add3A_140 = arith.addi %mul3A_138, %add3A_139 : i32
    %dma_start3A_141 = arith.constant 0 : i32
    %dma_start3A_142 = tpu.memref_slice %arg2[%add3A_140, %dma_start3A_141] : memref<32768x256xf32, #tpu.memory_space<hbm>> -> memref<128x256xf32, #tpu.memory_space<hbm>>
    %dma_start3A_143 = arith.constant 0 : i32
    %dma_start3A_144 = tpu.memref_slice %arg2[%add3A_140, %dma_start3A_143] : memref<32768x256xf32, #tpu.memory_space<hbm>> -> memref<128x256xf32, #tpu.memory_space<hbm>>
    tpu.enqueue_dma source(%dma_start3A_144 : memref<128x256xf32, #tpu.memory_space<hbm>>) target(%arg8 : memref<128x256xf32, #tpu.memory_space<vmem>>) target_semaphore(%arg13 : memref<!tpu.dma_semaphore, #tpu.memory_space<semaphore_mem>>)
    %dma_wait3A_145 = arith.constant 0 : i32
    %dma_wait3A_146 = tpu.memref_slice %arg2[%add3A_93, %dma_wait3A_145] : memref<32768x256xf32, #tpu.memory_space<hbm>> -> memref<128x256xf32, #tpu.memory_space<hbm>>
    %dma_wait3A_147 = arith.constant 0 : i32
    %dma_wait3A_148 = tpu.memref_slice %arg2[%add3A_93, %dma_wait3A_147] : memref<32768x256xf32, #tpu.memory_space<hbm>> -> memref<128x256xf32, #tpu.memory_space<hbm>>
    tpu.wait_dma2 semaphore(%arg11 : memref<!tpu.dma_semaphore, #tpu.memory_space<semaphore_mem>>) src(%dma_wait3A_148 : memref<128x256xf32, #tpu.memory_space<hbm>>) dst(%arg6 : memref<128x256xf32, #tpu.memory_space<vmem>>)
    %scan3A_149 = arith.constant 0 : i32
    %scan3A_150 = arith.constant 20 : i32
    %scan3A_151 = arith.addi %scan3A_149, %scan3A_150 : i32
    %scan3A_152 = arith.constant 1 : i32
    %scan3A_153:4 = scf.for %scan3A_244 = %scan3A_149 to %scan3A_151 step %scan3A_152 iter_args(%scan3A_245 = %scan3A_130, %scan3A_246 = %scan3A_107#1, %scan3A_247 = %scan3A_107#2, %scan3A_248 = %scan3A_107#3) -> (vector<16xf32>, vector<16xf32>, vector<16xf32>, f32)  : i32 {
      %broadcast_in_dim3A_249 = arith.constant 0.000000e+00 : f32
      %broadcast_in_dim3A_250 = vector.broadcast %broadcast_in_dim3A_249 : f32 to vector<16xf32>
      %get3A = arith.index_cast %scan3A_244 : i32 to index
      %get3A_251 = arith.constant 0 : index
      %get3A_252 = tpu.vector_load %arg5[%get3A, %get3A_251] {strides = array<i32>} : memref<20x64xi32, #tpu.memory_space<vmem>>, vector<16xi32>,
      %shift_right_logical3A = arith.constant 8 : i32
      %shift_right_logical3A_253 = vector.broadcast %shift_right_logical3A : i32 to vector<16xi32>
      %shift_right_logical3A_254 = arith.shrui %get3A_252, %shift_right_logical3A_253 : vector<16xi32>
      %shift_right_logical3A_255 = arith.constant 15 : i32
      %shift_right_logical3A_256 = vector.broadcast %shift_right_logical3A_255 : i32 to vector<16xi32>
      %shift_right_logical3A_257 = arith.shrui %get3A_252, %shift_right_logical3A_256 : vector<16xi32>
      %and3A_258 = arith.constant 127 : i32
      %and3A_259 = vector.broadcast %and3A_258 : i32 to vector<16xi32>
      %and3A_260 = arith.andi %shift_right_logical3A_254, %and3A_259 : vector<16xi32>
      %and3A_261 = arith.constant 255 : i32
      %and3A_262 = vector.broadcast %and3A_261 : i32 to vector<16xi32>
      %and3A_263 = arith.andi %get3A_252, %and3A_262 : vector<16xi32>
      %gather3A = tpu.vector_load_idx %arg6[%and3A_260, %and3A_263] : memref<128x256xf32, #tpu.memory_space<vmem>>[vector<16xi32>, vector<16xi32>], vector<16xf32>,
      %eq3A_264 = arith.constant 1 : i32
      %eq3A_265 = vector.broadcast %eq3A_264 : i32 to vector<16xi32>
      %eq3A_266 = arith.cmpi eq, %shift_right_logical3A_257, %eq3A_265 : vector<16xi32>
      %jit3A_267 = arith.constant 0.000000e+00 : f32
      %broadcast_in_dim3A_268 = vector.broadcast %jit3A_267 : f32 to vector<16xf32>
      %select_n3A_269 = arith.select %eq3A_266, %gather3A, %broadcast_in_dim3A_268 : vector<16xi1>, vector<16xf32>
      %add3A_270 = arith.addf %broadcast_in_dim3A_250, %select_n3A_269 : vector<16xf32>
      %mul3A_271 = arith.mulf %select_n3A_269, %select_n3A_269 : vector<16xf32>
      %add3A_272 = arith.addf %scan3A_245, %mul3A_271 : vector<16xf32>
      %get3A_273 = arith.index_cast %scan3A_244 : i32 to index
      %get3A_274 = arith.constant 16 : index
      %get3A_275 = tpu.vector_load %arg5[%get3A_273, %get3A_274] {strides = array<i32>} : memref<20x64xi32, #tpu.memory_space<vmem>>, vector<16xi32>,
      %shift_right_logical3A_276 = arith.constant 8 : i32
      %shift_right_logical3A_277 = vector.broadcast %shift_right_logical3A_276 : i32 to vector<16xi32>
      %shift_right_logical3A_278 = arith.shrui %get3A_275, %shift_right_logical3A_277 : vector<16xi32>
      %shift_right_logical3A_279 = arith.constant 15 : i32
      %shift_right_logical3A_280 = vector.broadcast %shift_right_logical3A_279 : i32 to vector<16xi32>
      %shift_right_logical3A_281 = arith.shrui %get3A_275, %shift_right_logical3A_280 : vector<16xi32>
      %and3A_282 = arith.constant 127 : i32
      %and3A_283 = vector.broadcast %and3A_282 : i32 to vector<16xi32>
      %and3A_284 = arith.andi %shift_right_logical3A_278, %and3A_283 : vector<16xi32>
      %and3A_285 = arith.constant 255 : i32
      %and3A_286 = vector.broadcast %and3A_285 : i32 to vector<16xi32>
      %and3A_287 = arith.andi %get3A_275, %and3A_286 : vector<16xi32>
      %gather3A_288 = tpu.vector_load_idx %arg6[%and3A_284, %and3A_287] : memref<128x256xf32, #tpu.memory_space<vmem>>[vector<16xi32>, vector<16xi32>], vector<16xf32>,
      %eq3A_289 = arith.constant 1 : i32
      %eq3A_290 = vector.broadcast %eq3A_289 : i32 to vector<16xi32>
      %eq3A_291 = arith.cmpi eq, %shift_right_logical3A_281, %eq3A_290 : vector<16xi32>
      %jit3A_292 = arith.constant 0.000000e+00 : f32
      %broadcast_in_dim3A_293 = vector.broadcast %jit3A_292 : f32 to vector<16xf32>
      %select_n3A_294 = arith.select %eq3A_291, %gather3A_288, %broadcast_in_dim3A_293 : vector<16xi1>, vector<16xf32>
      %add3A_295 = arith.addf %add3A_270, %select_n3A_294 : vector<16xf32>
      %mul3A_296 = arith.mulf %select_n3A_294, %select_n3A_294 : vector<16xf32>
      %add3A_297 = arith.addf %add3A_272, %mul3A_296 : vector<16xf32>
      %get3A_298 = arith.index_cast %scan3A_244 : i32 to index
      %get3A_299 = arith.constant 32 : index
      %get3A_300 = tpu.vector_load %arg5[%get3A_298, %get3A_299] {strides = array<i32>} : memref<20x64xi32, #tpu.memory_space<vmem>>, vector<16xi32>,
      %shift_right_logical3A_301 = arith.constant 8 : i32
      %shift_right_logical3A_302 = vector.broadcast %shift_right_logical3A_301 : i32 to vector<16xi32>
      %shift_right_logical3A_303 = arith.shrui %get3A_300, %shift_right_logical3A_302 : vector<16xi32>
      %shift_right_logical3A_304 = arith.constant 15 : i32
      %shift_right_logical3A_305 = vector.broadcast %shift_right_logical3A_304 : i32 to vector<16xi32>
      %shift_right_logical3A_306 = arith.shrui %get3A_300, %shift_right_logical3A_305 : vector<16xi32>
      %and3A_307 = arith.constant 127 : i32
      %and3A_308 = vector.broadcast %and3A_307 : i32 to vector<16xi32>
      %and3A_309 = arith.andi %shift_right_logical3A_303, %and3A_308 : vector<16xi32>
      %and3A_310 = arith.constant 255 : i32
      %and3A_311 = vector.broadcast %and3A_310 : i32 to vector<16xi32>
      %and3A_312 = arith.andi %get3A_300, %and3A_311 : vector<16xi32>
      %gather3A_313 = tpu.vector_load_idx %arg6[%and3A_309, %and3A_312] : memref<128x256xf32, #tpu.memory_space<vmem>>[vector<16xi32>, vector<16xi32>], vector<16xf32>,
      %eq3A_314 = arith.constant 1 : i32
      %eq3A_315 = vector.broadcast %eq3A_314 : i32 to vector<16xi32>
      %eq3A_316 = arith.cmpi eq, %shift_right_logical3A_306, %eq3A_315 : vector<16xi32>
      %jit3A_317 = arith.constant 0.000000e+00 : f32
      %broadcast_in_dim3A_318 = vector.broadcast %jit3A_317 : f32 to vector<16xf32>
      %select_n3A_319 = arith.select %eq3A_316, %gather3A_313, %broadcast_in_dim3A_318 : vector<16xi1>, vector<16xf32>
      %add3A_320 = arith.addf %add3A_295, %select_n3A_319 : vector<16xf32>
      %mul3A_321 = arith.mulf %select_n3A_319, %select_n3A_319 : vector<16xf32>
      %add3A_322 = arith.addf %add3A_297, %mul3A_321 : vector<16xf32>
      %get3A_323 = arith.index_cast %scan3A_244 : i32 to index
      %get3A_324 = arith.constant 48 : index
      %get3A_325 = tpu.vector_load %arg5[%get3A_323, %get3A_324] {strides = array<i32>} : memref<20x64xi32, #tpu.memory_space<vmem>>, vector<16xi32>,
      %shift_right_logical3A_326 = arith.constant 8 : i32
      %shift_right_logical3A_327 = vector.broadcast %shift_right_logical3A_326 : i32 to vector<16xi32>
      %shift_right_logical3A_328 = arith.shrui %get3A_325, %shift_right_logical3A_327 : vector<16xi32>
      %shift_right_logical3A_329 = arith.constant 15 : i32
      %shift_right_logical3A_330 = vector.broadcast %shift_right_logical3A_329 : i32 to vector<16xi32>
      %shift_right_logical3A_331 = arith.shrui %get3A_325, %shift_right_logical3A_330 : vector<16xi32>
      %and3A_332 = arith.constant 127 : i32
      %and3A_333 = vector.broadcast %and3A_332 : i32 to vector<16xi32>
      %and3A_334 = arith.andi %shift_right_logical3A_328, %and3A_333 : vector<16xi32>
      %and3A_335 = arith.constant 255 : i32
      %and3A_336 = vector.broadcast %and3A_335 : i32 to vector<16xi32>
      %and3A_337 = arith.andi %get3A_325, %and3A_336 : vector<16xi32>
      %gather3A_338 = tpu.vector_load_idx %arg6[%and3A_334, %and3A_337] : memref<128x256xf32, #tpu.memory_space<vmem>>[vector<16xi32>, vector<16xi32>], vector<16xf32>,
      %eq3A_339 = arith.constant 1 : i32
      %eq3A_340 = vector.broadcast %eq3A_339 : i32 to vector<16xi32>
      %eq3A_341 = arith.cmpi eq, %shift_right_logical3A_331, %eq3A_340 : vector<16xi32>
      %jit3A_342 = arith.constant 0.000000e+00 : f32
      %broadcast_in_dim3A_343 = vector.broadcast %jit3A_342 : f32 to vector<16xf32>
      %select_n3A_344 = arith.select %eq3A_341, %gather3A_338, %broadcast_in_dim3A_343 : vector<16xi1>, vector<16xf32>
      %add3A_345 = arith.addf %add3A_320, %select_n3A_344 : vector<16xf32>
      %mul3A_346 = arith.mulf %select_n3A_344, %select_n3A_344 : vector<16xf32>
      %add3A_347 = arith.addf %add3A_322, %mul3A_346 : vector<16xf32>
      %mul3A_348 = arith.constant 16 : i32
      %mul3A_349 = arith.muli %scan3A_244, %mul3A_348 : i32
      %get3A_350 = arith.index_cast %mul3A_349 : i32 to index
      %get3A_351 = tpu.vector_load %arg9[%get3A_350] {strides = array<i32>} : memref<320xf32, #tpu.memory_space<vmem>>, vector<16xf32>,
      %add3A_352 = arith.addf %get3A_351, %add3A_345 : vector<16xf32>
      %reduce_sum3A_353 = arith.constant true
      %reduce_sum3A_354 = vector.broadcast %reduce_sum3A_353 : i1 to vector<16xi1>
      %reduce_sum3A_355 = tpu.scan <sum>, %add3A_352 masked %reduce_sum3A_354 : vector<16xf32>, vector<16xi1> -> vector<16xf32>
      %reduce_sum3A_356 = vector.extract %reduce_sum3A_355[15] : f32 from vector<16xf32>
      %mul3A_357 = arith.mulf %reduce_sum3A_356, %reduce_sum3A_356 : f32
      %add3A_358 = arith.addf %scan3A_248, %mul3A_357 : f32
      %eq3A_359 = vector.broadcast %scan3A_244 : i32 to vector<16xi32>
      %eq3A_360 = arith.cmpi eq, %iota3A, %eq3A_359 : vector<16xi32>
      %jit3A_361 = arith.constant 0.000000e+00 : f32
      %broadcast_in_dim3A_362 = vector.broadcast %reduce_sum3A_356 : f32 to vector<16xf32>
      %broadcast_in_dim3A_363 = vector.broadcast %jit3A_361 : f32 to vector<16xf32>
      %select_n3A_364 = arith.select %eq3A_360, %broadcast_in_dim3A_362, %broadcast_in_dim3A_363 : vector<16xi1>, vector<16xf32>
      %add3A_365 = arith.addf %scan3A_246, %select_n3A_364 : vector<16xf32>
      %sub3A_366 = arith.constant 16 : i32
      %sub3A_367 = arith.subi %scan3A_244, %sub3A_366 : i32
      %eq3A_368 = vector.broadcast %sub3A_367 : i32 to vector<16xi32>
      %eq3A_369 = arith.cmpi eq, %iota3A, %eq3A_368 : vector<16xi32>
      %jit3A_370 = arith.constant 0.000000e+00 : f32
      %broadcast_in_dim3A_371 = vector.broadcast %reduce_sum3A_356 : f32 to vector<16xf32>
      %broadcast_in_dim3A_372 = vector.broadcast %jit3A_370 : f32 to vector<16xf32>
      %select_n3A_373 = arith.select %eq3A_369, %broadcast_in_dim3A_371, %broadcast_in_dim3A_372 : vector<16xi1>, vector<16xf32>
      %add3A_374 = arith.addf %scan3A_247, %select_n3A_373 : vector<16xf32>
      scf.yield %add3A_347, %add3A_365, %add3A_374, %add3A_358 : vector<16xf32>, vector<16xf32>, vector<16xf32>, f32
    }
    %scan3A_154 = arith.constant 20 : i32
    %mul3A_155 = arith.constant 16 : i32
    %mul3A_156 = arith.muli %select_n3A, %mul3A_155 : i32
    %add3A_157 = arith.addi %mul3A_156, %mul3A_32 : i32
    %add3A_158 = arith.constant 3 : i32
    %add3A_159 = arith.addi %add3A_157, %add3A_158 : i32
    %mul3A_160 = arith.constant 256 : i32
    %mul3A_161 = arith.muli %add3A_159, %mul3A_160 : i32
    %add3A_162 = arith.constant 0 : i32
    %add3A_163 = arith.addi %mul3A_161, %add3A_162 : i32
    %dma_start3A_164 = arith.constant 0 : i32
    %dma_start3A_165 = tpu.memref_slice %arg2[%add3A_163, %dma_start3A_164] : memref<32768x256xf32, #tpu.memory_space<hbm>> -> memref<128x256xf32, #tpu.memory_space<hbm>>
    %dma_start3A_166 = arith.constant 0 : i32
    %dma_start3A_167 = tpu.memref_slice %arg2[%add3A_163, %dma_start3A_166] : memref<32768x256xf32, #tpu.memory_space<hbm>> -> memref<128x256xf32, #tpu.memory_space<hbm>>
    tpu.enqueue_dma source(%dma_start3A_167 : memref<128x256xf32, #tpu.memory_space<hbm>>) target(%arg6 : memref<128x256xf32, #tpu.memory_space<vmem>>) target_semaphore(%arg11 : memref<!tpu.dma_semaphore, #tpu.memory_space<semaphore_mem>>)
    %dma_wait3A_168 = arith.constant 0 : i32
    %dma_wait3A_169 = tpu.memref_slice %arg2[%add3A_117, %dma_wait3A_168] : memref<32768x256xf32, #tpu.memory_space<hbm>> -> memref<128x256xf32, #tpu.memory_space<hbm>>
    %dma_wait3A_170 = arith.constant 0 : i32
    %dma_wait3A_171 = tpu.memref_slice %arg2[%add3A_117, %dma_wait3A_170] : memref<32768x256xf32, #tpu.memory_space<hbm>> -> memref<128x256xf32, #tpu.memory_space<hbm>>
    tpu.wait_dma2 semaphore(%arg12 : memref<!tpu.dma_semaphore, #tpu.memory_space<semaphore_mem>>) src(%dma_wait3A_171 : memref<128x256xf32, #tpu.memory_space<hbm>>) dst(%arg7 : memref<128x256xf32, #tpu.memory_space<vmem>>)
    %scan3A_172 = arith.constant 0 : i32
    %scan3A_173 = arith.constant 20 : i32
    %scan3A_174 = arith.addi %scan3A_172, %scan3A_173 : i32
    %scan3A_175 = arith.constant 1 : i32
    %scan3A_176 = scf.for %scan3A_244 = %scan3A_172 to %scan3A_174 step %scan3A_175 iter_args(%scan3A_245 = %scan3A_153#0) -> (vector<16xf32>)  : i32 {
      %broadcast_in_dim3A_246 = arith.constant 0.000000e+00 : f32
      %broadcast_in_dim3A_247 = vector.broadcast %broadcast_in_dim3A_246 : f32 to vector<16xf32>
      %get3A = arith.index_cast %scan3A_244 : i32 to index
      %get3A_248 = arith.constant 0 : index
      %get3A_249 = tpu.vector_load %arg5[%get3A, %get3A_248] {strides = array<i32>} : memref<20x64xi32, #tpu.memory_space<vmem>>, vector<16xi32>,
      %shift_right_logical3A = arith.constant 8 : i32
      %shift_right_logical3A_250 = vector.broadcast %shift_right_logical3A : i32 to vector<16xi32>
      %shift_right_logical3A_251 = arith.shrui %get3A_249, %shift_right_logical3A_250 : vector<16xi32>
      %shift_right_logical3A_252 = arith.constant 15 : i32
      %shift_right_logical3A_253 = vector.broadcast %shift_right_logical3A_252 : i32 to vector<16xi32>
      %shift_right_logical3A_254 = arith.shrui %get3A_249, %shift_right_logical3A_253 : vector<16xi32>
      %and3A_255 = arith.constant 127 : i32
      %and3A_256 = vector.broadcast %and3A_255 : i32 to vector<16xi32>
      %and3A_257 = arith.andi %shift_right_logical3A_251, %and3A_256 : vector<16xi32>
      %and3A_258 = arith.constant 255 : i32
      %and3A_259 = vector.broadcast %and3A_258 : i32 to vector<16xi32>
      %and3A_260 = arith.andi %get3A_249, %and3A_259 : vector<16xi32>
      %gather3A = tpu.vector_load_idx %arg7[%and3A_257, %and3A_260] : memref<128x256xf32, #tpu.memory_space<vmem>>[vector<16xi32>, vector<16xi32>], vector<16xf32>,
      %eq3A_261 = arith.constant 0 : i32
      %eq3A_262 = vector.broadcast %eq3A_261 : i32 to vector<16xi32>
      %eq3A_263 = arith.cmpi eq, %shift_right_logical3A_254, %eq3A_262 : vector<16xi32>
      %jit3A_264 = arith.constant 0.000000e+00 : f32
      %broadcast_in_dim3A_265 = vector.broadcast %jit3A_264 : f32 to vector<16xf32>
      %select_n3A_266 = arith.select %eq3A_263, %gather3A, %broadcast_in_dim3A_265 : vector<16xi1>, vector<16xf32>
      %add3A_267 = arith.addf %broadcast_in_dim3A_247, %select_n3A_266 : vector<16xf32>
      %mul3A_268 = arith.mulf %select_n3A_266, %select_n3A_266 : vector<16xf32>
      %add3A_269 = arith.addf %scan3A_245, %mul3A_268 : vector<16xf32>
      %get3A_270 = arith.index_cast %scan3A_244 : i32 to index
      %get3A_271 = arith.constant 16 : index
      %get3A_272 = tpu.vector_load %arg5[%get3A_270, %get3A_271] {strides = array<i32>} : memref<20x64xi32, #tpu.memory_space<vmem>>, vector<16xi32>,
      %shift_right_logical3A_273 = arith.constant 8 : i32
      %shift_right_logical3A_274 = vector.broadcast %shift_right_logical3A_273 : i32 to vector<16xi32>
      %shift_right_logical3A_275 = arith.shrui %get3A_272, %shift_right_logical3A_274 : vector<16xi32>
      %shift_right_logical3A_276 = arith.constant 15 : i32
      %shift_right_logical3A_277 = vector.broadcast %shift_right_logical3A_276 : i32 to vector<16xi32>
      %shift_right_logical3A_278 = arith.shrui %get3A_272, %shift_right_logical3A_277 : vector<16xi32>
      %and3A_279 = arith.constant 127 : i32
      %and3A_280 = vector.broadcast %and3A_279 : i32 to vector<16xi32>
      %and3A_281 = arith.andi %shift_right_logical3A_275, %and3A_280 : vector<16xi32>
      %and3A_282 = arith.constant 255 : i32
      %and3A_283 = vector.broadcast %and3A_282 : i32 to vector<16xi32>
      %and3A_284 = arith.andi %get3A_272, %and3A_283 : vector<16xi32>
      %gather3A_285 = tpu.vector_load_idx %arg7[%and3A_281, %and3A_284] : memref<128x256xf32, #tpu.memory_space<vmem>>[vector<16xi32>, vector<16xi32>], vector<16xf32>,
      %eq3A_286 = arith.constant 0 : i32
      %eq3A_287 = vector.broadcast %eq3A_286 : i32 to vector<16xi32>
      %eq3A_288 = arith.cmpi eq, %shift_right_logical3A_278, %eq3A_287 : vector<16xi32>
      %jit3A_289 = arith.constant 0.000000e+00 : f32
      %broadcast_in_dim3A_290 = vector.broadcast %jit3A_289 : f32 to vector<16xf32>
      %select_n3A_291 = arith.select %eq3A_288, %gather3A_285, %broadcast_in_dim3A_290 : vector<16xi1>, vector<16xf32>
      %add3A_292 = arith.addf %add3A_267, %select_n3A_291 : vector<16xf32>
      %mul3A_293 = arith.mulf %select_n3A_291, %select_n3A_291 : vector<16xf32>
      %add3A_294 = arith.addf %add3A_269, %mul3A_293 : vector<16xf32>
      %get3A_295 = arith.index_cast %scan3A_244 : i32 to index
      %get3A_296 = arith.constant 32 : index
      %get3A_297 = tpu.vector_load %arg5[%get3A_295, %get3A_296] {strides = array<i32>} : memref<20x64xi32, #tpu.memory_space<vmem>>, vector<16xi32>,
      %shift_right_logical3A_298 = arith.constant 8 : i32
      %shift_right_logical3A_299 = vector.broadcast %shift_right_logical3A_298 : i32 to vector<16xi32>
      %shift_right_logical3A_300 = arith.shrui %get3A_297, %shift_right_logical3A_299 : vector<16xi32>
      %shift_right_logical3A_301 = arith.constant 15 : i32
      %shift_right_logical3A_302 = vector.broadcast %shift_right_logical3A_301 : i32 to vector<16xi32>
      %shift_right_logical3A_303 = arith.shrui %get3A_297, %shift_right_logical3A_302 : vector<16xi32>
      %and3A_304 = arith.constant 127 : i32
      %and3A_305 = vector.broadcast %and3A_304 : i32 to vector<16xi32>
      %and3A_306 = arith.andi %shift_right_logical3A_300, %and3A_305 : vector<16xi32>
      %and3A_307 = arith.constant 255 : i32
      %and3A_308 = vector.broadcast %and3A_307 : i32 to vector<16xi32>
      %and3A_309 = arith.andi %get3A_297, %and3A_308 : vector<16xi32>
      %gather3A_310 = tpu.vector_load_idx %arg7[%and3A_306, %and3A_309] : memref<128x256xf32, #tpu.memory_space<vmem>>[vector<16xi32>, vector<16xi32>], vector<16xf32>,
      %eq3A_311 = arith.constant 0 : i32
      %eq3A_312 = vector.broadcast %eq3A_311 : i32 to vector<16xi32>
      %eq3A_313 = arith.cmpi eq, %shift_right_logical3A_303, %eq3A_312 : vector<16xi32>
      %jit3A_314 = arith.constant 0.000000e+00 : f32
      %broadcast_in_dim3A_315 = vector.broadcast %jit3A_314 : f32 to vector<16xf32>
      %select_n3A_316 = arith.select %eq3A_313, %gather3A_310, %broadcast_in_dim3A_315 : vector<16xi1>, vector<16xf32>
      %add3A_317 = arith.addf %add3A_292, %select_n3A_316 : vector<16xf32>
      %mul3A_318 = arith.mulf %select_n3A_316, %select_n3A_316 : vector<16xf32>
      %add3A_319 = arith.addf %add3A_294, %mul3A_318 : vector<16xf32>
      %get3A_320 = arith.index_cast %scan3A_244 : i32 to index
      %get3A_321 = arith.constant 48 : index
      %get3A_322 = tpu.vector_load %arg5[%get3A_320, %get3A_321] {strides = array<i32>} : memref<20x64xi32, #tpu.memory_space<vmem>>, vector<16xi32>,
      %shift_right_logical3A_323 = arith.constant 8 : i32
      %shift_right_logical3A_324 = vector.broadcast %shift_right_logical3A_323 : i32 to vector<16xi32>
      %shift_right_logical3A_325 = arith.shrui %get3A_322, %shift_right_logical3A_324 : vector<16xi32>
      %shift_right_logical3A_326 = arith.constant 15 : i32
      %shift_right_logical3A_327 = vector.broadcast %shift_right_logical3A_326 : i32 to vector<16xi32>
      %shift_right_logical3A_328 = arith.shrui %get3A_322, %shift_right_logical3A_327 : vector<16xi32>
      %and3A_329 = arith.constant 127 : i32
      %and3A_330 = vector.broadcast %and3A_329 : i32 to vector<16xi32>
      %and3A_331 = arith.andi %shift_right_logical3A_325, %and3A_330 : vector<16xi32>
      %and3A_332 = arith.constant 255 : i32
      %and3A_333 = vector.broadcast %and3A_332 : i32 to vector<16xi32>
      %and3A_334 = arith.andi %get3A_322, %and3A_333 : vector<16xi32>
      %gather3A_335 = tpu.vector_load_idx %arg7[%and3A_331, %and3A_334] : memref<128x256xf32, #tpu.memory_space<vmem>>[vector<16xi32>, vector<16xi32>], vector<16xf32>,
      %eq3A_336 = arith.constant 0 : i32
      %eq3A_337 = vector.broadcast %eq3A_336 : i32 to vector<16xi32>
      %eq3A_338 = arith.cmpi eq, %shift_right_logical3A_328, %eq3A_337 : vector<16xi32>
      %jit3A_339 = arith.constant 0.000000e+00 : f32
      %broadcast_in_dim3A_340 = vector.broadcast %jit3A_339 : f32 to vector<16xf32>
      %select_n3A_341 = arith.select %eq3A_338, %gather3A_335, %broadcast_in_dim3A_340 : vector<16xi1>, vector<16xf32>
      %add3A_342 = arith.addf %add3A_317, %select_n3A_341 : vector<16xf32>
      %mul3A_343 = arith.mulf %select_n3A_341, %select_n3A_341 : vector<16xf32>
      %add3A_344 = arith.addf %add3A_319, %mul3A_343 : vector<16xf32>
      %mul3A_345 = arith.constant 16 : i32
      %mul3A_346 = arith.muli %scan3A_244, %mul3A_345 : i32
      %swap3A_347 = arith.index_cast %mul3A_346 : i32 to index
      %swap3A_348 = tpu.vector_load %arg9[%swap3A_347] {strides = array<i32>} : memref<320xf32, #tpu.memory_space<vmem>>, vector<16xf32>,
      tpu.vector_store %arg9[%swap3A_347], %add3A_342 {strides = array<i32>} : memref<320xf32, #tpu.memory_space<vmem>>, vector<16xf32>,
      scf.yield %add3A_344 : vector<16xf32>
    }
    %scan3A_177 = arith.constant 20 : i32
    %mul3A_178 = arith.constant 16 : i32
    %mul3A_179 = arith.muli %select_n3A, %mul3A_178 : i32
    %add3A_180 = arith.addi %mul3A_179, %mul3A_32 : i32
    %add3A_181 = arith.constant 3 : i32
    %add3A_182 = arith.addi %add3A_180, %add3A_181 : i32
    %mul3A_183 = arith.constant 256 : i32
    %mul3A_184 = arith.muli %add3A_182, %mul3A_183 : i32
    %add3A_185 = arith.constant 128 : i32
    %add3A_186 = arith.addi %mul3A_184, %add3A_185 : i32
    %dma_start3A_187 = arith.constant 0 : i32
    %dma_start3A_188 = tpu.memref_slice %arg2[%add3A_186, %dma_start3A_187] : memref<32768x256xf32, #tpu.memory_space<hbm>> -> memref<128x256xf32, #tpu.memory_space<hbm>>
    %dma_start3A_189 = arith.constant 0 : i32
    %dma_start3A_190 = tpu.memref_slice %arg2[%add3A_186, %dma_start3A_189] : memref<32768x256xf32, #tpu.memory_space<hbm>> -> memref<128x256xf32, #tpu.memory_space<hbm>>
    tpu.enqueue_dma source(%dma_start3A_190 : memref<128x256xf32, #tpu.memory_space<hbm>>) target(%arg7 : memref<128x256xf32, #tpu.memory_space<vmem>>) target_semaphore(%arg12 : memref<!tpu.dma_semaphore, #tpu.memory_space<semaphore_mem>>)
    %dma_wait3A_191 = arith.constant 0 : i32
    %dma_wait3A_192 = tpu.memref_slice %arg2[%add3A_140, %dma_wait3A_191] : memref<32768x256xf32, #tpu.memory_space<hbm>> -> memref<128x256xf32, #tpu.memory_space<hbm>>
    %dma_wait3A_193 = arith.constant 0 : i32
    %dma_wait3A_194 = tpu.memref_slice %arg2[%add3A_140, %dma_wait3A_193] : memref<32768x256xf32, #tpu.memory_space<hbm>> -> memref<128x256xf32, #tpu.memory_space<hbm>>
    tpu.wait_dma2 semaphore(%arg13 : memref<!tpu.dma_semaphore, #tpu.memory_space<semaphore_mem>>) src(%dma_wait3A_194 : memref<128x256xf32, #tpu.memory_space<hbm>>) dst(%arg8 : memref<128x256xf32, #tpu.memory_space<vmem>>)
    %scan3A_195 = arith.constant 0 : i32
    %scan3A_196 = arith.constant 20 : i32
    %scan3A_197 = arith.addi %scan3A_195, %scan3A_196 : i32
    %scan3A_198 = arith.constant 1 : i32
    %scan3A_199:4 = scf.for %scan3A_244 = %scan3A_195 to %scan3A_197 step %scan3A_198 iter_args(%scan3A_245 = %scan3A_176, %scan3A_246 = %scan3A_153#1, %scan3A_247 = %scan3A_153#2, %scan3A_248 = %scan3A_153#3) -> (vector<16xf32>, vector<16xf32>, vector<16xf32>, f32)  : i32 {
      %broadcast_in_dim3A_249 = arith.constant 0.000000e+00 : f32
      %broadcast_in_dim3A_250 = vector.broadcast %broadcast_in_dim3A_249 : f32 to vector<16xf32>
      %get3A = arith.index_cast %scan3A_244 : i32 to index
      %get3A_251 = arith.constant 0 : index
      %get3A_252 = tpu.vector_load %arg5[%get3A, %get3A_251] {strides = array<i32>} : memref<20x64xi32, #tpu.memory_space<vmem>>, vector<16xi32>,
      %shift_right_logical3A = arith.constant 8 : i32
      %shift_right_logical3A_253 = vector.broadcast %shift_right_logical3A : i32 to vector<16xi32>
      %shift_right_logical3A_254 = arith.shrui %get3A_252, %shift_right_logical3A_253 : vector<16xi32>
      %shift_right_logical3A_255 = arith.constant 15 : i32
      %shift_right_logical3A_256 = vector.broadcast %shift_right_logical3A_255 : i32 to vector<16xi32>
      %shift_right_logical3A_257 = arith.shrui %get3A_252, %shift_right_logical3A_256 : vector<16xi32>
      %and3A_258 = arith.constant 127 : i32
      %and3A_259 = vector.broadcast %and3A_258 : i32 to vector<16xi32>
      %and3A_260 = arith.andi %shift_right_logical3A_254, %and3A_259 : vector<16xi32>
      %and3A_261 = arith.constant 255 : i32
      %and3A_262 = vector.broadcast %and3A_261 : i32 to vector<16xi32>
      %and3A_263 = arith.andi %get3A_252, %and3A_262 : vector<16xi32>
      %gather3A = tpu.vector_load_idx %arg8[%and3A_260, %and3A_263] : memref<128x256xf32, #tpu.memory_space<vmem>>[vector<16xi32>, vector<16xi32>], vector<16xf32>,
      %eq3A_264 = arith.constant 1 : i32
      %eq3A_265 = vector.broadcast %eq3A_264 : i32 to vector<16xi32>
      %eq3A_266 = arith.cmpi eq, %shift_right_logical3A_257, %eq3A_265 : vector<16xi32>
      %jit3A_267 = arith.constant 0.000000e+00 : f32
      %broadcast_in_dim3A_268 = vector.broadcast %jit3A_267 : f32 to vector<16xf32>
      %select_n3A_269 = arith.select %eq3A_266, %gather3A, %broadcast_in_dim3A_268 : vector<16xi1>, vector<16xf32>
      %add3A_270 = arith.addf %broadcast_in_dim3A_250, %select_n3A_269 : vector<16xf32>
      %mul3A_271 = arith.mulf %select_n3A_269, %select_n3A_269 : vector<16xf32>
      %add3A_272 = arith.addf %scan3A_245, %mul3A_271 : vector<16xf32>
      %get3A_273 = arith.index_cast %scan3A_244 : i32 to index
      %get3A_274 = arith.constant 16 : index
      %get3A_275 = tpu.vector_load %arg5[%get3A_273, %get3A_274] {strides = array<i32>} : memref<20x64xi32, #tpu.memory_space<vmem>>, vector<16xi32>,
      %shift_right_logical3A_276 = arith.constant 8 : i32
      %shift_right_logical3A_277 = vector.broadcast %shift_right_logical3A_276 : i32 to vector<16xi32>
      %shift_right_logical3A_278 = arith.shrui %get3A_275, %shift_right_logical3A_277 : vector<16xi32>
      %shift_right_logical3A_279 = arith.constant 15 : i32
      %shift_right_logical3A_280 = vector.broadcast %shift_right_logical3A_279 : i32 to vector<16xi32>
      %shift_right_logical3A_281 = arith.shrui %get3A_275, %shift_right_logical3A_280 : vector<16xi32>
      %and3A_282 = arith.constant 127 : i32
      %and3A_283 = vector.broadcast %and3A_282 : i32 to vector<16xi32>
      %and3A_284 = arith.andi %shift_right_logical3A_278, %and3A_283 : vector<16xi32>
      %and3A_285 = arith.constant 255 : i32
      %and3A_286 = vector.broadcast %and3A_285 : i32 to vector<16xi32>
      %and3A_287 = arith.andi %get3A_275, %and3A_286 : vector<16xi32>
      %gather3A_288 = tpu.vector_load_idx %arg8[%and3A_284, %and3A_287] : memref<128x256xf32, #tpu.memory_space<vmem>>[vector<16xi32>, vector<16xi32>], vector<16xf32>,
      %eq3A_289 = arith.constant 1 : i32
      %eq3A_290 = vector.broadcast %eq3A_289 : i32 to vector<16xi32>
      %eq3A_291 = arith.cmpi eq, %shift_right_logical3A_281, %eq3A_290 : vector<16xi32>
      %jit3A_292 = arith.constant 0.000000e+00 : f32
      %broadcast_in_dim3A_293 = vector.broadcast %jit3A_292 : f32 to vector<16xf32>
      %select_n3A_294 = arith.select %eq3A_291, %gather3A_288, %broadcast_in_dim3A_293 : vector<16xi1>, vector<16xf32>
      %add3A_295 = arith.addf %add3A_270, %select_n3A_294 : vector<16xf32>
      %mul3A_296 = arith.mulf %select_n3A_294, %select_n3A_294 : vector<16xf32>
      %add3A_297 = arith.addf %add3A_272, %mul3A_296 : vector<16xf32>
      %get3A_298 = arith.index_cast %scan3A_244 : i32 to index
      %get3A_299 = arith.constant 32 : index
      %get3A_300 = tpu.vector_load %arg5[%get3A_298, %get3A_299] {strides = array<i32>} : memref<20x64xi32, #tpu.memory_space<vmem>>, vector<16xi32>,
      %shift_right_logical3A_301 = arith.constant 8 : i32
      %shift_right_logical3A_302 = vector.broadcast %shift_right_logical3A_301 : i32 to vector<16xi32>
      %shift_right_logical3A_303 = arith.shrui %get3A_300, %shift_right_logical3A_302 : vector<16xi32>
      %shift_right_logical3A_304 = arith.constant 15 : i32
      %shift_right_logical3A_305 = vector.broadcast %shift_right_logical3A_304 : i32 to vector<16xi32>
      %shift_right_logical3A_306 = arith.shrui %get3A_300, %shift_right_logical3A_305 : vector<16xi32>
      %and3A_307 = arith.constant 127 : i32
      %and3A_308 = vector.broadcast %and3A_307 : i32 to vector<16xi32>
      %and3A_309 = arith.andi %shift_right_logical3A_303, %and3A_308 : vector<16xi32>
      %and3A_310 = arith.constant 255 : i32
      %and3A_311 = vector.broadcast %and3A_310 : i32 to vector<16xi32>
      %and3A_312 = arith.andi %get3A_300, %and3A_311 : vector<16xi32>
      %gather3A_313 = tpu.vector_load_idx %arg8[%and3A_309, %and3A_312] : memref<128x256xf32, #tpu.memory_space<vmem>>[vector<16xi32>, vector<16xi32>], vector<16xf32>,
      %eq3A_314 = arith.constant 1 : i32
      %eq3A_315 = vector.broadcast %eq3A_314 : i32 to vector<16xi32>
      %eq3A_316 = arith.cmpi eq, %shift_right_logical3A_306, %eq3A_315 : vector<16xi32>
      %jit3A_317 = arith.constant 0.000000e+00 : f32
      %broadcast_in_dim3A_318 = vector.broadcast %jit3A_317 : f32 to vector<16xf32>
      %select_n3A_319 = arith.select %eq3A_316, %gather3A_313, %broadcast_in_dim3A_318 : vector<16xi1>, vector<16xf32>
      %add3A_320 = arith.addf %add3A_295, %select_n3A_319 : vector<16xf32>
      %mul3A_321 = arith.mulf %select_n3A_319, %select_n3A_319 : vector<16xf32>
      %add3A_322 = arith.addf %add3A_297, %mul3A_321 : vector<16xf32>
      %get3A_323 = arith.index_cast %scan3A_244 : i32 to index
      %get3A_324 = arith.constant 48 : index
      %get3A_325 = tpu.vector_load %arg5[%get3A_323, %get3A_324] {strides = array<i32>} : memref<20x64xi32, #tpu.memory_space<vmem>>, vector<16xi32>,
      %shift_right_logical3A_326 = arith.constant 8 : i32
      %shift_right_logical3A_327 = vector.broadcast %shift_right_logical3A_326 : i32 to vector<16xi32>
      %shift_right_logical3A_328 = arith.shrui %get3A_325, %shift_right_logical3A_327 : vector<16xi32>
      %shift_right_logical3A_329 = arith.constant 15 : i32
      %shift_right_logical3A_330 = vector.broadcast %shift_right_logical3A_329 : i32 to vector<16xi32>
      %shift_right_logical3A_331 = arith.shrui %get3A_325, %shift_right_logical3A_330 : vector<16xi32>
      %and3A_332 = arith.constant 127 : i32
      %and3A_333 = vector.broadcast %and3A_332 : i32 to vector<16xi32>
      %and3A_334 = arith.andi %shift_right_logical3A_328, %and3A_333 : vector<16xi32>
      %and3A_335 = arith.constant 255 : i32
      %and3A_336 = vector.broadcast %and3A_335 : i32 to vector<16xi32>
      %and3A_337 = arith.andi %get3A_325, %and3A_336 : vector<16xi32>
      %gather3A_338 = tpu.vector_load_idx %arg8[%and3A_334, %and3A_337] : memref<128x256xf32, #tpu.memory_space<vmem>>[vector<16xi32>, vector<16xi32>], vector<16xf32>,
      %eq3A_339 = arith.constant 1 : i32
      %eq3A_340 = vector.broadcast %eq3A_339 : i32 to vector<16xi32>
      %eq3A_341 = arith.cmpi eq, %shift_right_logical3A_331, %eq3A_340 : vector<16xi32>
      %jit3A_342 = arith.constant 0.000000e+00 : f32
      %broadcast_in_dim3A_343 = vector.broadcast %jit3A_342 : f32 to vector<16xf32>
      %select_n3A_344 = arith.select %eq3A_341, %gather3A_338, %broadcast_in_dim3A_343 : vector<16xi1>, vector<16xf32>
      %add3A_345 = arith.addf %add3A_320, %select_n3A_344 : vector<16xf32>
      %mul3A_346 = arith.mulf %select_n3A_344, %select_n3A_344 : vector<16xf32>
      %add3A_347 = arith.addf %add3A_322, %mul3A_346 : vector<16xf32>
      %mul3A_348 = arith.constant 16 : i32
      %mul3A_349 = arith.muli %scan3A_244, %mul3A_348 : i32
      %get3A_350 = arith.index_cast %mul3A_349 : i32 to index
      %get3A_351 = tpu.vector_load %arg9[%get3A_350] {strides = array<i32>} : memref<320xf32, #tpu.memory_space<vmem>>, vector<16xf32>,
      %add3A_352 = arith.addf %get3A_351, %add3A_345 : vector<16xf32>
      %reduce_sum3A_353 = arith.constant true
      %reduce_sum3A_354 = vector.broadcast %reduce_sum3A_353 : i1 to vector<16xi1>
      %reduce_sum3A_355 = tpu.scan <sum>, %add3A_352 masked %reduce_sum3A_354 : vector<16xf32>, vector<16xi1> -> vector<16xf32>
      %reduce_sum3A_356 = vector.extract %reduce_sum3A_355[15] : f32 from vector<16xf32>
      %mul3A_357 = arith.mulf %reduce_sum3A_356, %reduce_sum3A_356 : f32
      %add3A_358 = arith.addf %scan3A_248, %mul3A_357 : f32
      %eq3A_359 = vector.broadcast %scan3A_244 : i32 to vector<16xi32>
      %eq3A_360 = arith.cmpi eq, %iota3A, %eq3A_359 : vector<16xi32>
      %jit3A_361 = arith.constant 0.000000e+00 : f32
      %broadcast_in_dim3A_362 = vector.broadcast %reduce_sum3A_356 : f32 to vector<16xf32>
      %broadcast_in_dim3A_363 = vector.broadcast %jit3A_361 : f32 to vector<16xf32>
      %select_n3A_364 = arith.select %eq3A_360, %broadcast_in_dim3A_362, %broadcast_in_dim3A_363 : vector<16xi1>, vector<16xf32>
      %add3A_365 = arith.addf %scan3A_246, %select_n3A_364 : vector<16xf32>
      %sub3A_366 = arith.constant 16 : i32
      %sub3A_367 = arith.subi %scan3A_244, %sub3A_366 : i32
      %eq3A_368 = vector.broadcast %sub3A_367 : i32 to vector<16xi32>
      %eq3A_369 = arith.cmpi eq, %iota3A, %eq3A_368 : vector<16xi32>
      %jit3A_370 = arith.constant 0.000000e+00 : f32
      %broadcast_in_dim3A_371 = vector.broadcast %reduce_sum3A_356 : f32 to vector<16xf32>
      %broadcast_in_dim3A_372 = vector.broadcast %jit3A_370 : f32 to vector<16xf32>
      %select_n3A_373 = arith.select %eq3A_369, %broadcast_in_dim3A_371, %broadcast_in_dim3A_372 : vector<16xi1>, vector<16xf32>
      %add3A_374 = arith.addf %scan3A_247, %select_n3A_373 : vector<16xf32>
      scf.yield %add3A_347, %add3A_365, %add3A_374, %add3A_358 : vector<16xf32>, vector<16xf32>, vector<16xf32>, f32
    }
    %scan3A_200 = arith.constant 20 : i32
    %dma_wait3A_201 = arith.constant 0 : i32
    %dma_wait3A_202 = tpu.memref_slice %arg2[%add3A_163, %dma_wait3A_201] : memref<32768x256xf32, #tpu.memory_space<hbm>> -> memref<128x256xf32, #tpu.memory_space<hbm>>
    %dma_wait3A_203 = arith.constant 0 : i32
    %dma_wait3A_204 = tpu.memref_slice %arg2[%add3A_163, %dma_wait3A_203] : memref<32768x256xf32, #tpu.memory_space<hbm>> -> memref<128x256xf32, #tpu.memory_space<hbm>>
    tpu.wait_dma2 semaphore(%arg11 : memref<!tpu.dma_semaphore, #tpu.memory_space<semaphore_mem>>) src(%dma_wait3A_204 : memref<128x256xf32, #tpu.memory_space<hbm>>) dst(%arg6 : memref<128x256xf32, #tpu.memory_space<vmem>>)
    %scan3A_205 = arith.constant 0 : i32
    %scan3A_206 = arith.constant 20 : i32
    %scan3A_207 = arith.addi %scan3A_205, %scan3A_206 : i32
    %scan3A_208 = arith.constant 1 : i32
    %scan3A_209 = scf.for %scan3A_244 = %scan3A_205 to %scan3A_207 step %scan3A_208 iter_args(%scan3A_245 = %scan3A_199#0) -> (vector<16xf32>)  : i32 {
      %broadcast_in_dim3A_246 = arith.constant 0.000000e+00 : f32
      %broadcast_in_dim3A_247 = vector.broadcast %broadcast_in_dim3A_246 : f32 to vector<16xf32>
      %get3A = arith.index_cast %scan3A_244 : i32 to index
      %get3A_248 = arith.constant 0 : index
      %get3A_249 = tpu.vector_load %arg5[%get3A, %get3A_248] {strides = array<i32>} : memref<20x64xi32, #tpu.memory_space<vmem>>, vector<16xi32>,
      %shift_right_logical3A = arith.constant 8 : i32
      %shift_right_logical3A_250 = vector.broadcast %shift_right_logical3A : i32 to vector<16xi32>
      %shift_right_logical3A_251 = arith.shrui %get3A_249, %shift_right_logical3A_250 : vector<16xi32>
      %shift_right_logical3A_252 = arith.constant 15 : i32
      %shift_right_logical3A_253 = vector.broadcast %shift_right_logical3A_252 : i32 to vector<16xi32>
      %shift_right_logical3A_254 = arith.shrui %get3A_249, %shift_right_logical3A_253 : vector<16xi32>
      %and3A_255 = arith.constant 127 : i32
      %and3A_256 = vector.broadcast %and3A_255 : i32 to vector<16xi32>
      %and3A_257 = arith.andi %shift_right_logical3A_251, %and3A_256 : vector<16xi32>
      %and3A_258 = arith.constant 255 : i32
      %and3A_259 = vector.broadcast %and3A_258 : i32 to vector<16xi32>
      %and3A_260 = arith.andi %get3A_249, %and3A_259 : vector<16xi32>
      %gather3A = tpu.vector_load_idx %arg6[%and3A_257, %and3A_260] : memref<128x256xf32, #tpu.memory_space<vmem>>[vector<16xi32>, vector<16xi32>], vector<16xf32>,
      %eq3A_261 = arith.constant 0 : i32
      %eq3A_262 = vector.broadcast %eq3A_261 : i32 to vector<16xi32>
      %eq3A_263 = arith.cmpi eq, %shift_right_logical3A_254, %eq3A_262 : vector<16xi32>
      %jit3A_264 = arith.constant 0.000000e+00 : f32
      %broadcast_in_dim3A_265 = vector.broadcast %jit3A_264 : f32 to vector<16xf32>
      %select_n3A_266 = arith.select %eq3A_263, %gather3A, %broadcast_in_dim3A_265 : vector<16xi1>, vector<16xf32>
      %add3A_267 = arith.addf %broadcast_in_dim3A_247, %select_n3A_266 : vector<16xf32>
      %mul3A_268 = arith.mulf %select_n3A_266, %select_n3A_266 : vector<16xf32>
      %add3A_269 = arith.addf %scan3A_245, %mul3A_268 : vector<16xf32>
      %get3A_270 = arith.index_cast %scan3A_244 : i32 to index
      %get3A_271 = arith.constant 16 : index
      %get3A_272 = tpu.vector_load %arg5[%get3A_270, %get3A_271] {strides = array<i32>} : memref<20x64xi32, #tpu.memory_space<vmem>>, vector<16xi32>,
      %shift_right_logical3A_273 = arith.constant 8 : i32
      %shift_right_logical3A_274 = vector.broadcast %shift_right_logical3A_273 : i32 to vector<16xi32>
      %shift_right_logical3A_275 = arith.shrui %get3A_272, %shift_right_logical3A_274 : vector<16xi32>
      %shift_right_logical3A_276 = arith.constant 15 : i32
      %shift_right_logical3A_277 = vector.broadcast %shift_right_logical3A_276 : i32 to vector<16xi32>
      %shift_right_logical3A_278 = arith.shrui %get3A_272, %shift_right_logical3A_277 : vector<16xi32>
      %and3A_279 = arith.constant 127 : i32
      %and3A_280 = vector.broadcast %and3A_279 : i32 to vector<16xi32>
      %and3A_281 = arith.andi %shift_right_logical3A_275, %and3A_280 : vector<16xi32>
      %and3A_282 = arith.constant 255 : i32
      %and3A_283 = vector.broadcast %and3A_282 : i32 to vector<16xi32>
      %and3A_284 = arith.andi %get3A_272, %and3A_283 : vector<16xi32>
      %gather3A_285 = tpu.vector_load_idx %arg6[%and3A_281, %and3A_284] : memref<128x256xf32, #tpu.memory_space<vmem>>[vector<16xi32>, vector<16xi32>], vector<16xf32>,
      %eq3A_286 = arith.constant 0 : i32
      %eq3A_287 = vector.broadcast %eq3A_286 : i32 to vector<16xi32>
      %eq3A_288 = arith.cmpi eq, %shift_right_logical3A_278, %eq3A_287 : vector<16xi32>
      %jit3A_289 = arith.constant 0.000000e+00 : f32
      %broadcast_in_dim3A_290 = vector.broadcast %jit3A_289 : f32 to vector<16xf32>
      %select_n3A_291 = arith.select %eq3A_288, %gather3A_285, %broadcast_in_dim3A_290 : vector<16xi1>, vector<16xf32>
      %add3A_292 = arith.addf %add3A_267, %select_n3A_291 : vector<16xf32>
      %mul3A_293 = arith.mulf %select_n3A_291, %select_n3A_291 : vector<16xf32>
      %add3A_294 = arith.addf %add3A_269, %mul3A_293 : vector<16xf32>
      %get3A_295 = arith.index_cast %scan3A_244 : i32 to index
      %get3A_296 = arith.constant 32 : index
      %get3A_297 = tpu.vector_load %arg5[%get3A_295, %get3A_296] {strides = array<i32>} : memref<20x64xi32, #tpu.memory_space<vmem>>, vector<16xi32>,
      %shift_right_logical3A_298 = arith.constant 8 : i32
      %shift_right_logical3A_299 = vector.broadcast %shift_right_logical3A_298 : i32 to vector<16xi32>
      %shift_right_logical3A_300 = arith.shrui %get3A_297, %shift_right_logical3A_299 : vector<16xi32>
      %shift_right_logical3A_301 = arith.constant 15 : i32
      %shift_right_logical3A_302 = vector.broadcast %shift_right_logical3A_301 : i32 to vector<16xi32>
      %shift_right_logical3A_303 = arith.shrui %get3A_297, %shift_right_logical3A_302 : vector<16xi32>
      %and3A_304 = arith.constant 127 : i32
      %and3A_305 = vector.broadcast %and3A_304 : i32 to vector<16xi32>
      %and3A_306 = arith.andi %shift_right_logical3A_300, %and3A_305 : vector<16xi32>
      %and3A_307 = arith.constant 255 : i32
      %and3A_308 = vector.broadcast %and3A_307 : i32 to vector<16xi32>
      %and3A_309 = arith.andi %get3A_297, %and3A_308 : vector<16xi32>
      %gather3A_310 = tpu.vector_load_idx %arg6[%and3A_306, %and3A_309] : memref<128x256xf32, #tpu.memory_space<vmem>>[vector<16xi32>, vector<16xi32>], vector<16xf32>,
      %eq3A_311 = arith.constant 0 : i32
      %eq3A_312 = vector.broadcast %eq3A_311 : i32 to vector<16xi32>
      %eq3A_313 = arith.cmpi eq, %shift_right_logical3A_303, %eq3A_312 : vector<16xi32>
      %jit3A_314 = arith.constant 0.000000e+00 : f32
      %broadcast_in_dim3A_315 = vector.broadcast %jit3A_314 : f32 to vector<16xf32>
      %select_n3A_316 = arith.select %eq3A_313, %gather3A_310, %broadcast_in_dim3A_315 : vector<16xi1>, vector<16xf32>
      %add3A_317 = arith.addf %add3A_292, %select_n3A_316 : vector<16xf32>
      %mul3A_318 = arith.mulf %select_n3A_316, %select_n3A_316 : vector<16xf32>
      %add3A_319 = arith.addf %add3A_294, %mul3A_318 : vector<16xf32>
      %get3A_320 = arith.index_cast %scan3A_244 : i32 to index
      %get3A_321 = arith.constant 48 : index
      %get3A_322 = tpu.vector_load %arg5[%get3A_320, %get3A_321] {strides = array<i32>} : memref<20x64xi32, #tpu.memory_space<vmem>>, vector<16xi32>,
      %shift_right_logical3A_323 = arith.constant 8 : i32
      %shift_right_logical3A_324 = vector.broadcast %shift_right_logical3A_323 : i32 to vector<16xi32>
      %shift_right_logical3A_325 = arith.shrui %get3A_322, %shift_right_logical3A_324 : vector<16xi32>
      %shift_right_logical3A_326 = arith.constant 15 : i32
      %shift_right_logical3A_327 = vector.broadcast %shift_right_logical3A_326 : i32 to vector<16xi32>
      %shift_right_logical3A_328 = arith.shrui %get3A_322, %shift_right_logical3A_327 : vector<16xi32>
      %and3A_329 = arith.constant 127 : i32
      %and3A_330 = vector.broadcast %and3A_329 : i32 to vector<16xi32>
      %and3A_331 = arith.andi %shift_right_logical3A_325, %and3A_330 : vector<16xi32>
      %and3A_332 = arith.constant 255 : i32
      %and3A_333 = vector.broadcast %and3A_332 : i32 to vector<16xi32>
      %and3A_334 = arith.andi %get3A_322, %and3A_333 : vector<16xi32>
      %gather3A_335 = tpu.vector_load_idx %arg6[%and3A_331, %and3A_334] : memref<128x256xf32, #tpu.memory_space<vmem>>[vector<16xi32>, vector<16xi32>], vector<16xf32>,
      %eq3A_336 = arith.constant 0 : i32
      %eq3A_337 = vector.broadcast %eq3A_336 : i32 to vector<16xi32>
      %eq3A_338 = arith.cmpi eq, %shift_right_logical3A_328, %eq3A_337 : vector<16xi32>
      %jit3A_339 = arith.constant 0.000000e+00 : f32
      %broadcast_in_dim3A_340 = vector.broadcast %jit3A_339 : f32 to vector<16xf32>
      %select_n3A_341 = arith.select %eq3A_338, %gather3A_335, %broadcast_in_dim3A_340 : vector<16xi1>, vector<16xf32>
      %add3A_342 = arith.addf %add3A_317, %select_n3A_341 : vector<16xf32>
      %mul3A_343 = arith.mulf %select_n3A_341, %select_n3A_341 : vector<16xf32>
      %add3A_344 = arith.addf %add3A_319, %mul3A_343 : vector<16xf32>
      %mul3A_345 = arith.constant 16 : i32
      %mul3A_346 = arith.muli %scan3A_244, %mul3A_345 : i32
      %swap3A_347 = arith.index_cast %mul3A_346 : i32 to index
      %swap3A_348 = tpu.vector_load %arg9[%swap3A_347] {strides = array<i32>} : memref<320xf32, #tpu.memory_space<vmem>>, vector<16xf32>,
      tpu.vector_store %arg9[%swap3A_347], %add3A_342 {strides = array<i32>} : memref<320xf32, #tpu.memory_space<vmem>>, vector<16xf32>,
      scf.yield %add3A_344 : vector<16xf32>
    }
    %scan3A_210 = arith.constant 20 : i32
    %dma_wait3A_211 = arith.constant 0 : i32
    %dma_wait3A_212 = tpu.memref_slice %arg2[%add3A_186, %dma_wait3A_211] : memref<32768x256xf32, #tpu.memory_space<hbm>> -> memref<128x256xf32, #tpu.memory_space<hbm>>
    %dma_wait3A_213 = arith.constant 0 : i32
    %dma_wait3A_214 = tpu.memref_slice %arg2[%add3A_186, %dma_wait3A_213] : memref<32768x256xf32, #tpu.memory_space<hbm>> -> memref<128x256xf32, #tpu.memory_space<hbm>>
    tpu.wait_dma2 semaphore(%arg12 : memref<!tpu.dma_semaphore, #tpu.memory_space<semaphore_mem>>) src(%dma_wait3A_214 : memref<128x256xf32, #tpu.memory_space<hbm>>) dst(%arg7 : memref<128x256xf32, #tpu.memory_space<vmem>>)
    %scan3A_215 = arith.constant 0 : i32
    %scan3A_216 = arith.constant 20 : i32
    %scan3A_217 = arith.addi %scan3A_215, %scan3A_216 : i32
    %scan3A_218 = arith.constant 1 : i32
    %scan3A_219:4 = scf.for %scan3A_244 = %scan3A_215 to %scan3A_217 step %scan3A_218 iter_args(%scan3A_245 = %scan3A_209, %scan3A_246 = %scan3A_199#1, %scan3A_247 = %scan3A_199#2, %scan3A_248 = %scan3A_199#3) -> (vector<16xf32>, vector<16xf32>, vector<16xf32>, f32)  : i32 {
      %broadcast_in_dim3A_249 = arith.constant 0.000000e+00 : f32
      %broadcast_in_dim3A_250 = vector.broadcast %broadcast_in_dim3A_249 : f32 to vector<16xf32>
      %get3A = arith.index_cast %scan3A_244 : i32 to index
      %get3A_251 = arith.constant 0 : index
      %get3A_252 = tpu.vector_load %arg5[%get3A, %get3A_251] {strides = array<i32>} : memref<20x64xi32, #tpu.memory_space<vmem>>, vector<16xi32>,
      %shift_right_logical3A = arith.constant 8 : i32
      %shift_right_logical3A_253 = vector.broadcast %shift_right_logical3A : i32 to vector<16xi32>
      %shift_right_logical3A_254 = arith.shrui %get3A_252, %shift_right_logical3A_253 : vector<16xi32>
      %shift_right_logical3A_255 = arith.constant 15 : i32
      %shift_right_logical3A_256 = vector.broadcast %shift_right_logical3A_255 : i32 to vector<16xi32>
      %shift_right_logical3A_257 = arith.shrui %get3A_252, %shift_right_logical3A_256 : vector<16xi32>
      %and3A_258 = arith.constant 127 : i32
      %and3A_259 = vector.broadcast %and3A_258 : i32 to vector<16xi32>
      %and3A_260 = arith.andi %shift_right_logical3A_254, %and3A_259 : vector<16xi32>
      %and3A_261 = arith.constant 255 : i32
      %and3A_262 = vector.broadcast %and3A_261 : i32 to vector<16xi32>
      %and3A_263 = arith.andi %get3A_252, %and3A_262 : vector<16xi32>
      %gather3A = tpu.vector_load_idx %arg7[%and3A_260, %and3A_263] : memref<128x256xf32, #tpu.memory_space<vmem>>[vector<16xi32>, vector<16xi32>], vector<16xf32>,
      %eq3A_264 = arith.constant 1 : i32
      %eq3A_265 = vector.broadcast %eq3A_264 : i32 to vector<16xi32>
      %eq3A_266 = arith.cmpi eq, %shift_right_logical3A_257, %eq3A_265 : vector<16xi32>
      %jit3A_267 = arith.constant 0.000000e+00 : f32
      %broadcast_in_dim3A_268 = vector.broadcast %jit3A_267 : f32 to vector<16xf32>
      %select_n3A_269 = arith.select %eq3A_266, %gather3A, %broadcast_in_dim3A_268 : vector<16xi1>, vector<16xf32>
      %add3A_270 = arith.addf %broadcast_in_dim3A_250, %select_n3A_269 : vector<16xf32>
      %mul3A_271 = arith.mulf %select_n3A_269, %select_n3A_269 : vector<16xf32>
      %add3A_272 = arith.addf %scan3A_245, %mul3A_271 : vector<16xf32>
      %get3A_273 = arith.index_cast %scan3A_244 : i32 to index
      %get3A_274 = arith.constant 16 : index
      %get3A_275 = tpu.vector_load %arg5[%get3A_273, %get3A_274] {strides = array<i32>} : memref<20x64xi32, #tpu.memory_space<vmem>>, vector<16xi32>,
      %shift_right_logical3A_276 = arith.constant 8 : i32
      %shift_right_logical3A_277 = vector.broadcast %shift_right_logical3A_276 : i32 to vector<16xi32>
      %shift_right_logical3A_278 = arith.shrui %get3A_275, %shift_right_logical3A_277 : vector<16xi32>
      %shift_right_logical3A_279 = arith.constant 15 : i32
      %shift_right_logical3A_280 = vector.broadcast %shift_right_logical3A_279 : i32 to vector<16xi32>
      %shift_right_logical3A_281 = arith.shrui %get3A_275, %shift_right_logical3A_280 : vector<16xi32>
      %and3A_282 = arith.constant 127 : i32
      %and3A_283 = vector.broadcast %and3A_282 : i32 to vector<16xi32>
      %and3A_284 = arith.andi %shift_right_logical3A_278, %and3A_283 : vector<16xi32>
      %and3A_285 = arith.constant 255 : i32
      %and3A_286 = vector.broadcast %and3A_285 : i32 to vector<16xi32>
      %and3A_287 = arith.andi %get3A_275, %and3A_286 : vector<16xi32>
      %gather3A_288 = tpu.vector_load_idx %arg7[%and3A_284, %and3A_287] : memref<128x256xf32, #tpu.memory_space<vmem>>[vector<16xi32>, vector<16xi32>], vector<16xf32>,
      %eq3A_289 = arith.constant 1 : i32
      %eq3A_290 = vector.broadcast %eq3A_289 : i32 to vector<16xi32>
      %eq3A_291 = arith.cmpi eq, %shift_right_logical3A_281, %eq3A_290 : vector<16xi32>
      %jit3A_292 = arith.constant 0.000000e+00 : f32
      %broadcast_in_dim3A_293 = vector.broadcast %jit3A_292 : f32 to vector<16xf32>
      %select_n3A_294 = arith.select %eq3A_291, %gather3A_288, %broadcast_in_dim3A_293 : vector<16xi1>, vector<16xf32>
      %add3A_295 = arith.addf %add3A_270, %select_n3A_294 : vector<16xf32>
      %mul3A_296 = arith.mulf %select_n3A_294, %select_n3A_294 : vector<16xf32>
      %add3A_297 = arith.addf %add3A_272, %mul3A_296 : vector<16xf32>
      %get3A_298 = arith.index_cast %scan3A_244 : i32 to index
      %get3A_299 = arith.constant 32 : index
      %get3A_300 = tpu.vector_load %arg5[%get3A_298, %get3A_299] {strides = array<i32>} : memref<20x64xi32, #tpu.memory_space<vmem>>, vector<16xi32>,
      %shift_right_logical3A_301 = arith.constant 8 : i32
      %shift_right_logical3A_302 = vector.broadcast %shift_right_logical3A_301 : i32 to vector<16xi32>
      %shift_right_logical3A_303 = arith.shrui %get3A_300, %shift_right_logical3A_302 : vector<16xi32>
      %shift_right_logical3A_304 = arith.constant 15 : i32
      %shift_right_logical3A_305 = vector.broadcast %shift_right_logical3A_304 : i32 to vector<16xi32>
      %shift_right_logical3A_306 = arith.shrui %get3A_300, %shift_right_logical3A_305 : vector<16xi32>
      %and3A_307 = arith.constant 127 : i32
      %and3A_308 = vector.broadcast %and3A_307 : i32 to vector<16xi32>
      %and3A_309 = arith.andi %shift_right_logical3A_303, %and3A_308 : vector<16xi32>
      %and3A_310 = arith.constant 255 : i32
      %and3A_311 = vector.broadcast %and3A_310 : i32 to vector<16xi32>
      %and3A_312 = arith.andi %get3A_300, %and3A_311 : vector<16xi32>
      %gather3A_313 = tpu.vector_load_idx %arg7[%and3A_309, %and3A_312] : memref<128x256xf32, #tpu.memory_space<vmem>>[vector<16xi32>, vector<16xi32>], vector<16xf32>,
      %eq3A_314 = arith.constant 1 : i32
      %eq3A_315 = vector.broadcast %eq3A_314 : i32 to vector<16xi32>
      %eq3A_316 = arith.cmpi eq, %shift_right_logical3A_306, %eq3A_315 : vector<16xi32>
      %jit3A_317 = arith.constant 0.000000e+00 : f32
      %broadcast_in_dim3A_318 = vector.broadcast %jit3A_317 : f32 to vector<16xf32>
      %select_n3A_319 = arith.select %eq3A_316, %gather3A_313, %broadcast_in_dim3A_318 : vector<16xi1>, vector<16xf32>
      %add3A_320 = arith.addf %add3A_295, %select_n3A_319 : vector<16xf32>
      %mul3A_321 = arith.mulf %select_n3A_319, %select_n3A_319 : vector<16xf32>
      %add3A_322 = arith.addf %add3A_297, %mul3A_321 : vector<16xf32>
      %get3A_323 = arith.index_cast %scan3A_244 : i32 to index
      %get3A_324 = arith.constant 48 : index
      %get3A_325 = tpu.vector_load %arg5[%get3A_323, %get3A_324] {strides = array<i32>} : memref<20x64xi32, #tpu.memory_space<vmem>>, vector<16xi32>,
      %shift_right_logical3A_326 = arith.constant 8 : i32
      %shift_right_logical3A_327 = vector.broadcast %shift_right_logical3A_326 : i32 to vector<16xi32>
      %shift_right_logical3A_328 = arith.shrui %get3A_325, %shift_right_logical3A_327 : vector<16xi32>
      %shift_right_logical3A_329 = arith.constant 15 : i32
      %shift_right_logical3A_330 = vector.broadcast %shift_right_logical3A_329 : i32 to vector<16xi32>
      %shift_right_logical3A_331 = arith.shrui %get3A_325, %shift_right_logical3A_330 : vector<16xi32>
      %and3A_332 = arith.constant 127 : i32
      %and3A_333 = vector.broadcast %and3A_332 : i32 to vector<16xi32>
      %and3A_334 = arith.andi %shift_right_logical3A_328, %and3A_333 : vector<16xi32>
      %and3A_335 = arith.constant 255 : i32
      %and3A_336 = vector.broadcast %and3A_335 : i32 to vector<16xi32>
      %and3A_337 = arith.andi %get3A_325, %and3A_336 : vector<16xi32>
      %gather3A_338 = tpu.vector_load_idx %arg7[%and3A_334, %and3A_337] : memref<128x256xf32, #tpu.memory_space<vmem>>[vector<16xi32>, vector<16xi32>], vector<16xf32>,
      %eq3A_339 = arith.constant 1 : i32
      %eq3A_340 = vector.broadcast %eq3A_339 : i32 to vector<16xi32>
      %eq3A_341 = arith.cmpi eq, %shift_right_logical3A_331, %eq3A_340 : vector<16xi32>
      %jit3A_342 = arith.constant 0.000000e+00 : f32
      %broadcast_in_dim3A_343 = vector.broadcast %jit3A_342 : f32 to vector<16xf32>
      %select_n3A_344 = arith.select %eq3A_341, %gather3A_338, %broadcast_in_dim3A_343 : vector<16xi1>, vector<16xf32>
      %add3A_345 = arith.addf %add3A_320, %select_n3A_344 : vector<16xf32>
      %mul3A_346 = arith.mulf %select_n3A_344, %select_n3A_344 : vector<16xf32>
      %add3A_347 = arith.addf %add3A_322, %mul3A_346 : vector<16xf32>
      %mul3A_348 = arith.constant 16 : i32
      %mul3A_349 = arith.muli %scan3A_244, %mul3A_348 : i32
      %get3A_350 = arith.index_cast %mul3A_349 : i32 to index
      %get3A_351 = tpu.vector_load %arg9[%get3A_350] {strides = array<i32>} : memref<320xf32, #tpu.memory_space<vmem>>, vector<16xf32>,
      %add3A_352 = arith.addf %get3A_351, %add3A_345 : vector<16xf32>
      %reduce_sum3A_353 = arith.constant true
      %reduce_sum3A_354 = vector.broadcast %reduce_sum3A_353 : i1 to vector<16xi1>
      %reduce_sum3A_355 = tpu.scan <sum>, %add3A_352 masked %reduce_sum3A_354 : vector<16xf32>, vector<16xi1> -> vector<16xf32>
      %reduce_sum3A_356 = vector.extract %reduce_sum3A_355[15] : f32 from vector<16xf32>
      %mul3A_357 = arith.mulf %reduce_sum3A_356, %reduce_sum3A_356 : f32
      %add3A_358 = arith.addf %scan3A_248, %mul3A_357 : f32
      %eq3A_359 = vector.broadcast %scan3A_244 : i32 to vector<16xi32>
      %eq3A_360 = arith.cmpi eq, %iota3A, %eq3A_359 : vector<16xi32>
      %jit3A_361 = arith.constant 0.000000e+00 : f32
      %broadcast_in_dim3A_362 = vector.broadcast %reduce_sum3A_356 : f32 to vector<16xf32>
      %broadcast_in_dim3A_363 = vector.broadcast %jit3A_361 : f32 to vector<16xf32>
      %select_n3A_364 = arith.select %eq3A_360, %broadcast_in_dim3A_362, %broadcast_in_dim3A_363 : vector<16xi1>, vector<16xf32>
      %add3A_365 = arith.addf %scan3A_246, %select_n3A_364 : vector<16xf32>
      %sub3A_366 = arith.constant 16 : i32
      %sub3A_367 = arith.subi %scan3A_244, %sub3A_366 : i32
      %eq3A_368 = vector.broadcast %sub3A_367 : i32 to vector<16xi32>
      %eq3A_369 = arith.cmpi eq, %iota3A, %eq3A_368 : vector<16xi32>
      %jit3A_370 = arith.constant 0.000000e+00 : f32
      %broadcast_in_dim3A_371 = vector.broadcast %reduce_sum3A_356 : f32 to vector<16xf32>
      %broadcast_in_dim3A_372 = vector.broadcast %jit3A_370 : f32 to vector<16xf32>
      %select_n3A_373 = arith.select %eq3A_369, %broadcast_in_dim3A_371, %broadcast_in_dim3A_372 : vector<16xi1>, vector<16xf32>
      %add3A_374 = arith.addf %scan3A_247, %select_n3A_373 : vector<16xf32>
      scf.yield %add3A_347, %add3A_365, %add3A_374, %add3A_358 : vector<16xf32>, vector<16xf32>, vector<16xf32>, f32
    }
    %scan3A_220 = arith.constant 20 : i32
    %reduce_sum3A = arith.constant true
    %reduce_sum3A_221 = vector.broadcast %reduce_sum3A : i1 to vector<16xi1>
    %reduce_sum3A_222 = tpu.scan <sum>, %scan3A_219#0 masked %reduce_sum3A_221 : vector<16xf32>, vector<16xi1> -> vector<16xf32>
    %reduce_sum3A_223 = vector.extract %reduce_sum3A_222[15] : f32 from vector<16xf32>
    %swap3A = arith.constant 0 : index
    %swap3A_224 = tpu.vector_load %arg10[%swap3A] {strides = array<i32>} : memref<48xf32, #tpu.memory_space<vmem>>, vector<16xf32>,
    tpu.vector_store %arg10[%swap3A], %scan3A_219#1 {strides = array<i32>} : memref<48xf32, #tpu.memory_space<vmem>>, vector<16xf32>,
    %swap3A_225 = arith.constant 16 : index
    %swap3A_226 = tpu.vector_load %arg10[%swap3A_225] {strides = array<i32>} : memref<48xf32, #tpu.memory_space<vmem>>, vector<16xf32>,
    tpu.vector_store %arg10[%swap3A_225], %scan3A_219#2 {strides = array<i32>} : memref<48xf32, #tpu.memory_space<vmem>>, vector<16xf32>,
    %eq3A_227 = arith.constant 0 : i32
    %eq3A_228 = vector.broadcast %eq3A_227 : i32 to vector<16xi32>
    %eq3A_229 = arith.cmpi eq, %iota3A, %eq3A_228 : vector<16xi32>
    %jit3A_230 = arith.constant 0.000000e+00 : f32
    %broadcast_in_dim3A_231 = vector.broadcast %reduce_sum3A_223 : f32 to vector<16xf32>
    %broadcast_in_dim3A_232 = vector.broadcast %jit3A_230 : f32 to vector<16xf32>
    %select_n3A_233 = arith.select %eq3A_229, %broadcast_in_dim3A_231, %broadcast_in_dim3A_232 : vector<16xi1>, vector<16xf32>
    %eq3A_234 = arith.constant 1 : i32
    %eq3A_235 = vector.broadcast %eq3A_234 : i32 to vector<16xi32>
    %eq3A_236 = arith.cmpi eq, %iota3A, %eq3A_235 : vector<16xi32>
    %jit3A_237 = arith.constant 0.000000e+00 : f32
    %broadcast_in_dim3A_238 = vector.broadcast %scan3A_219#3 : f32 to vector<16xf32>
    %broadcast_in_dim3A_239 = vector.broadcast %jit3A_237 : f32 to vector<16xf32>
    %select_n3A_240 = arith.select %eq3A_236, %broadcast_in_dim3A_238, %broadcast_in_dim3A_239 : vector<16xi1>, vector<16xf32>
    %add3A_241 = arith.addf %select_n3A_233, %select_n3A_240 : vector<16xf32>
    %swap3A_242 = arith.constant 32 : index
    %swap3A_243 = tpu.vector_load %arg10[%swap3A_242] {strides = array<i32>} : memref<48xf32, #tpu.memory_space<vmem>>, vector<16xf32>,
    tpu.vector_store %arg10[%swap3A_242], %add3A_241 {strides = array<i32>} : memref<48xf32, #tpu.memory_space<vmem>>, vector<16xf32>,
    "tpu.region"() ({
      %run_scoped3A = tpu.sem_alloc : memref<!tpu.dma_semaphore, #tpu.memory_space<semaphore_mem>>
      %dma_start3A_244 = arith.constant 0 : i32
      %dma_start3A_245 = tpu.memref_slice %arg4[%add3A, %dma_start3A_244] : memref<32x48xf32, #tpu.memory_space<hbm>> -> memref<1x48xf32, #tpu.memory_space<hbm>>
      %dma_start3A_246 = tpu.memref_squeeze %dma_start3A_245 : memref<1x48xf32, #tpu.memory_space<hbm>> -> memref<48xf32, #tpu.memory_space<hbm>>
      %dma_start3A_247 = arith.constant 0 : i32
      %dma_start3A_248 = tpu.memref_slice %arg4[%add3A, %dma_start3A_247] : memref<32x48xf32, #tpu.memory_space<hbm>> -> memref<1x48xf32, #tpu.memory_space<hbm>>
      %dma_start3A_249 = tpu.memref_squeeze %dma_start3A_248 : memref<1x48xf32, #tpu.memory_space<hbm>> -> memref<48xf32, #tpu.memory_space<hbm>>
      tpu.enqueue_dma source(%arg10 : memref<48xf32, #tpu.memory_space<vmem>>) target(%dma_start3A_249 : memref<48xf32, #tpu.memory_space<hbm>>) target_semaphore(%run_scoped3A : memref<!tpu.dma_semaphore, #tpu.memory_space<semaphore_mem>>)
      %dma_wait3A_250 = arith.constant 0 : i32
      %dma_wait3A_251 = tpu.memref_slice %arg4[%add3A, %dma_wait3A_250] : memref<32x48xf32, #tpu.memory_space<hbm>> -> memref<1x48xf32, #tpu.memory_space<hbm>>
      %dma_wait3A_252 = tpu.memref_squeeze %dma_wait3A_251 : memref<1x48xf32, #tpu.memory_space<hbm>> -> memref<48xf32, #tpu.memory_space<hbm>>
      %dma_wait3A_253 = arith.constant 0 : i32
      %dma_wait3A_254 = tpu.memref_slice %arg4[%add3A, %dma_wait3A_253] : memref<32x48xf32, #tpu.memory_space<hbm>> -> memref<1x48xf32, #tpu.memory_space<hbm>>
      %dma_wait3A_255 = tpu.memref_squeeze %dma_wait3A_254 : memref<1x48xf32, #tpu.memory_space<hbm>> -> memref<48xf32, #tpu.memory_space<hbm>>
      tpu.wait_dma2 semaphore(%run_scoped3A : memref<!tpu.dma_semaphore, #tpu.memory_space<semaphore_mem>>) src(%arg10 : memref<48xf32, #tpu.memory_space<vmem>>) dst(%dma_wait3A_255 : memref<48xf32, #tpu.memory_space<hbm>>)
      tpu.yield
    }) : () -> ()
    return
  }
}

module attributes {stable_mosaic.version = 14 : i64} {
  func.func @body(%arg0: memref<32x48xf32, #tpu.memory_space<vmem>>, %arg1: memref<1x1xf32, #tpu.memory_space<vmem>>, %arg2: memref<1x1xf32, #tpu.memory_space<vmem>>) attributes {dimension_semantics = [], scalar_prefetch = 0 : i64, scratch_operands = 0 : i64, tpu.core_type = #tpu.core_type<tc>} {
    %get3A = arith.constant 0 : index
    %get3A_0 = arith.constant 0 : index
    %get3A_1 = vector.load %arg0[%get3A, %get3A_0] : memref<32x48xf32, #tpu.memory_space<vmem>>, vector<32x48xf32>
    %slice3A = vector.extract_strided_slice %get3A_1 {offsets = [0, 32], sizes = [32, 1], strides = [1, 1]} : vector<32x48xf32> to vector<32x1xf32>
    %reduce_sum3A = vector.shape_cast %slice3A : vector<32x1xf32> to vector<1x32x1xf32>
    %reduce_sum3A_2 = arith.constant dense<0.000000e+00> : vector<1xf32>
    %reduce_sum3A_3 = vector.multi_reduction <add>, %reduce_sum3A, %reduce_sum3A_2 [1, 2] : vector<1x32x1xf32> to vector<1xf32>
    %reduce_sum3A_4 = vector.shape_cast %reduce_sum3A_3 : vector<1xf32> to vector<1x1x1xf32>
    %reduce_sum3A_5 = vector.extract %reduce_sum3A_4[0, 0, 0] : f32 from vector<1x1x1xf32>
    %slice3A_6 = vector.extract_strided_slice %get3A_1 {offsets = [0, 33], sizes = [32, 1], strides = [1, 1]} : vector<32x48xf32> to vector<32x1xf32>
    %reduce_sum3A_7 = vector.shape_cast %slice3A_6 : vector<32x1xf32> to vector<1x32x1xf32>
    %reduce_sum3A_8 = arith.constant dense<0.000000e+00> : vector<1xf32>
    %reduce_sum3A_9 = vector.multi_reduction <add>, %reduce_sum3A_7, %reduce_sum3A_8 [1, 2] : vector<1x32x1xf32> to vector<1xf32>
    %reduce_sum3A_10 = vector.shape_cast %reduce_sum3A_9 : vector<1xf32> to vector<1x1x1xf32>
    %reduce_sum3A_11 = vector.extract %reduce_sum3A_10[0, 0, 0] : f32 from vector<1x1x1xf32>
    %mul3A = arith.constant 1.562500e-02 : f32
    %mul3A_12 = arith.mulf %reduce_sum3A_5, %mul3A : f32
    %mul3A_13 = arith.constant 2.44140625E-4 : f32
    %mul3A_14 = arith.mulf %reduce_sum3A_11, %mul3A_13 : f32
    %sub3A = arith.subf %mul3A_12, %mul3A_14 : f32
    %mul3A_15 = arith.constant 2.500000e-01 : f32
    %mul3A_16 = arith.mulf %mul3A_15, %sub3A : f32
    %reshape3A = vector.shape_cast %get3A_1 : vector<32x48xf32> to vector<8x4x48xf32>
    %reduce_sum3A_17 = arith.constant dense<0.000000e+00> : vector<8x48xf32>
    %reduce_sum3A_18 = vector.multi_reduction <add>, %reshape3A, %reduce_sum3A_17 [1] : vector<8x4x48xf32> to vector<8x48xf32>
    %slice3A_19 = vector.extract_strided_slice %reduce_sum3A_18 {offsets = [0, 0], sizes = [8, 32], strides = [1, 1]} : vector<8x48xf32> to vector<8x32xf32>
    %mul3A_20 = arith.constant 1.562500e-02 : f32
    %mul3A_21 = vector.broadcast %mul3A_20 : f32 to vector<8x32xf32>
    %mul3A_22 = arith.mulf %slice3A_19, %mul3A_21 : vector<8x32xf32>
    %iota3A = tpu.iota {dimensions = array<i32: 1>} : vector<8x32x32xi32>
    %iota3A_23 = tpu.iota {dimensions = array<i32: 2>} : vector<8x32x32xi32>
    %broadcast_in_dim3A = vector.shape_cast %mul3A_22 : vector<8x32xf32> to vector<8x32x1xf32>
    %broadcast_in_dim3A_24 = vector.shape_cast %mul3A_22 : vector<8x32xf32> to vector<8x1x32xf32>
    %sub3A_25 = vector.broadcast %broadcast_in_dim3A : vector<8x32x1xf32> to vector<8x32x32xf32>
    %sub3A_26 = vector.broadcast %broadcast_in_dim3A_24 : vector<8x1x32xf32> to vector<8x32x32xf32>
    %sub3A_27 = arith.subf %sub3A_25, %sub3A_26 : vector<8x32x32xf32>
    %abs3A = math.absf %sub3A_27 : vector<8x32x32xf32>
    %sub3A_28 = arith.constant 2.000000e+00 : f32
    %sub3A_29 = vector.broadcast %sub3A_28 : f32 to vector<8x32x32xf32>
    %sub3A_30 = arith.subf %sub3A_29, %abs3A : vector<8x32x32xf32>
    %max3A = arith.constant 0.000000e+00 : f32
    %max3A_31 = vector.broadcast %max3A : f32 to vector<8x32x32xf32>
    %max3A_32 = arith.maximumf %sub3A_30, %max3A_31 : vector<8x32x32xf32>
    %lt3A = arith.constant 20 : i32
    %lt3A_33 = vector.broadcast %lt3A : i32 to vector<8x32x32xi32>
    %lt3A_34 = arith.cmpi slt, %iota3A, %lt3A_33 : vector<8x32x32xi32>
    %lt3A_35 = arith.constant 20 : i32
    %lt3A_36 = vector.broadcast %lt3A_35 : i32 to vector<8x32x32xi32>
    %lt3A_37 = arith.cmpi slt, %iota3A_23, %lt3A_36 : vector<8x32x32xi32>
    %and3A = arith.andi %lt3A_34, %lt3A_37 : vector<8x32x32xi1>
    %ne3A = arith.cmpi ne, %iota3A, %iota3A_23 : vector<8x32x32xi32>
    %and3A_38 = arith.andi %and3A, %ne3A : vector<8x32x32xi1>
    %jit3A = arith.constant 0.000000e+00 : f32
    %broadcast_in_dim3A_39 = vector.broadcast %jit3A : f32 to vector<8x32x32xf32>
    %select_n3A = arith.select %and3A_38, %max3A_32, %broadcast_in_dim3A_39 : vector<8x32x32xi1>, vector<8x32x32xf32>
    %reduce_sum3A_40 = vector.shape_cast %select_n3A : vector<8x32x32xf32> to vector<1x8x32x32xf32>
    %reduce_sum3A_41 = arith.constant dense<0.000000e+00> : vector<1xf32>
    %reduce_sum3A_42 = vector.multi_reduction <add>, %reduce_sum3A_40, %reduce_sum3A_41 [1, 2, 3] : vector<1x8x32x32xf32> to vector<1xf32>
    %reduce_sum3A_43 = vector.shape_cast %reduce_sum3A_42 : vector<1xf32> to vector<1x1x1x1xf32>
    %reduce_sum3A_44 = vector.extract %reduce_sum3A_43[0, 0, 0, 0] : f32 from vector<1x1x1x1xf32>
    %mul3A_45 = arith.constant 2.500000e-01 : f32
    %mul3A_46 = arith.mulf %mul3A_45, %reduce_sum3A_44 : f32
    %div3A = arith.constant 3.800000e+02 : f32
    %div3A_47 = arith.divf %mul3A_46, %div3A : f32
    %broadcast_in_dim3A_48 = arith.constant 0.000000e+00 : f32
    %broadcast_in_dim3A_49 = vector.broadcast %broadcast_in_dim3A_48 : f32 to vector<1x1xf32>
    %add3A = vector.broadcast %mul3A_16 : f32 to vector<1x1xf32>
    %add3A_50 = arith.addf %broadcast_in_dim3A_49, %add3A : vector<1x1xf32>
    %swap3A = arith.constant 0 : index
    %swap3A_51 = arith.constant 0 : index
    %swap3A_52 = vector.load %arg1[%swap3A, %swap3A_51] : memref<1x1xf32, #tpu.memory_space<vmem>>, vector<1x1xf32>
    tpu.vector_store %arg1[%swap3A, %swap3A_51], %add3A_50 {strides = array<i32>} : memref<1x1xf32, #tpu.memory_space<vmem>>, vector<1x1xf32>,
    %broadcast_in_dim3A_53 = arith.constant 0.000000e+00 : f32
    %broadcast_in_dim3A_54 = vector.broadcast %broadcast_in_dim3A_53 : f32 to vector<1x1xf32>
    %add3A_55 = vector.broadcast %div3A_47 : f32 to vector<1x1xf32>
    %add3A_56 = arith.addf %broadcast_in_dim3A_54, %add3A_55 : vector<1x1xf32>
    %swap3A_57 = arith.constant 0 : index
    %swap3A_58 = arith.constant 0 : index
    %swap3A_59 = vector.load %arg2[%swap3A_57, %swap3A_58] : memref<1x1xf32, #tpu.memory_space<vmem>>, vector<1x1xf32>
    tpu.vector_store %arg2[%swap3A_57, %swap3A_58], %add3A_56 {strides = array<i32>} : memref<1x1xf32, #tpu.memory_space<vmem>>, vector<1x1xf32>,
    return
  }
}

</mosaic_0001>

<sc_bundles>
// kernel: kernel.4.cloned.1.call-start
scs
__scs_entry_jumppad:
0x0: {  	(pc) =	sbr.rel $0x88, $3  }
0x1: {  	(tag) =	ssettag $0x0;
	lr =	simm.s32 $0x1  }
0x2: {  	[smem:$0x3F9F] =	sst lr;
	_ =	strace $0xD0000000  }
0x3: {  	_ = 	snop  }
0x4: {  	_ = 	snop  }
0x5: {  	_ = 	snop  }
0x6: {  	_ = 	snop  }
0x7: {  	_ = 	snop  }
__scs_overlays_trampoline_lowered:
0x8: {  	[smem:$0x3FAE] =	sst s0  }
0x9: {  	[smem:$0x3FAF] =	sst s1  }
0xa: {  	[smem:$0x3FB0] =	sst s2  }
0xb: {  	[smem:$0x3FB1] =	sst s3  }
0xc: {  	[smem:$0x3FB2] =	sst s4  }
0xd: {  	[smem:$0x3FB3] =	sst s5  }
0xe: {  	[smem:$0x3FB4] =	sst s6  }
0xf: {  	[smem:$0x3FB5] =	sst s7  }
0x10: {  	[smem:$0x3FB6] =	sst s8  }
0x11: {  	[smem:$0x3FB7] =	sst s9;
	s0 =	simm.s32 @!p0 $0x0  }
0x12: {  	s1 =	sld [smem:$0x3F9D];
	s0 =	simm.s32 @p0 $0x1  }
0x13: {  	[smem:$0x3FB8] =	sst s0;
	s0 =	simm.s32 @!p1 $0x0  }
0x14: {  	s2 =	sld [smem:$0x3F9C];
	s0 =	simm.s32 @p1 $0x1  }
0x15: {  	[smem:$0x3FB9] =	sst s0;
	s0 =	simm.s32 @!p2 $0x0  }
0x16: {  	s3 =	sld [smem:$0x3FDB];
	s0 =	simm.s32 @p2 $0x1  }
0x17: {  	s4 =	simm.s32 $0x1BF5;
	[smem:$0x3FBB] =	sst s0  }
0x18: {  	s0 =	sld [smem:$0x3F9E];
	_ =	swait.ge [sflag:s4], $0x0  }
0x19: {  	s7 =	sld [smem:$0x3F9F]  }
0x1a: {  	s8 =	sadd.s32 $0xFFFFE003, lr  }
0x1b: {  	s9 =	sadd.s32 $0xFFFFFEF7, lr;
	s5 =	simm.s32 $0xFFFFFFFF;
	p2 =	slt.u32 s8, $0xFFFFF086  }
0x1c: {  	p1 =	slt.u32 s9, $0xF7A;
	s5 =	simm.s32 @!p2 $0x0  }
0x1d: {  	s5 =	simm.s32 @p1 $0x1;
	p0 =	seq.s32 s7, s2  }
0x1e: {  	s7 =	smul.u32 @!p0 $0xF7A, s2;
	p2 =	seq.s32 @!p0 s5, $0x0  }
0x1f: {  	s9 =	smul.u32 $0xF7A, s1;
	s8 =	simm.s32 @!p0 $0x1BF5;
	p2 =	por !p2, p0  }
0x20: {  	[sflag:s8] =	ssyncset.s32 @!p0 $0xFFFFF086;
	s6 =	sadd.s32 @!p0 s3, s7;
	s7 =	simm.s32 @!p0 $0x108  }
0x21: {  	s3 =	sadd.s32 s3, s9;
	s6 =	sadd.s32 @!p0 $0x88, s6;
	s7 =	simm.s32 @p2 $0x1082  }
0x22: {  	[simem:s7], [sflag:s8] =	dma.local @!p0 [hbm:s6], $0xF7A  }
0x23: {  	s9 =	sor.u32 $0xD0000000, s2;
	s6 =	simm.s32 $0x108;
	_ =	swait.ge @!p0 [sflag:s8], $0x0  }
0x24: {  	s3 =	sadd.s32 $0x88, s3;
	s6 =	simm.s32 @!p1 $0x1082;
	[sflag:s4] =	ssyncset.s32 $0xFFFFF086  }
0x25: {  	[simem:s6], [sflag:s4] =	dma.local [hbm:s3], $0xF7A  }
0x26: {  	[smem:$0x3F9F] =	sst s1;
	(tag) =	ssettag s2;
	_ =	strace s9  }
0x27: {  	s1 =	sld [smem:$0x3FAF]  }
0x28: {  	s2 =	sld [smem:$0x3FB0]  }
0x29: {  	s4 =	sld [smem:$0x3FB2]  }
0x2a: {  	p0 =	seq.s32 s5, $0x0;
	s5 =	sld [smem:$0x3FB3]  }
0x2b: {  	s6 =	sld [smem:$0x3FB4]  }
0x2c: {  	s7 =	sld [smem:$0x3FB5]  }
0x2d: {  	s3 =	simm.s32 $0x108;
	s8 =	sld [smem:$0x3FB6]  }
0x2e: {  	s3 =	simm.s32 @!p0 $0x1082;
	s9 =	sld [smem:$0x3FB7]  }
0x2f: {  	lr =	sadd.s32 s0, s3;
	s0 =	sld [smem:$0x3FAE]  }
0x30: {  	s3 =	sld [smem:$0x3FB1]  }
0x31: {  	[smem:$0x3FBA] =	sst s10  }
0x32: {  	s10 =	sld [smem:$0x3FB8];
	_ =	sdelay $0x3  }
0x33: {  	p0 =	seq.s32 s10, $0x1;
	s10 =	sld [smem:$0x3FBA];
	_ =	sdelay $0x3  }
0x34: {  	[smem:$0x3FBA] =	sst s10  }
0x35: {  	s10 =	sld [smem:$0x3FB9];
	_ =	sdelay $0x3  }
0x36: {  	p1 =	seq.s32 s10, $0x1;
	s10 =	sld [smem:$0x3FBA];
	_ =	sdelay $0x3  }
0x37: {  	[smem:$0x3FBA] =	sst s10  }
0x38: {  	s10 =	sld [smem:$0x3FBB]  }
0x39: {  	_ = 	snop;
	(pc) =	sbr.ind lr, $3  }
0x3a: {  	_ = 	snop  }
0x3b: {  	_ = 	snop  }
0x3c: {  	p2 =	seq.s32 s10, $0x1;
	s10 =	sld [smem:$0x3FBA]  }
0x3d: {  	_ =	shalt  }
0x3e: {  	_ =	shalt  }
0x3f: {  	_ =	shalt  }
0x40: {  	_ =	shalt  }
0x41: {  	_ =	shalt  }
0x42: {  	_ =	shalt  }
0x43: {  	_ =	shalt  }
0x44: {  	_ =	shalt  }
0x45: {  	_ =	shalt  }
0x46: {  	_ =	shalt  }
0x47: {  	_ =	shalt  }
0x48: {  	_ =	shalt  }
0x49: {  	_ =	shalt  }
0x4a: {  	_ =	shalt  }
0x4b: {  	_ =	shalt  }
0x4c: {  	_ =	shalt  }
0x4d: {  	_ =	shalt  }
0x4e: {  	_ =	shalt  }
0x4f: {  	_ =	shalt  }
0x50: {  	_ =	shalt  }
0x51: {  	_ =	shalt  }
0x52: {  	_ =	shalt  }
0x53: {  	_ =	shalt  }
0x54: {  	_ =	shalt  }
0x55: {  	_ =	shalt  }
0x56: {  	_ =	shalt  }
0x57: {  	_ =	shalt  }
0x58: {  	_ =	shalt  }
0x59: {  	_ =	shalt  }
0x5a: {  	_ =	shalt  }
0x5b: {  	_ =	shalt  }
0x5c: {  	_ =	shalt  }
0x5d: {  	_ =	shalt  }
0x5e: {  	_ =	shalt  }
0x5f: {  	_ =	shalt  }
0x60: {  	_ =	shalt  }
0x61: {  	_ =	shalt  }
0x62: {  	_ =	shalt  }
0x63: {  	_ =	shalt  }
0x64: {  	_ =	shalt  }
0x65: {  	_ =	shalt  }
0x66: {  	_ =	shalt  }
0x67: {  	_ =	shalt  }
0x68: {  	_ =	shalt  }
0x69: {  	_ =	shalt  }
0x6a: {  	_ =	shalt  }
0x6b: {  	_ =	shalt  }
0x6c: {  	_ =	shalt  }
0x6d: {  	_ =	shalt  }
0x6e: {  	_ =	shalt  }
0x6f: {  	_ =	shalt  }
0x70: {  	_ =	shalt  }
0x71: {  	_ =	shalt  }
0x72: {  	_ =	shalt  }
0x73: {  	_ =	shalt  }
0x74: {  	_ =	shalt  }
0x75: {  	_ =	shalt  }
0x76: {  	_ =	shalt  }
0x77: {  	_ =	shalt  }
0x78: {  	_ =	shalt  }
0x79: {  	_ =	shalt  }
0x7a: {  	_ =	shalt  }
0x7b: {  	_ =	shalt  }
0x7c: {  	_ =	shalt  }
0x7d: {  	_ =	shalt  }
0x7e: {  	_ =	shalt  }
0x7f: {  	_ =	shalt  }
0x80: {  	_ =	shalt  }
0x81: {  	_ =	shalt  }
0x82: {  	_ =	shalt  }
0x83: {  	_ =	shalt  }
0x84: {  	_ =	shalt  }
0x85: {  	_ =	shalt  }
0x86: {  	_ =	shalt  }
0x87: {  	_ =	shalt  }
.Lfunc_end0:
.L_simem_size_0:
called_computation_lowered:
.L_overlay_start_0:
0x88: {  	s2 =	sld [smem:$0x3FD9]  }
0x89: {  	s3 =	sld [smem:$0x3FFE];
	_ =	sdelay $0x1  }
0x8a: {  	s1 =	srdreg.scid  }
0x8b: {  	s0 =	sand.u32 $0x1, s1  }
0x8c: {  	s17 =	sshll.u32 s0, $0xA;
	s2 =	sadd.s32 s3, s2  }
0x8d: {  	s2 =	sadd.s32 s2, s17  }
0x8e: {  	[smem:$0x3FC6] =	sst s2  }
0x8f: {  	_ = 	snop  }
0x90: {  	s2 =	sld [smem:$0x3FC9]  }
0x91: {  	s18 =	sld [smem:$0x3FC8];
	(tm) =	ssettm $0x1  }
0x92: {  	s4 =	sld [smem:$0x3FFB];
	_ =	sdelay $0x3  }
0x93: {  	_ =	strace s4  }
0x94: {  	s4 =	sld [smem:$0x3FFC];
	_ =	sdelay $0x3  }
0x95: {  	_ =	strace s4  }
0x96: {  	s4 =	sld [smem:$0x3FFD];
	_ =	sdelay $0x3  }
0x97: {  	_ =	strace s4  }
0x98: {  	_ =	strace $0x8FFFFFFF  }
0x99: {  	s19 =	sld [smem:$0x3FDB];
	_ =	sdelay $0x1  }
0x9a: {  	s5 =	simm.s32 $_scs_section_size  }
0x9b: {  	s6 =	simm.s32 $_size__tile_overlayer_lowered;
	s7 =	simm.s32 $_tile_overlayer_lowered  }
0x9c: {  	s22 =	simm.s32 $0x1BFF;
	s21 =	sshll.u32 s7, $0x1;
	s4 =	sadd.s32 s5, s19  }
0x9d: {  	s8 =	simm.s32 $0x0;
	s20 =	sshll.u32 s6, $0x1;
	s6 =	sadd.s32 s21, s4  }
0x9e: {  	[timem:s8], [sflag:s22] =	dma.local [hbm:s6], s20  }
0x9f: {  	_ =	swait.ge [sflag:s22], s20  }
0xa0: {  	s5 =	ssub.s32 $0x0, s20;
	[sflag:s22] =	ssyncset.done $0x0  }
0xa1: {  	[sflag:s22] =	ssyncadd.s32 s5;
	_ =	sdelay $0x1  }
0xa2: {  	s23 =	simm.s32 $0x1B8B  }
0xa3: {  	_ =	swait.ge [sflag:s23], $0x1  }
0xa4: {  	[sflag:s23] =	ssyncset.done $0x0  }
0xa5: {  	s25 =	simm.s32 $0x1B8E;
	s24 =	sld [smem:$0x3FFE];
	[sflag:s23] =	ssyncadd.s32 $0xFFFFFFFF  }
0xa6: {  	s26 =	simm.s32 $execute0_lowered;
	[smem:$0x3FD2] =	sst s25  }
0xa7: {  	s6 =	sshll.u32 s26, $0x1;
	_ =	strace $0x80000046;
	[dreg:$0x1] =	wrdreg $0xFFFFFFFF  }
0xa8: {  	s28 =	simm.s32 $_size_execute0_lowered;
	s4 =	sadd.s32 s4, s6;
	[dreg:$0x0] =	wrdreg $0x0  }
0xa9: {  	s6 =	sshll.u32 s28, $0x1;
	[dreg:$0x2] =	wrdreg s4  }
0xaa: {  	[dreg:$0x3] =	wrdreg s6  }
0xab: {  	[dreg:$0x4] =	wrdreg $0xC0  }
0xac: {  	_ =	task [dreg:s8], $0x5FFFF  }
0xad: {  	[dreg:$0x1] =	wrdreg $0xFFFFFFFF  }
0xae: {  	[dreg:$0x0] =	wrdreg $0x60  }
0xaf: {  	[dreg:$0x2] =	wrdreg s2  }
0xb0: {  	[dreg:$0x3] =	wrdreg s18  }
0xb1: {  	[dreg:$0x4] =	wrdreg s24  }
0xb2: {  	[dreg:$0x5] =	wrdreg $0x9  }
0xb3: {  	_ =	task.clear_ibuf [dreg:s8], $0x6FFFF;
	_ =	strace $0x90000046  }
0xb4: {  	s29 =	simm.s32 $0x9;
	_ =	strace $0x80000048  }
0xb5: {  	_ =	swait.ge [sflag:s29], $0x1  }
0xb6: {  	[sflag:s29] =	ssyncadd.s32 $0xFFFFFFFF  }
0xb7: {  	_ =	strace $0x90000048  }
0xb8: {  	_ =	sfence  }
0xb9: {  	s30 =	sld [smem:$0x0];
	_ =	sdelay $0x2  }
0xba: {  	s31 =	sshll.u32 s1, $0xD;
	s1 =	sshrl.u32 s1, $0x2  }
0xbb: {  	s3 =	sand.u32 $0x4000, s31;
	s1 =	sadd.s32 s1, s30  }
0xbc: {  	s0 =	sor.u32 s3, s0;
	s1 =	sshll.u32 s1, $0x11  }
0xbd: {  	s0 =	sor.u32 s1, s0  }
0xbe: {  	s0 =	sadd.s32 $0x8F2B, s0  }
0xbf: {  	[sflag:s0] =	ssyncadd.remote.s32 $0x1  }
0xc0: {  	_ =	sfence.sel $0xFFFF  }
0xc1: {  	[dreg:$0x0] =	wrdreg $0xFFFFFFFF;
	(pc) =	sbr.abs _section_cstart, $3  }
0xc2: {  	[dreg:$0x1] =	wrdreg $0xFFFFFFFF  }
0xc3: {  	_ =	task.clear_ibuf [dreg:s8], $0x2FFFF;
	_ =	strace $0x9FFFFFFF  }
0xc4: {  	(tm) =	ssettm $0x7FFFFFFF  }
0xc5: {  	_ =	shalt  }
tec
execute0_lowered:
.L_overlay_start_1:
0x0: {  	(tag) =	ssettag $0x1  }
0x1: {  	s0 =	rddreg [dreg:$0x0]  }
0x2: {  	s1 =	rddreg [dreg:$0x1];
	s2 =	srdreg.scid  }
0x3: {  	s7 =	stileid.u32;
	s3 =	rddreg [dreg:$0x2];
	s14 =	simm.s32 $0xC00  }
0x4: {  	s15 =	simm.s32 $0x8C00;
	s16 =	simm.s32 $0x10C00;
	s19 =	simm.s32 $0x4  }
0x5: {  	s20 =	simm.s32 $0x1;
	s21 =	simm.s32 $0x2;
	s22 =	simm.s32 $0x3  }
0x6: {  	s23 =	simm.s32 $0x18D80;
	s4 =	sand.u32 $0x1, s2;
	s31 =	sshll.u32 s7, $0x1  }
0x7: {  	s24 =	simm.s32 $0x0;
	s2 =	simm.s32 $0x0;
	s5 =	sor.u32 s4, s31  }
0x8: {  	s7 =	sshll.u32 s7, $0x3;
	[smem:$0x7FF] =	sst s2;
	s6 =	sshll.u32 s5, $0x2  }
0x9: {  	s7 =	sand.u32 $0x70, s7;
	s4 =	ssub.s32 $0x2, s4;
	s6 =	sand.u32 $0xC, s6  }
0xa: {  	_ =	strace $0x80000047;
	s5 =	sshll.u32 s5, $0x4;
	s6 =	sor.u32 s7, s6  }
0xb: {  	s8 =	sshrl.u32 s4, $0x1;
	s12 =	sadd.s32 s5, s3;
	s6 =	sshll.u32 s6, $0xD  }
0xc: {  	s13 =	ssub.s32 s4, s8;
	s12 =	sadd.s32 $0x800, s12;
	s3 =	sadd.s32 s0, s6  }
0xd: {  	s13 =	smax.u32 s13, $0x1;
	s6 =	sadd.s32 s1, s7;
	s4 =	sadd.s32 $0x1000, s3  }
0xe: {  	s5 =	sadd.s32 $0x2000, s3;
	s7 =	sadd.s32 $0x3000, s3;
	s8 =	sadd.s32 $0x4000, s3  }
0xf: {  	v0 =	vlaneseq.u32;
	vm0 =	vcmask $0x704;
	s9 =	sadd.s32 $0x5000, s3;
	s10 =	sadd.s32 $0x6000, s3;
	s11 =	sadd.s32 $0x7000, s3  }
.LBB2_1:
0x10: {  	[tilespmem:s14], [sflag:$0x1] =	stream.linear.gather [hbm4b:s3+s2], $0x8000, $0x38;
	[tilespmem:$0x18E00] =	vst v63  }
0x11: {  	_ = 	snop  }
0x12: {  	[tilespmem:s15], [sflag:$0x2] =	stream.linear.gather [hbm4b:s4+s2], $0x8000, $0x38;
	[tilespmem:$0x18E00] =	vst v63  }
0x13: {  	_ = 	snop  }
0x14: {  	[tilespmem:s16], [sflag:$0x3] =	stream.linear.gather [hbm4b:s5+s2], $0x8000, $0x38;
	[tilespmem:$0x18E00] =	vst v63  }
0x15: {  	s0 =	simm.s32 $0x80;
	s1 =	simm.s32 $0x400  }
0x16: {  	[tilespmem:s2], [sflag:$0x4] =	stream.strided.gather [hbm4b:s6+s0], $0xA00, s1, s0, $0x38;
	[tilespmem:$0x18E00] =	vst v63  }
0x17: {  	_ =	swait.ge [sflag:s19], $0xA00  }
0x18: {  	[sflag:s19] =	ssyncset.done $0x0  }
0x19: {  	[sflag:s19] =	ssyncadd.s32 $0xFFFFF600  }
0x1a: {  	_ =	swait.ge [sflag:s20], $0x8000  }
0x1b: {  	[sflag:s20] =	ssyncset.done $0x0  }
0x1c: {  	s1 =	simm.s32 $0x20;
	[sflag:s20] =	ssyncadd.s32 $0xFFFF8000  }
0x1d: {  	v1 =	vld [tilespmem:s1+$0xFFFFFFE0];
	_ =	sdelay $0x1  }
0x1e: {  	v2 =	vld [tilespmem:s1+$0xFFFFFFF0];
	_ =	sdelay $0x1  }
0x1f: {  	v3 =	vld [tilespmem:s1+$0x0]  }
0x20: {  	v4 =	vshll.u32 v1, $0x3  }
0x21: {  	v7 =	vld [tilespmem:s1+$0x10];
	v5 =	vshrl.u32 v1, $0x1;
	v6 =	vand.u32 $0x787F, v1;
	v4 =	vand.u32 $0x400, v4  }
0x22: {  	v55 =	vshrl.u32 v2, $0x1;
	v5 =	vand.u32 $0x380, v5;
	v4 =	vor.u32 v4, v6  }
0x23: {  	v8 =	vand.u32 $0x787F, v2;
	v4 =	vor.u32 v5, v4;
	v5 =	vshll.u32 v2, $0x3  }
0x24: {  	v9 =	vshrl.u32 v3, $0x1;
	v56 =	vshll.u32 v3, $0x3;
	v5 =	vand.u32 $0x400, v5  }
0x25: {  	v10 =	vand.u32 $0x787F, v3;
	v6 =	vand.u32 $0x380, v55;
	v5 =	vor.u32 v5, v8  }
0x26: {  	v59 =	vshll.u32 v7, $0x3;
	v57 =	vand.u32 $0x400, v56;
	v5 =	vor.u32 v6, v5  }
0x27: {  	v60 =	vshrl.u32 v7, $0x1;
	v58 =	vand.u32 $0x380, v9;
	v6 =	vor.u32 v57, v10  }
0x28: {  	v62 =	vand.u32 $0x787F, v7;
	v61 =	vand.u32 $0x400, v59;
	v6 =	vor.u32 v58, v6  }
0x29: {  	v8 =	vor.u32 v61, v62;
	v10 =	vand.u32 $0x380, v60;
	v4 =	vld.idx.msk [tilespmem:v4+s14+$0x0], $0xffff  }
0x2a: {  	v8 =	vor.u32 v10, v8  }
0x2b: {  	v5 =	vld.idx.msk [tilespmem:v5+s14+$0x0], $0xffff;
	_ =	sdelay $0x1  }
0x2c: {  	vm1 =	vlt.u32 v1, $0x8000;
	v6 =	vld.idx.msk [tilespmem:v6+s14+$0x0], $0xffff  }
0x2d: {  	v1 =	vnsel vm1, $0x0, v4  }
0x2e: {  	v4 =	vld.idx.msk [tilespmem:v8+s14+$0x0], $0xffff;
	vm1 =	vlt.u32 v2, $0x8000;
	v63 =	vadd.f32 $0.0e+00, v1;
	v1 =	vmul.f32 v1, v1  }
0x2f: {  	v2 =	vimm.f32 $0.0e+00;
	v5 =	vnsel vm1, $0x0, v5;
	vm1 =	vlt.u32 v3, $0x8000  }
0x30: {  	v1 =	vadd.f32 v1, v2;
	v2 =	vadd.f32 v5, v63;
	v3 =	vmul.f32 v5, v5  }
0x31: {  	v5 =	vnsel vm1, $0x0, v6;
	vm1 =	vlt.u32 v7, $0x8000  }
0x32: {  	v1 =	vadd.f32 v3, v1;
	v2 =	vadd.f32 v5, v2;
	v3 =	vmul.f32 v5, v5  }
0x33: {  	v4 =	vnsel vm1, $0x0, v4  }
0x34: {  	s18 =	simm.s32 $0x40;
	s0 =	simm.s32 $0x0;
	v1 =	vadd.f32 v3, v1;
	v3 =	vadd.f32 v4, v2;
	v2 =	vmul.f32 v4, v4  }
.LBB2_2:
0x35: {  	s17 =	smov.u32 s18  }
0x36: {  	s25 =	sshra.s32 s18, $0x2;
	s1 =	sadd.s32 $0x80, s1;
	s17 =	sadd.s32 $0x40, s18  }
0x37: {  	p0 =	sne.s32 s18, $0x4C0;
	v1 =	vadd.f32 v2, v1;
	[tilespmem:s0+$0x18C00] =	vst v3;
	s0 =	smov.u32 s25  }
0x38: {  	v2 =	vld [tilespmem:s1+$0xFFFFFFE0];
	_ =	sdelay $0x1  }
0x39: {  	v3 =	vld [tilespmem:s1+$0xFFFFFFF0];
	_ =	sdelay $0x1  }
0x3a: {  	v4 =	vld [tilespmem:s1+$0x0]  }
0x3b: {  	v5 =	vshll.u32 v2, $0x3;
	v6 =	vshrl.u32 v2, $0x1  }
0x3c: {  	v7 =	vand.u32 $0x787F, v2;
	v5 =	vand.u32 $0x400, v5  }
0x3d: {  	v6 =	vand.u32 $0x380, v6;
	v5 =	vor.u32 v5, v7;
	v7 =	vshrl.u32 v3, $0x1;
	v8 =	vld [tilespmem:s1+$0x10]  }
0x3e: {  	v9 =	vand.u32 $0x787F, v3;
	v5 =	vor.u32 v6, v5;
	v6 =	vshll.u32 v3, $0x3  }
0x3f: {  	v7 =	vand.u32 $0x380, v7;
	v6 =	vand.u32 $0x400, v6;
	v10 =	vshrl.u32 v4, $0x1  }
0x40: {  	v11 =	vand.u32 $0x787F, v4;
	v6 =	vor.u32 v6, v9;
	v9 =	vshll.u32 v4, $0x3  }
0x41: {  	v6 =	vor.u32 v7, v6;
	v7 =	vand.u32 $0x400, v9;
	v9 =	vand.u32 $0x380, v10  }
0x42: {  	v7 =	vor.u32 v7, v11;
	v10 =	vshll.u32 v8, $0x3;
	v11 =	vshrl.u32 v8, $0x1  }
0x43: {  	v7 =	vor.u32 v9, v7;
	v9 =	vand.u32 $0x400, v10;
	v10 =	vand.u32 $0x787F, v8  }
0x44: {  	v11 =	vand.u32 $0x380, v11;
	v5 =	vld.idx.msk [tilespmem:v5+s14+$0x0], $0xffff;
	v9 =	vor.u32 v9, v10  }
0x45: {  	v9 =	vor.u32 v11, v9  }
0x46: {  	v6 =	vld.idx.msk [tilespmem:v6+s14+$0x0], $0xffff;
	_ =	sdelay $0x1  }
0x47: {  	v7 =	vld.idx.msk [tilespmem:v7+s14+$0x0], $0xffff  }
0x48: {  	vm1 =	vlt.u32 v2, $0x8000  }
0x49: {  	v2 =	vnsel vm1, $0x0, v5;
	v5 =	vld.idx.msk [tilespmem:v9+s14+$0x0], $0xffff  }
0x4a: {  	vm1 =	vlt.u32 v3, $0x8000;
	v9 =	vadd.f32 $0.0e+00, v2;
	v2 =	vmul.f32 v2, v2  }
0x4b: {  	v3 =	vnsel vm1, $0x0, v6;
	vm1 =	vlt.u32 v4, $0x8000  }
.Ltmp0:
0x4c: {  	v1 =	vadd.f32 v2, v1;
	v2 =	vadd.f32 v3, v9;
	v3 =	vmul.f32 v3, v3;
	(pc) =	sbr.rel @p0 .LBB2_2-.Ltmp0, $4  }
0x4d: {  	v4 =	vnsel vm1, $0x0, v7;
	vm1 =	vlt.u32 v8, $0x8000  }
0x4e: {  	v1 =	vadd.f32 v3, v1;
	v2 =	vadd.f32 v4, v2;
	v3 =	vmul.f32 v4, v4  }
0x4f: {  	v4 =	vnsel vm1, $0x0, v5  }
0x50: {  	s18 =	smov.u32 s17;
	v1 =	vadd.f32 v3, v1;
	v3 =	vadd.f32 v4, v2;
	v2 =	vmul.f32 v4, v4  }
0x51: {  	_ = 	snop  }
0x52: {  	s18 =	simm.s32 $0x0;
	[tilespmem:s0+$0x18C00] =	vst v3  }
0x53: {  	[tilespmem:s14], [sflag:$0x1] =	stream.linear.gather [hbm4b:s7+s18], $0x8000, $0x38;
	[tilespmem:$0x18E00] =	vst v63  }
0x54: {  	_ =	swait.ge [sflag:s21], $0x8000  }
0x55: {  	[sflag:s21] =	ssyncset.done $0x0  }
0x56: {  	s1 =	simm.s32 $0x20;
	[sflag:s21] =	ssyncadd.s32 $0xFFFF8000  }
0x57: {  	v3 =	vld [tilespmem:s1+$0x0]  }
0x58: {  	v4 =	vld [tilespmem:s1+$0xFFFFFFF0]  }
0x59: {  	v5 =	vld [tilespmem:s1+$0xFFFFFFE0];
	_ =	sdelay $0x4  }
0x5a: {  	v6 =	vshrl.u32 v3, $0x1;
	v7 =	vshll.u32 v4, $0x3;
	v8 =	vshll.u32 v5, $0x3  }
0x5b: {  	v9 =	vshrl.u32 v5, $0x1;
	v10 =	vand.u32 $0x787F, v5;
	v8 =	vand.u32 $0x400, v8  }
0x5c: {  	v11 =	vshrl.u32 v4, $0x1;
	v9 =	vand.u32 $0x380, v9;
	v8 =	vor.u32 v8, v10  }
0x5d: {  	v7 =	vand.u32 $0x400, v7;
	v8 =	vor.u32 v9, v8;
	v9 =	vand.u32 $0x787F, v4  }
0x5e: {  	v10 =	vand.u32 $0x380, v11;
	v7 =	vor.u32 v7, v9;
	v9 =	vshll.u32 v3, $0x3  }
0x5f: {  	v7 =	vor.u32 v10, v7;
	v9 =	vand.u32 $0x400, v9;
	v10 =	vand.u32 $0x787F, v3  }
0x60: {  	s25 =	simm.s32 $0xA0;
	v6 =	vand.u32 $0x380, v6;
	v9 =	vor.u32 v9, v10;
	v10 =	vld [tilespmem:s1+$0x10]  }
0x61: {  	v13 =	vld [tilespmem:s25+$0x10];
	v5 =	vand.u32 $0xFFFF8000, v5;
	v6 =	vor.u32 v6, v9  }
0x62: {  	vm1 =	veq.s32 v5, $0x8000;
	v5 =	vld [tilespmem:s25+$0xFFFFFFF0]  }
0x63: {  	v8 =	vld.idx.msk [tilespmem:v8+s15+$0x0], $0xffff  }
0x64: {  	v14 =	vld [tilespmem:s25+$0x0]  }
0x65: {  	v1 =	vadd.f32 v2, v1;
	v4 =	vand.u32 $0xFFFF8000, v4;
	v7 =	vld.idx.msk [tilespmem:v7+s15+$0x0], $0xffff;
	v2 =	vshll.u32 v10, $0x3  }
0x66: {  	v3 =	vand.u32 $0xFFFF8000, v3;
	v11 =	vand.u32 $0x787F, v10;
	v6 =	vld.idx.msk [tilespmem:v6+s15+$0x0], $0xffff;
	v2 =	vand.u32 $0x400, v2  }
0x67: {  	v18 =	vshrl.u32 v5, $0x1;
	v9 =	vshrl.u32 v10, $0x1;
	v2 =	vor.u32 v2, v11;
	v11 =	vld [tilespmem:s25+$0xFFFFFFE0]  }
0x68: {  	v9 =	vand.u32 $0x380, v9;
	v8 =	vnsel vm1, $0x0, v8;
	vm1 =	veq.s32 v4, $0x8000  }
0x69: {  	v2 =	vor.u32 v9, v2;
	v9 =	vmul.f32 v8, v8;
	v4 =	vadd.f32 $0.0e+00, v8  }
0x6a: {  	v8 =	vand.u32 $0xFFFF8000, v10;
	v10 =	vshrl.u32 v13, $0x1;
	v7 =	vnsel vm1, $0x0, v7  }
0x6b: {  	vm1 =	veq.s32 v3, $0x8000;
	v3 =	vshrl.u32 v14, $0x1;
	v1 =	vadd.f32 v9, v1  }
0x6c: {  	v9 =	vmul.f32 v7, v7;
	v12 =	vnsel vm1, $0x0, v6;
	v15 =	vshll.u32 v11, $0x3  }
0x6d: {  	v16 =	vshrl.u32 v11, $0x1;
	v17 =	vand.u32 $0x787F, v11;
	v15 =	vand.u32 $0x400, v15  }
0x6e: {  	v6 =	vshll.u32 v5, $0x3;
	v16 =	vand.u32 $0x380, v16;
	v15 =	vor.u32 v15, v17  }
0x6f: {  	v6 =	vand.u32 $0x400, v6;
	v15 =	vor.u32 v16, v15;
	v16 =	vand.u32 $0x787F, v5  }
0x70: {  	v17 =	vand.u32 $0x380, v18;
	v6 =	vor.u32 v6, v16;
	v16 =	vshll.u32 v14, $0x3  }
0x71: {  	v2 =	vld.idx.msk [tilespmem:v2+s15+$0x0], $0xffff;
	v6 =	vor.u32 v17, v6;
	v16 =	vand.u32 $0x400, v16;
	v17 =	vand.u32 $0x787F, v14  }
0x72: {  	v3 =	vand.u32 $0x380, v3;
	v16 =	vor.u32 v16, v17;
	v17 =	vshll.u32 v13, $0x3  }
0x73: {  	v3 =	vor.u32 v3, v16;
	v16 =	vand.u32 $0x400, v17;
	v17 =	vand.u32 $0x787F, v13  }
0x74: {  	s31 =	simm.s32 $0x18C00;
	v10 =	vand.u32 $0x380, v10;
	v1 =	vadd.f32 v9, v1;
	v9 =	vld.idx.msk [tilespmem:v15+s15+$0x0], $0xffff;
	v15 =	vor.u32 v16, v17  }
0x75: {  	vm1 =	veq.s32 v8, $0x8000;
	v16 =	vmul.f32 v12, v12;
	v10 =	vor.u32 v10, v15;
	v15 =	vld [tilespmem:s31+$0x0]  }
0x76: {  	s1 =	simm.s32 $0x120;
	v17 =	vnsel vm1, $0x0, v2;
	v2 =	vadd.f32 v7, v4;
	v4 =	vld.idx.msk [tilespmem:v6+s15+$0x0], $0xffff  }
0x77: {  	v8 =	vmul.f32 v17, v17;
	v7 =	vadd.f32 v16, v1;
	v6 =	vld [tilespmem:s1+$0x10]  }
0x78: {  	v11 =	vand.u32 $0xFFFF8000, v11;
	v5 =	vand.u32 $0xFFFF8000, v5;
	v12 =	vadd.f32 v12, v2;
	v16 =	vld.idx.msk [tilespmem:v3+s15+$0x0], $0xffff  }
0x79: {  	vm1 =	veq.s32 v11, $0x8000;
	v1 =	vimm.f32 $0.0e+00;
	v7 =	vadd.f32 v8, v7;
	v8 =	vld [tilespmem:s1+$0x0]  }
0x7a: {  	s26 =	simm.s32 $0xFFFFFFF0;
	v2 =	vmov s18;
	v11 =	vadd.f32 v17, v12;
	v12 =	vnsel vm1, $0x0, v9;
	v9 =	vld [tilespmem:s1+$0xFFFFFFF0]  }
0x7b: {  	v3 =	vmov s26;
	vm1 =	veq.s32 v5, $0x8000;
	v17 =	vld.idx.msk [tilespmem:v10+s15+$0x0], $0xffff;
	v18 =	vmul.f32 v12, v12  }
0x7c: {  	v5 =	vadd.f32 v11, v15;
	v11 =	vadd.f32 $0.0e+00, v12;
	v10 =	vld [tilespmem:s1+$0xFFFFFFE0];
	v12 =	vnsel vm1, $0x0, v4  }
0x7d: {  	v4 =	vand.u32 $0xFFFF8000, v14;
	v15 =	vshrl.u32 v6, $0x1;
	v7 =	vadd.f32 v18, v7  }
0x7e: {  	v14 =	vmul.f32 v12, v12;
	v18 =	vand.u32 $0xFFFF8000, v13;
	(xrf2) =	vadd.scan.msk.f32 $0xffff, v5;
	vm1 =	veq.s32 v4, $0x8000  }
0x7f: {  	v4 =	vshrl.u32 v8, $0x1;
	v13 =	vnsel vm1, $0x0, v16;
	vm1 =	veq.s32 v18, $0x8000  }
0x80: {  	v5 =	vadd.f32 v14, v7;
	v7 =	vmul.f32 v13, v13;
	v16 =	vshll.u32 v9, $0x3  }
0x81: {  	v18 =	vshrl.u32 v9, $0x1;
	v14 =	vnsel vm1, $0x0, v17;
	v17 =	vshll.u32 v10, $0x3  }
0x82: {  	v19 =	vshrl.u32 v10, $0x1;
	v20 =	vand.u32 $0x787F, v10;
	v16 =	vand.u32 $0x400, v16  }
0x83: {  	v5 =	vadd.f32 v7, v5;
	v7 =	vmul.f32 v14, v14;
	v17 =	vand.u32 $0x400, v17  }
0x84: {  	v19 =	vand.u32 $0x380, v19;
	v17 =	vor.u32 v17, v20;
	v20 =	vand.u32 $0x787F, v9  }
0x85: {  	v5 =	vadd.f32 v7, v5;
	v7 =	vand.u32 $0x380, v18;
	v17 =	vor.u32 v19, v17  }
0x86: {  	v16 =	vor.u32 v16, v20;
	v18 =	vshll.u32 v8, $0x3;
	v20 =	vand.u32 $0x787F, v8  }
0x87: {  	s30 =	simm.s32 $0x1;
	s29 =	simm.s32 $0x2;
	s28 =	simm.s32 $0x3;
	v16 =	vor.u32 v7, v16;
	v19 =	vand.u32 $0x400, v18;
	v18 =	vand.u32 $0x380, v4  }
0x88: {  	s0 =	simm.s32 $0x5;
	s25 =	simm.f32 $0.0e+00;
	s26 =	simm.s32 $0x4;
	v4 =	vimm.f32 $0.0e+00;
	v19 =	vor.u32 v19, v20;
	v20 =	vshll.u32 v6, $0x3;
	v7, _, _ =	vpop (xrf2)  }
.LBB2_4:
0x89: {  	p0 =	sne.s32 s0, $0x13;
	v18 =	vor.u32 v18, v19;
	v19 =	vand.u32 $0x400, v20;
	v20 =	vand.u32 $0x787F, v6  }
0x8a: {  	v15 =	vand.u32 $0x380, v15;
	v11 =	vadd.f32 v12, v11;
	s31 =	sadd.s32 $0x10, s31;
	v17 =	vld.idx.msk [tilespmem:v17+s15+$0x0], $0xffff;
	v19 =	vor.u32 v19, v20  }
0x8b: {  	v12 =	vor.u32 v15, v19;
	v15 =	vld [tilespmem:s31+$0x0];
	v19 =	vbroadcast v7, $0xF;
	(v2sf) =	vpush v7, $0xF  }
0x8c: {  	s1 =	sadd.s32 $0x80, s1;
	vm1 =	veq.s32 v2, v0;
	vm2 =	veq.s32 v3, v0;
	v11 =	vadd.f32 v13, v11;
	v7 =	vld.idx.msk [tilespmem:v16+s15+$0x0], $0xffff  }
0x8d: {  	v2 =	vmov s30;
	v13 =	vld [tilespmem:s1+$0x10];
	v3 =	vnsel vm1, $0x0, v19;
	v16 =	vnsel vm2, $0x0, v19  }
0x8e: {  	v10 =	vand.u32 $0xFFFF8000, v10;
	s17 =	sadd.s32 $0xFFFFFFF0, s30;
	s30 =	smov.u32 s29;
	s29 =	smov.u32 s28;
	v11 =	vadd.f32 v14, v11;
	v18 =	vld.idx.msk [tilespmem:v18+s15+$0x0], $0xffff;
	v1 =	vadd.f32 v3, v1  }
0x8f: {  	s28 =	smov.u32 s26;
	s26 =	smov.u32 s0;
	vm1 =	veq.s32 v10, $0x8000;
	v3 =	vmov s17;
	v4 =	vadd.f32 v16, v4;
	v14 =	vld [tilespmem:s1+$0x0]  }
0x90: {  	v16 =	vand.u32 $0xFFFF8000, v9;
	v10 =	vnsel vm1, $0x0, v17;
	v17 =	vld.idx.msk [tilespmem:v12+s15+$0x0], $0xffff;
	v15 =	vadd.f32 v11, v15  }
0x91: {  	vm1 =	veq.s32 v16, $0x8000;
	v11 =	vadd.f32 $0.0e+00, v10;
	v19 =	vmul.f32 v10, v10;
	v9 =	vld [tilespmem:s1+$0xFFFFFFF0]  }
0x92: {  	v16 =	vand.u32 $0xFFFF8000, v6;
	v12 =	vnsel vm1, $0x0, v7;
	v7 =	vand.u32 $0xFFFF8000, v8;
	v10 =	vld [tilespmem:s1+$0xFFFFFFE0];
	(xrf2) =	vadd.scan.msk.f32 $0xffff, v15;
	v6 =	vmovc v13  }
0x93: {  	v5 =	vadd.f32 v19, v5;
	v19 =	vmul.f32 v12, v12;
	vm1 =	veq.s32 v7, $0x8000  }
0x94: {  	v15 =	vshrl.u32 v6, $0x1;
	v13 =	vnsel vm1, $0x0, v18;
	v20 =	vshrl.u32 v14, $0x1;
	v8 =	vmovc v14  }
0x95: {  	vm1 =	veq.s32 v16, $0x8000;
	v5 =	vadd.f32 v19, v5;
	v7 =	vmul.f32 v13, v13  }
0x96: {  	v14 =	vnsel vm1, $0x0, v17;
	v16 =	vshll.u32 v9, $0x3;
	v18 =	vshrl.u32 v9, $0x1  }
0x97: {  	v5 =	vadd.f32 v7, v5;
	v7 =	vmul.f32 v14, v14;
	v17 =	vshll.u32 v10, $0x3  }
0x98: {  	v19 =	vshrl.u32 v10, $0x1;
	v21 =	vand.u32 $0x787F, v10;
	v17 =	vand.u32 $0x400, v17  }
.Ltmp1:
0x99: {  	v19 =	vand.u32 $0x380, v19;
	v5 =	vadd.f32 v7, v5;
	v17 =	vor.u32 v17, v21;
	(pc) =	sbr.rel @p0 .LBB2_4-.Ltmp1, $4  }
0x9a: {  	v23 =	vand.u32 $0x400, v16;
	v16 =	vand.u32 $0x787F, v9;
	v17 =	vor.u32 v19, v17;
	s17 =	spop (v2sf)  }
0x9b: {  	v18 =	vand.u32 $0x380, v18;
	v22 =	vor.u32 v23, v16;
	v19 =	vshll.u32 v8, $0x3;
	s17 =	smul.f32 s17, s17  }
0x9c: {  	v16 =	vor.u32 v18, v22;
	v21 =	vand.u32 $0x787F, v8;
	v19 =	vand.u32 $0x400, v19;
	v7, _, _ =	vpop (xrf2)  }
0x9d: {  	s0 =	sadd.s32 $0x1, s0;
	v18 =	vand.u32 $0x380, v20;
	v20 =	vshll.u32 v6, $0x3;
	v19 =	vor.u32 v19, v21;
	s25 =	sadd.f32 s17, s25  }
0x9e: {  	_ =	sdelay $0x3  }
0x9f: {  	v17 =	vld.idx.msk [tilespmem:v17+s15+$0x0], $0xffff  }
0xa0: {  	v16 =	vld.idx.msk [tilespmem:v16+s15+$0x0], $0xffff;
	s1 =	sadd.s32 $0x80, s1  }
0xa1: {  	v56 =	vld [tilespmem:s1+$0x10]  }
0xa2: {  	v18 =	vor.u32 v18, v19;
	v53 =	vand.u32 $0x400, v20;
	v54 =	vand.u32 $0x787F, v6;
	v57 =	vld [tilespmem:s1+$0x0]  }
0xa3: {  	v15 =	vand.u32 $0x380, v15;
	v11 =	vadd.f32 v12, v11;
	v10 =	vand.u32 $0xFFFF8000, v10;
	v58 =	vld [tilespmem:s1+$0xFFFFFFF0]  }
0xa4: {  	v9 =	vand.u32 $0xFFFF8000, v9;
	v60 =	vand.u32 $0xFFFF8000, v8;
	v61 =	vand.u32 $0xFFFF8000, v6;
	v59 =	vld [tilespmem:s1+$0xFFFFFFE0]  }
0xa5: {  	v19 =	vor.u32 v53, v54;
	vm1 =	veq.s32 v10, $0x8000;
	v11 =	vadd.f32 v13, v11  }
0xa6: {  	v15 =	vor.u32 v15, v19;
	v10 =	vnsel vm1, $0x0, v17;
	vm1 =	veq.s32 v9, $0x8000  }
0xa7: {  	s1 =	sadd.s32 $0x80, s1;
	v11 =	vadd.f32 v14, v11;
	v8 =	vnsel vm1, $0x0, v16;
	vm1 =	veq.s32 v60, $0x8000  }
0xa8: {  	v23 =	vld [tilespmem:s1+$0x10];
	v62 =	vshrl.u32 v57, $0x1;
	v63 =	vshrl.u32 v56, $0x1;
	v26 =	vshll.u32 v58, $0x3  }
0xa9: {  	v24 =	vld [tilespmem:s1+$0x0];
	v27 =	vshrl.u32 v58, $0x1;
	v28 =	vshll.u32 v59, $0x3;
	v21 =	vshrl.u32 v59, $0x1  }
0xaa: {  	v32 =	vld [tilespmem:s1+$0xFFFFFFF0];
	v22 =	vand.u32 $0x787F, v59;
	v29 =	vand.u32 $0x787F, v58;
	v30 =	vshll.u32 v57, $0x3  }
0xab: {  	v33 =	vand.u32 $0x787F, v57;
	v25 =	vshll.u32 v56, $0x3;
	v35 =	vand.u32 $0x787F, v56  }
0xac: {  	v18 =	vld.idx.msk [tilespmem:v18+s15+$0x0], $0xffff;
	v17 =	vand.u32 $0xFFFF8000, v59;
	v14 =	vand.u32 $0xFFFF8000, v58;
	v50 =	vadd.f32 $0.0e+00, v10  }
0xad: {  	v21 =	vand.u32 $0x380, v21;
	v16 =	vand.u32 $0x400, v26;
	v31 =	vand.u32 $0x400, v30  }
0xae: {  	v15 =	vld.idx.msk [tilespmem:v15+s15+$0x0], $0xffff;
	v19 =	vand.u32 $0x380, v62;
	v34 =	vand.u32 $0x400, v25;
	v36 =	vand.u32 $0x380, v63  }
0xaf: {  	v26 =	vld [tilespmem:s1+$0xFFFFFFE0];
	v38 =	vshrl.u32 v24, $0x1;
	v39 =	vshrl.u32 v23, $0x1;
	v40 =	vshll.u32 v32, $0x3  }
0xb0: {  	v43 =	vshrl.u32 v32, $0x1;
	v44 =	vand.u32 $0x787F, v32;
	v45 =	vshll.u32 v24, $0x3  }
0xb1: {  	v16 =	vor.u32 v16, v29;
	v6 =	vnsel vm1, $0x0, v18;
	v18 =	vand.u32 $0x380, v27  }
0xb2: {  	v46 =	vand.u32 $0x787F, v24;
	vm1 =	veq.s32 v61, $0x8000;
	v16 =	vor.u32 v18, v16  }
0xb3: {  	v18 =	vor.u32 v31, v33;
	v9 =	vnsel vm1, $0x0, v15;
	v15 =	vand.u32 $0x400, v28  }
0xb4: {  	v18 =	vor.u32 v19, v18;
	v41 =	vshll.u32 v26, $0x3;
	v42 =	vshrl.u32 v26, $0x1  }
0xb5: {  	v27 =	vand.u32 $0x787F, v26;
	v15 =	vor.u32 v15, v22;
	v22 =	vand.u32 $0x400, v41  }
0xb6: {  	v25 =	vand.u32 $0x380, v42;
	v15 =	vor.u32 v21, v15;
	v22 =	vor.u32 v22, v27  }
0xb7: {  	s0 =	sadd.s32 $0x10, s31;
	v37 =	vor.u32 v34, v35;
	v20 =	vand.u32 $0x400, v40;
	v22 =	vor.u32 v25, v22  }
0xb8: {  	v55 =	vld [tilespmem:s0+$0x0];
	v20 =	vor.u32 v20, v44;
	v19 =	vor.u32 v36, v37;
	v27 =	vand.u32 $0x380, v43  }
0xb9: {  	v47 =	vshll.u32 v23, $0x3;
	v20 =	vor.u32 v27, v20;
	v25 =	vand.u32 $0x400, v45;
	v16 =	vld.idx.msk [tilespmem:v16+s15+$0x0], $0xffff  }
0xba: {  	vm1 =	veq.s32 v14, $0x8000;
	v14 =	vand.u32 $0x380, v38;
	v25 =	vor.u32 v25, v46;
	v18 =	vld.idx.msk [tilespmem:v18+s15+$0x0], $0xffff  }
0xbb: {  	v49 =	vand.u32 $0x787F, v23;
	v48 =	vand.u32 $0x400, v47;
	v14 =	vor.u32 v14, v25;
	v15 =	vld.idx.msk [tilespmem:v15+s15+$0x0], $0xffff  }
0xbc: {  	vm2 =	veq.s32 v17, $0x8000;
	v17 =	vand.u32 $0x380, v39;
	v25 =	vor.u32 v48, v49;
	v22 =	vld.idx.msk [tilespmem:v22+s15+$0x0], $0xffff  }
0xbd: {  	v11 =	vadd.f32 v11, v55;
	v13 =	vand.u32 $0xFFFF8000, v57;
	v19 =	vld.idx.msk [tilespmem:v19+s15+$0x0], $0xffff;
	v17 =	vor.u32 v17, v25  }
0xbe: {  	v12 =	vand.u32 $0xFFFF8000, v56;
	v51 =	vadd.f32 v8, v50;
	v53 =	vand.u32 $0xFFFF8000, v26;
	v52 =	vld.idx.msk [tilespmem:v20+s15+$0x0], $0xffff  }
0xbf: {  	v21 =	vand.u32 $0xFFFF8000, v32;
	v16 =	vnsel vm1, $0x0, v16;
	vm1 =	veq.s32 v13, $0x8000  }
0xc0: {  	v18 =	vnsel vm1, $0x0, v18;
	v55 =	vld.idx.msk [tilespmem:v14+s15+$0x0], $0xffff;
	v15 =	vnsel vm2, $0x0, v15;
	vm2 =	veq.s32 v53, $0x8000  }
0xc1: {  	vm1 =	veq.s32 v12, $0x8000;
	v54 =	vadd.f32 $0.0e+00, v15;
	v20 =	vnsel vm2, $0x0, v22  }
0xc2: {  	s0 =	sadd.s32 $0x10, s0;
	v56 =	vnsel vm1, $0x0, v19;
	v17 =	vld.idx.msk [tilespmem:v17+s15+$0x0], $0xffff;
	vm1 =	veq.s32 v21, $0x8000;
	v59 =	vadd.f32 $0.0e+00, v20  }
0xc3: {  	v57 =	vld [tilespmem:s0+$0x0];
	s0 =	sadd.s32 $0x10, s0;
	v24 =	vand.u32 $0xFFFF8000, v24;
	v13 =	vnsel vm1, $0x0, v52;
	v58 =	vadd.f32 v16, v54  }
0xc4: {  	v61 =	vld [tilespmem:s0+$0x0];
	s0 =	sadd.s32 $0x10, s0;
	v60 =	vadd.f32 v6, v51;
	vm1 =	veq.s32 v24, $0x8000;
	v62 =	vadd.f32 v13, v59  }
0xc5: {  	v23 =	vand.u32 $0xFFFF8000, v23;
	v63 =	vld [tilespmem:s0+$0x0];
	v12 =	vnsel vm1, $0x0, v55;
	v22 =	vadd.f32 v18, v58  }
0xc6: {  	v21 =	vadd.f32 v9, v60;
	vm1 =	veq.s32 v23, $0x8000;
	v28 =	vadd.f32 v12, v62  }
0xc7: {  	v17 =	vnsel vm1, $0x0, v17;
	v22 =	vadd.f32 v56, v22  }
0xc8: {  	v19 =	vadd.f32 v21, v57;
	v30 =	vadd.f32 v17, v28  }
0xc9: {  	(xrf2) =	vadd.scan.msk.f32 $0xffff, v11;
	v29 =	vadd.f32 v22, v61  }
0xca: {  	(xrf2) =	vadd.scan.msk.f32 $0xffff, v19;
	v31 =	vadd.f32 v30, v63  }
0xcb: {  	(xrf2) =	vadd.scan.msk.f32 $0xffff, v29  }
0xcc: {  	(xrf2) =	vadd.scan.msk.f32 $0xffff, v31;
	_ =	sdelay $0x5  }
0xcd: {  	(v2sf) =	vpush v7, $0xF  }
0xce: {  	v32, _, _ =	vpop (xrf2)  }
0xcf: {  	(v2sf) =	vpush v32, $0xF;
	v19, _, _ =	vpop (xrf2)  }
0xd0: {  	(v2sf) =	vpush v19, $0xF;
	v33, _, _ =	vpop (xrf2)  }
0xd1: {  	(v2sf) =	vpush v33, $0xF;
	v34, _, _ =	vpop (xrf2)  }
0xd2: {  	v10 =	vmul.f32 v10, v10;
	(v2sf) =	vpush v34, $0xF;
	_ =	sdelay $0x1  }
0xd3: {  	v5 =	vadd.f32 v10, v5;
	v8 =	vmul.f32 v8, v8;
	_ =	sdelay $0x1  }
0xd4: {  	v5 =	vadd.f32 v8, v5;
	v6 =	vmul.f32 v6, v6;
	_ =	sdelay $0x1  }
0xd5: {  	v5 =	vadd.f32 v6, v5;
	v6 =	vmul.f32 v9, v9;
	_ =	sdelay $0x1  }
0xd6: {  	v5 =	vadd.f32 v6, v5  }
0xd7: {  	v6 =	vmul.f32 v15, v15;
	vm1 =	veq.s32 v2, v0;
	v2 =	vmov s30;
	s30 =	sadd.s32 $0xFFFFFFF0, s30  }
0xd8: {  	v7 =	vbroadcast v7, $0xF;
	s18 =	spop (v2sf);
	v35 =	vmov s30;
	s30 =	simm.s32 $0x0  }
0xd9: {  	vm2 =	veq.s32 v3, v0;
	v3 =	vadd.f32 v6, v5;
	v5 =	vmul.f32 v16, v16;
	[tilespmem:s15], [sflag:$0x2] =	stream.linear.gather [hbm4b:s8+s30], $0x8000, $0x38;
	[tilespmem:$0x18E00] =	vst v63  }
0xda: {  	s17 =	spop (v2sf)  }
0xdb: {  	v6 =	vnsel vm1, $0x0, v7;
	v7 =	vnsel vm2, $0x0, v7;
	v3 =	vadd.f32 v5, v3;
	s31 =	spop (v2sf)  }
0xdc: {  	v5 =	vmul.f32 v18, v18;
	vm1 =	veq.s32 v2, v0;
	v1 =	vadd.f32 v6, v1;
	s0 =	spop (v2sf)  }
0xdd: {  	v4 =	vadd.f32 v7, v4;
	v6 =	vbroadcast v32, $0xF;
	vm2 =	veq.s32 v35, v0;
	s1 =	spop (v2sf)  }
0xde: {  	v2 =	vadd.f32 v5, v3;
	v3 =	vmul.f32 v56, v56;
	v5 =	vmov s29;
	s29 =	sadd.s32 $0xFFFFFFF0, s29;
	_ =	swait.ge [sflag:s22], $0x8000  }
0xdf: {  	v7 =	vnsel vm1, $0x0, v6;
	v6 =	vnsel vm2, $0x0, v6;
	v36 =	vmov s29;
	[sflag:s22] =	ssyncset.done $0x0  }
0xe0: {  	s29 =	simm.s32 $0x20;
	vm1 =	veq.s32 v5, v0;
	v2 =	vadd.f32 v3, v2;
	v3 =	vmul.f32 v20, v20;
	[sflag:s22] =	ssyncadd.s32 $0xFFFF8000  }
0xe1: {  	v1 =	vadd.f32 v7, v1;
	v4 =	vadd.f32 v6, v4;
	v6 =	vbroadcast v19, $0xF;
	v7 =	vld [tilespmem:s29+$0xFFFFFFE0]  }
0xe2: {  	s30 =	sadd.s32 $0xFFFFFFF0, s28;
	vm2 =	veq.s32 v36, v0;
	v2 =	vadd.f32 v3, v2;
	v3 =	vmul.f32 v13, v13;
	v38 =	vld [tilespmem:s29+$0xFFFFFFF0]  }
0xe3: {  	v39 =	vmov s30;
	v37 =	vnsel vm1, $0x0, v6;
	v6 =	vnsel vm2, $0x0, v6  }
0xe4: {  	s30 =	sadd.s32 $0xFFFFFFF0, s26;
	v2 =	vadd.f32 v3, v2;
	v3 =	vmul.f32 v12, v12;
	v4 =	vadd.f32 v6, v4;
	v6 =	vld [tilespmem:s29+$0x0]  }
0xe5: {  	v5 =	vmov s28;
	v60 =	vmov s30  }
0xe6: {  	v2 =	vadd.f32 v3, v2;
	v3 =	vmul.f32 v17, v17;
	v40 =	vshll.u32 v7, $0x3  }
0xe7: {  	v44 =	vld [tilespmem:s29+$0x10];
	v41 =	vshrl.u32 v7, $0x1;
	v42 =	vand.u32 $0x787F, v7;
	v43 =	vshrl.u32 v38, $0x1  }
0xe8: {  	v45 =	vshll.u32 v38, $0x3;
	v46 =	vand.u32 $0x787F, v38;
	v8 =	vand.u32 $0x400, v40  }
0xe9: {  	v47 =	vshrl.u32 v6, $0x1;
	v11 =	vand.u32 $0x380, v41;
	v8 =	vor.u32 v8, v42  }
0xea: {  	v48 =	vshll.u32 v6, $0x3;
	v8 =	vor.u32 v11, v8;
	v11 =	vand.u32 $0x400, v45  }
0xeb: {  	v49 =	vand.u32 $0x787F, v6;
	v12 =	vand.u32 $0x380, v43;
	v11 =	vor.u32 v11, v46  }
0xec: {  	v52 =	vshll.u32 v44, $0x3;
	v50 =	vand.u32 $0x400, v48;
	v11 =	vor.u32 v12, v11  }
0xed: {  	v53 =	vshrl.u32 v44, $0x1;
	v51 =	vand.u32 $0x380, v47;
	v12 =	vor.u32 v50, v49  }
0xee: {  	v55 =	vand.u32 $0x787F, v44;
	v54 =	vand.u32 $0x400, v52;
	v12 =	vor.u32 v51, v12  }
0xef: {  	vm1 =	veq.s32 v5, v0;
	v16 =	vand.u32 $0x380, v53;
	v14 =	vor.u32 v54, v55;
	v8 =	vld.idx.msk [tilespmem:v8+s16+$0x0], $0xffff  }
0xf0: {  	v2 =	vadd.f32 v3, v2;
	v56 =	vbroadcast v33, $0xF;
	v3 =	vor.u32 v16, v14  }
0xf1: {  	s18 =	smul.f32 s18, s18;
	vm2 =	veq.s32 v39, v0;
	v5 =	vmov s26;
	v1 =	vadd.f32 v37, v1;
	v11 =	vld.idx.msk [tilespmem:v11+s16+$0x0], $0xffff  }
0xf2: {  	v59 =	vbroadcast v34, $0xF;
	v57 =	vnsel vm1, $0x0, v56;
	v58 =	vnsel vm2, $0x0, v56  }
0xf3: {  	s18 =	sadd.f32 s18, s25;
	s17 =	smul.f32 s17, s17;
	vm1 =	veq.s32 v5, v0;
	v1 =	vadd.f32 v57, v1;
	vm2 =	vlt.u32 v7, $0x8000;
	v5 =	vld.idx.msk [tilespmem:v12+s16+$0x0], $0xffff  }
0xf4: {  	v4 =	vadd.f32 v58, v4;
	v7 =	vnsel vm1, $0x0, v59;
	v8 =	vnsel vm2, $0x0, v8  }
0xf5: {  	s17 =	sadd.f32 s17, s18;
	s31 =	smul.f32 s31, s31;
	vm1 =	vlt.u32 v38, $0x8000;
	v3 =	vld.idx.msk [tilespmem:v3+s16+$0x0], $0xffff;
	v61 =	vadd.f32 $0.0e+00, v8;
	v8 =	vmul.f32 v8, v8  }
0xf6: {  	vm2 =	veq.s32 v60, v0;
	v9 =	vnsel vm1, $0x0, v11;
	vm1 =	vlt.u32 v6, $0x8000  }
0xf7: {  	s17 =	sadd.f32 s31, s17;
	s0 =	smul.f32 s0, s0;
	v2 =	vadd.f32 v8, v2;
	v6 =	vadd.f32 v9, v61;
	v62 =	vmul.f32 v9, v9  }
0xf8: {  	v63 =	vnsel vm2, $0x0, v59;
	v5 =	vnsel vm1, $0x0, v5;
	vm1 =	vlt.u32 v44, $0x8000  }
0xf9: {  	s1 =	smul.f32 s1, s1;
	s0 =	sadd.f32 s0, s17;
	v8 =	vadd.f32 v62, v2;
	v6 =	vadd.f32 v5, v6;
	v5 =	vmul.f32 v5, v5  }
0xfa: {  	v2 =	vadd.f32 v7, v1;
	v1 =	vadd.f32 v63, v4;
	v4 =	vnsel vm1, $0x0, v3  }
0xfb: {  	s17 =	simm.s32 $0x40;
	s25 =	sadd.f32 s1, s0;
	s0 =	simm.s32 $0x0;
	v3 =	vadd.f32 v5, v8;
	v5 =	vadd.f32 v4, v6;
	v4 =	vmul.f32 v4, v4  }
.LBB2_6:
0xfc: {  	s1 =	smov.u32 s17  }
0xfd: {  	s18 =	sshra.s32 s17, $0x2;
	s29 =	sadd.s32 $0x80, s29;
	s1 =	sadd.s32 $0x40, s17  }
0xfe: {  	p0 =	sne.s32 s17, $0x4C0;
	v3 =	vadd.f32 v4, v3;
	[tilespmem:s0+$0x18C00] =	vst v5;
	s0 =	smov.u32 s18  }
0xff: {  	v4 =	vld [tilespmem:s29+$0xFFFFFFE0];
	_ =	sdelay $0x1  }
0x100: {  	v5 =	vld [tilespmem:s29+$0xFFFFFFF0];
	_ =	sdelay $0x1  }
0x101: {  	v6 =	vld [tilespmem:s29+$0x0]  }
0x102: {  	v7 =	vshll.u32 v4, $0x3;
	v8 =	vshrl.u32 v4, $0x1  }
0x103: {  	v9 =	vand.u32 $0x787F, v4;
	v7 =	vand.u32 $0x400, v7  }
0x104: {  	v8 =	vand.u32 $0x380, v8;
	v7 =	vor.u32 v7, v9;
	v9 =	vshrl.u32 v5, $0x1;
	v10 =	vld [tilespmem:s29+$0x10]  }
0x105: {  	v11 =	vand.u32 $0x787F, v5;
	v7 =	vor.u32 v8, v7;
	v8 =	vshll.u32 v5, $0x3  }
0x106: {  	v9 =	vand.u32 $0x380, v9;
	v8 =	vand.u32 $0x400, v8;
	v12 =	vshrl.u32 v6, $0x1  }
0x107: {  	v13 =	vand.u32 $0x787F, v6;
	v8 =	vor.u32 v8, v11;
	v11 =	vshll.u32 v6, $0x3  }
0x108: {  	v8 =	vor.u32 v9, v8;
	v9 =	vand.u32 $0x400, v11;
	v11 =	vand.u32 $0x380, v12  }
0x109: {  	v9 =	vor.u32 v9, v13;
	v12 =	vshll.u32 v10, $0x3;
	v13 =	vshrl.u32 v10, $0x1  }
0x10a: {  	v9 =	vor.u32 v11, v9;
	v11 =	vand.u32 $0x400, v12;
	v12 =	vand.u32 $0x787F, v10  }
0x10b: {  	v13 =	vand.u32 $0x380, v13;
	v7 =	vld.idx.msk [tilespmem:v7+s16+$0x0], $0xffff;
	v11 =	vor.u32 v11, v12  }
0x10c: {  	v11 =	vor.u32 v13, v11  }
0x10d: {  	v8 =	vld.idx.msk [tilespmem:v8+s16+$0x0], $0xffff;
	_ =	sdelay $0x1  }
0x10e: {  	v9 =	vld.idx.msk [tilespmem:v9+s16+$0x0], $0xffff  }
0x10f: {  	vm1 =	vlt.u32 v4, $0x8000  }
0x110: {  	v4 =	vnsel vm1, $0x0, v7;
	v7 =	vld.idx.msk [tilespmem:v11+s16+$0x0], $0xffff  }
0x111: {  	vm1 =	vlt.u32 v5, $0x8000;
	v11 =	vadd.f32 $0.0e+00, v4;
	v4 =	vmul.f32 v4, v4  }
0x112: {  	v5 =	vnsel vm1, $0x0, v8;
	vm1 =	vlt.u32 v6, $0x8000  }
.Ltmp2:
0x113: {  	v3 =	vadd.f32 v4, v3;
	v4 =	vadd.f32 v5, v11;
	v5 =	vmul.f32 v5, v5;
	(pc) =	sbr.rel @p0 .LBB2_6-.Ltmp2, $4  }
0x114: {  	v6 =	vnsel vm1, $0x0, v9;
	vm1 =	vlt.u32 v10, $0x8000  }
0x115: {  	v3 =	vadd.f32 v5, v3;
	v4 =	vadd.f32 v6, v4;
	v5 =	vmul.f32 v6, v6  }
0x116: {  	v6 =	vnsel vm1, $0x0, v7  }
0x117: {  	s17 =	smov.u32 s1;
	v3 =	vadd.f32 v5, v3;
	v5 =	vadd.f32 v6, v4;
	v4 =	vmul.f32 v6, v6  }
0x118: {  	_ = 	snop  }
0x119: {  	s18 =	simm.s32 $0x0;
	[tilespmem:s0+$0x18C00] =	vst v5  }
0x11a: {  	[tilespmem:s16], [sflag:$0x3] =	stream.linear.gather [hbm4b:s9+s18], $0x8000, $0x38;
	[tilespmem:$0x18E00] =	vst v63  }
0x11b: {  	_ =	swait.ge [sflag:s20], $0x8000  }
0x11c: {  	[sflag:s20] =	ssyncset.done $0x0  }
0x11d: {  	s1 =	simm.s32 $0x20;
	[sflag:s20] =	ssyncadd.s32 $0xFFFF8000  }
0x11e: {  	v5 =	vld [tilespmem:s1+$0x0]  }
0x11f: {  	v6 =	vld [tilespmem:s1+$0xFFFFFFF0]  }
0x120: {  	v7 =	vld [tilespmem:s1+$0xFFFFFFE0];
	_ =	sdelay $0x4  }
0x121: {  	v8 =	vshrl.u32 v5, $0x1;
	v9 =	vshll.u32 v6, $0x3;
	v10 =	vshll.u32 v7, $0x3  }
0x122: {  	v11 =	vshrl.u32 v7, $0x1;
	v12 =	vand.u32 $0x787F, v7;
	v10 =	vand.u32 $0x400, v10  }
0x123: {  	v13 =	vshrl.u32 v6, $0x1;
	v11 =	vand.u32 $0x380, v11;
	v10 =	vor.u32 v10, v12  }
0x124: {  	v9 =	vand.u32 $0x400, v9;
	v10 =	vor.u32 v11, v10;
	v11 =	vand.u32 $0x787F, v6  }
0x125: {  	v12 =	vand.u32 $0x380, v13;
	v9 =	vor.u32 v9, v11;
	v11 =	vshll.u32 v5, $0x3  }
0x126: {  	v9 =	vor.u32 v12, v9;
	v11 =	vand.u32 $0x400, v11;
	v12 =	vand.u32 $0x787F, v5  }
0x127: {  	s26 =	simm.s32 $0xA0;
	v8 =	vand.u32 $0x380, v8;
	v13 =	vld [tilespmem:s1+$0x10];
	v11 =	vor.u32 v11, v12  }
0x128: {  	v15 =	vld [tilespmem:s26+$0x0];
	v8 =	vor.u32 v8, v11  }
0x129: {  	v10 =	vld.idx.msk [tilespmem:v10+s14+$0x0], $0xffff  }
0x12a: {  	v7 =	vand.u32 $0xFFFF8000, v7  }
0x12b: {  	v3 =	vadd.f32 v4, v3;
	vm1 =	veq.s32 v7, $0x8000;
	v6 =	vand.u32 $0xFFFF8000, v6;
	v9 =	vld.idx.msk [tilespmem:v9+s14+$0x0], $0xffff  }
0x12c: {  	v14 =	vld [tilespmem:s26+$0x10];
	v5 =	vand.u32 $0xFFFF8000, v5;
	v4 =	vshll.u32 v13, $0x3;
	v11 =	vshrl.u32 v13, $0x1  }
0x12d: {  	v12 =	vand.u32 $0x787F, v13;
	v4 =	vand.u32 $0x400, v4;
	v11 =	vand.u32 $0x380, v11;
	v8 =	vld.idx.msk [tilespmem:v8+s14+$0x0], $0xffff  }
0x12e: {  	v4 =	vor.u32 v4, v12;
	v12 =	vshrl.u32 v15, $0x1;
	v7 =	vnsel vm1, $0x0, v10;
	v10 =	vld [tilespmem:s26+$0xFFFFFFF0]  }
0x12f: {  	v4 =	vor.u32 v11, v4;
	v12 =	vand.u32 $0x380, v12;
	vm1 =	veq.s32 v6, $0x8000;
	v6 =	vld [tilespmem:s26+$0xFFFFFFE0]  }
0x130: {  	v11 =	vmul.f32 v7, v7;
	v7 =	vadd.f32 $0.0e+00, v7;
	v9 =	vnsel vm1, $0x0, v9  }
0x131: {  	vm1 =	veq.s32 v5, $0x8000;
	v5 =	vand.u32 $0xFFFF8000, v13;
	v13 =	vshrl.u32 v14, $0x1  }
0x132: {  	v3 =	vadd.f32 v11, v3;
	v11 =	vmul.f32 v9, v9;
	v13 =	vand.u32 $0x380, v13  }
0x133: {  	v7 =	vadd.f32 v9, v7;
	v8 =	vnsel vm1, $0x0, v8;
	vm1 =	veq.s32 v5, $0x8000  }
0x134: {  	v3 =	vadd.f32 v11, v3;
	v5 =	vshll.u32 v10, $0x3;
	v16 =	vshll.u32 v6, $0x3  }
0x135: {  	v17 =	vshrl.u32 v6, $0x1;
	v18 =	vand.u32 $0x787F, v6;
	v16 =	vand.u32 $0x400, v16  }
0x136: {  	v19 =	vshrl.u32 v10, $0x1;
	v17 =	vand.u32 $0x380, v17;
	v16 =	vor.u32 v16, v18  }
0x137: {  	v4 =	vld.idx.msk [tilespmem:v4+s14+$0x0], $0xffff;
	v5 =	vand.u32 $0x400, v5;
	v16 =	vor.u32 v17, v16;
	v17 =	vand.u32 $0x787F, v10  }
0x138: {  	v18 =	vand.u32 $0x380, v19;
	v5 =	vor.u32 v5, v17;
	v17 =	vshll.u32 v15, $0x3  }
0x139: {  	v5 =	vor.u32 v18, v5;
	v17 =	vand.u32 $0x400, v17;
	v18 =	vand.u32 $0x787F, v15  }
0x13a: {  	v11 =	vmul.f32 v8, v8;
	v17 =	vor.u32 v17, v18;
	v18 =	vshll.u32 v14, $0x3  }
0x13b: {  	v12 =	vor.u32 v12, v17;
	v17 =	vand.u32 $0x400, v18;
	v18 =	vand.u32 $0x787F, v14  }
0x13c: {  	s31 =	simm.s32 $0x18C00;
	v8 =	vadd.f32 v8, v7;
	v4 =	vnsel vm1, $0x0, v4;
	v16 =	vld.idx.msk [tilespmem:v16+s14+$0x0], $0xffff;
	v17 =	vor.u32 v17, v18  }
0x13d: {  	v3 =	vadd.f32 v11, v3;
	v11 =	vmul.f32 v4, v4;
	v9 =	vor.u32 v13, v17;
	v13 =	vld [tilespmem:s31+$0x0]  }
0x13e: {  	s1 =	simm.s32 $0x120;
	v5 =	vld.idx.msk [tilespmem:v5+s14+$0x0], $0xffff  }
0x13f: {  	v6 =	vand.u32 $0xFFFF8000, v6;
	v17 =	vadd.f32 v11, v3;
	v11 =	vadd.f32 v4, v8;
	v8 =	vld [tilespmem:s1+$0x0]  }
0x140: {  	vm1 =	veq.s32 v6, $0x8000;
	v10 =	vand.u32 $0xFFFF8000, v10;
	v14 =	vand.u32 $0xFFFF8000, v14;
	v18 =	vld.idx.msk [tilespmem:v12+s14+$0x0], $0xffff  }
0x141: {  	v3 =	vmov s18;
	v6 =	vnsel vm1, $0x0, v16;
	vm1 =	veq.s32 v10, $0x8000;
	v10 =	vld [tilespmem:s1+$0xFFFFFFE0]  }
0x142: {  	s17 =	simm.s32 $0xFFFFFFF0;
	v16 =	vld.idx.msk [tilespmem:v9+s14+$0x0], $0xffff;
	v13 =	vadd.f32 v11, v13;
	v11 =	vadd.f32 $0.0e+00, v6;
	v6 =	vmul.f32 v6, v6  }
0x143: {  	v4 =	vmov s17;
	v12 =	vnsel vm1, $0x0, v5;
	v5 =	vand.u32 $0xFFFF8000, v15  }
0x144: {  	v9 =	vld [tilespmem:s1+$0xFFFFFFF0];
	(xrf2) =	vadd.scan.msk.f32 $0xffff, v13;
	v6 =	vadd.f32 v6, v17;
	v17 =	vmul.f32 v12, v12;
	vm1 =	veq.s32 v5, $0x8000  }
0x145: {  	v19 =	vshrl.u32 v8, $0x1;
	v13 =	vnsel vm1, $0x0, v18;
	vm1 =	veq.s32 v14, $0x8000  }
0x146: {  	v5 =	vadd.f32 v17, v6;
	v6 =	vmul.f32 v13, v13;
	v20 =	vshrl.u32 v10, $0x1  }
0x147: {  	v7 =	vld [tilespmem:s1+$0x10];
	v21 =	vand.u32 $0x787F, v10;
	v14 =	vnsel vm1, $0x0, v16;
	v16 =	vshll.u32 v10, $0x3  }
0x148: {  	v5 =	vadd.f32 v6, v5;
	v6 =	vmul.f32 v14, v14;
	v16 =	vand.u32 $0x400, v16  }
0x149: {  	v17 =	vshll.u32 v9, $0x3;
	v20 =	vand.u32 $0x380, v20;
	v16 =	vor.u32 v16, v21  }
0x14a: {  	v5 =	vadd.f32 v6, v5;
	v6 =	vand.u32 $0x400, v17;
	v17 =	vand.u32 $0x787F, v9  }
0x14b: {  	v18 =	vshrl.u32 v9, $0x1;
	v16 =	vor.u32 v20, v16;
	v6 =	vor.u32 v6, v17  }
0x14c: {  	v15 =	vshrl.u32 v7, $0x1;
	v18 =	vand.u32 $0x380, v18;
	v20 =	vshll.u32 v8, $0x3  }
0x14d: {  	s30 =	simm.s32 $0x1;
	s29 =	simm.s32 $0x2;
	v21 =	vand.u32 $0x787F, v8;
	v20 =	vand.u32 $0x400, v20;
	v17 =	vor.u32 v18, v6  }
0x14e: {  	s28 =	simm.s32 $0x3;
	s0 =	simm.s32 $0x5;
	s26 =	simm.s32 $0x4;
	v18 =	vand.u32 $0x380, v19;
	v19 =	vor.u32 v20, v21;
	v20 =	vshll.u32 v7, $0x3;
	v6, _, _ =	vpop (xrf2)  }
.LBB2_8:
0x14f: {  	p0 =	sne.s32 s0, $0x13;
	v18 =	vor.u32 v18, v19;
	v19 =	vand.u32 $0x400, v20;
	v20 =	vand.u32 $0x787F, v7  }
0x150: {  	v15 =	vand.u32 $0x380, v15;
	v11 =	vadd.f32 v12, v11;
	s31 =	sadd.s32 $0x10, s31;
	v16 =	vld.idx.msk [tilespmem:v16+s14+$0x0], $0xffff;
	v19 =	vor.u32 v19, v20  }
0x151: {  	v12 =	vor.u32 v15, v19;
	v15 =	vld [tilespmem:s31+$0x0];
	v19 =	vbroadcast v6, $0xF;
	(v2sf) =	vpush v6, $0xF  }
0x152: {  	s1 =	sadd.s32 $0x80, s1;
	vm1 =	veq.s32 v3, v0;
	vm2 =	veq.s32 v4, v0;
	v11 =	vadd.f32 v13, v11;
	v6 =	vld.idx.msk [tilespmem:v17+s14+$0x0], $0xffff  }
0x153: {  	v3 =	vmov s30;
	v13 =	vld [tilespmem:s1+$0x10];
	v4 =	vnsel vm1, $0x0, v19;
	v17 =	vnsel vm2, $0x0, v19  }
0x154: {  	v10 =	vand.u32 $0xFFFF8000, v10;
	s17 =	sadd.s32 $0xFFFFFFF0, s30;
	s30 =	smov.u32 s29;
	s29 =	smov.u32 s28;
	v11 =	vadd.f32 v14, v11;
	v18 =	vld.idx.msk [tilespmem:v18+s14+$0x0], $0xffff;
	v2 =	vadd.f32 v4, v2  }
0x155: {  	s28 =	smov.u32 s26;
	s26 =	smov.u32 s0;
	vm1 =	veq.s32 v10, $0x8000;
	v4 =	vmov s17;
	v1 =	vadd.f32 v17, v1;
	v14 =	vld [tilespmem:s1+$0x0]  }
0x156: {  	v10 =	vnsel vm1, $0x0, v16;
	v16 =	vand.u32 $0xFFFF8000, v9;
	v17 =	vld.idx.msk [tilespmem:v12+s14+$0x0], $0xffff;
	v15 =	vadd.f32 v11, v15  }
0x157: {  	v11 =	vadd.f32 $0.0e+00, v10;
	v19 =	vmul.f32 v10, v10;
	vm1 =	veq.s32 v16, $0x8000;
	v9 =	vld [tilespmem:s1+$0xFFFFFFF0]  }
0x158: {  	v16 =	vand.u32 $0xFFFF8000, v7;
	v12 =	vnsel vm1, $0x0, v6;
	v6 =	vand.u32 $0xFFFF8000, v8;
	v10 =	vld [tilespmem:s1+$0xFFFFFFE0];
	(xrf2) =	vadd.scan.msk.f32 $0xffff, v15;
	v7 =	vmovc v13  }
0x159: {  	v5 =	vadd.f32 v19, v5;
	v19 =	vmul.f32 v12, v12;
	vm1 =	veq.s32 v6, $0x8000  }
0x15a: {  	v15 =	vshrl.u32 v7, $0x1;
	v13 =	vnsel vm1, $0x0, v18;
	v20 =	vshrl.u32 v14, $0x1;
	v8 =	vmovc v14  }
0x15b: {  	vm1 =	veq.s32 v16, $0x8000;
	v5 =	vadd.f32 v19, v5;
	v6 =	vmul.f32 v13, v13  }
0x15c: {  	v14 =	vnsel vm1, $0x0, v17;
	v18 =	vshll.u32 v9, $0x3;
	v19 =	vshrl.u32 v9, $0x1  }
0x15d: {  	v5 =	vadd.f32 v6, v5;
	v6 =	vmul.f32 v14, v14;
	v16 =	vshll.u32 v10, $0x3  }
0x15e: {  	v17 =	vshrl.u32 v10, $0x1;
	v21 =	vand.u32 $0x787F, v10;
	v16 =	vand.u32 $0x400, v16  }
.Ltmp3:
0x15f: {  	v17 =	vand.u32 $0x380, v17;
	v5 =	vadd.f32 v6, v5;
	v16 =	vor.u32 v16, v21;
	(pc) =	sbr.rel @p0 .LBB2_8-.Ltmp3, $4  }
0x160: {  	v23 =	vand.u32 $0x400, v18;
	v16 =	vor.u32 v17, v16;
	v17 =	vand.u32 $0x787F, v9;
	s17 =	spop (v2sf)  }
0x161: {  	v18 =	vand.u32 $0x380, v19;
	v19 =	vshll.u32 v8, $0x3;
	v22 =	vor.u32 v23, v17;
	s17 =	smul.f32 s17, s17  }
0x162: {  	v19 =	vand.u32 $0x400, v19;
	v21 =	vand.u32 $0x787F, v8;
	v17 =	vor.u32 v18, v22;
	v6, _, _ =	vpop (xrf2)  }
0x163: {  	s0 =	sadd.s32 $0x1, s0;
	v19 =	vor.u32 v19, v21;
	v18 =	vand.u32 $0x380, v20;
	v20 =	vshll.u32 v7, $0x3;
	s25 =	sadd.f32 s17, s25  }
0x164: {  	_ =	sdelay $0x3  }
0x165: {  	v16 =	vld.idx.msk [tilespmem:v16+s14+$0x0], $0xffff  }
0x166: {  	v17 =	vld.idx.msk [tilespmem:v17+s14+$0x0], $0xffff;
	s1 =	sadd.s32 $0x80, s1  }
0x167: {  	v56 =	vld [tilespmem:s1+$0x10]  }
0x168: {  	v18 =	vor.u32 v18, v19;
	v53 =	vand.u32 $0x400, v20;
	v54 =	vand.u32 $0x787F, v7;
	v57 =	vld [tilespmem:s1+$0x0]  }
0x169: {  	v15 =	vand.u32 $0x380, v15;
	v11 =	vadd.f32 v12, v11;
	v10 =	vand.u32 $0xFFFF8000, v10;
	v58 =	vld [tilespmem:s1+$0xFFFFFFF0]  }
0x16a: {  	v9 =	vand.u32 $0xFFFF8000, v9;
	v60 =	vand.u32 $0xFFFF8000, v8;
	v61 =	vand.u32 $0xFFFF8000, v7;
	v59 =	vld [tilespmem:s1+$0xFFFFFFE0]  }
0x16b: {  	v19 =	vor.u32 v53, v54;
	vm1 =	veq.s32 v10, $0x8000;
	v11 =	vadd.f32 v13, v11  }
0x16c: {  	v15 =	vor.u32 v15, v19;
	v10 =	vnsel vm1, $0x0, v16;
	vm1 =	veq.s32 v9, $0x8000  }
0x16d: {  	s1 =	sadd.s32 $0x80, s1;
	v11 =	vadd.f32 v14, v11;
	v8 =	vnsel vm1, $0x0, v17;
	vm1 =	veq.s32 v60, $0x8000  }
0x16e: {  	v23 =	vld [tilespmem:s1+$0x10];
	v62 =	vshrl.u32 v57, $0x1;
	v63 =	vshrl.u32 v56, $0x1;
	v26 =	vshll.u32 v58, $0x3  }
0x16f: {  	v24 =	vld [tilespmem:s1+$0x0];
	v27 =	vshrl.u32 v58, $0x1;
	v28 =	vshll.u32 v59, $0x3;
	v21 =	vshrl.u32 v59, $0x1  }
0x170: {  	v32 =	vld [tilespmem:s1+$0xFFFFFFF0];
	v22 =	vand.u32 $0x787F, v59;
	v29 =	vand.u32 $0x787F, v58;
	v30 =	vshll.u32 v57, $0x3  }
0x171: {  	v33 =	vand.u32 $0x787F, v57;
	v25 =	vshll.u32 v56, $0x3;
	v35 =	vand.u32 $0x787F, v56  }
0x172: {  	v18 =	vld.idx.msk [tilespmem:v18+s14+$0x0], $0xffff;
	v16 =	vand.u32 $0xFFFF8000, v59;
	v14 =	vand.u32 $0xFFFF8000, v58;
	v50 =	vadd.f32 $0.0e+00, v10  }
0x173: {  	v21 =	vand.u32 $0x380, v21;
	v17 =	vand.u32 $0x400, v26;
	v31 =	vand.u32 $0x400, v30  }
0x174: {  	v15 =	vld.idx.msk [tilespmem:v15+s14+$0x0], $0xffff;
	v19 =	vand.u32 $0x380, v62;
	v34 =	vand.u32 $0x400, v25;
	v36 =	vand.u32 $0x380, v63  }
0x175: {  	v26 =	vld [tilespmem:s1+$0xFFFFFFE0];
	v38 =	vshrl.u32 v24, $0x1;
	v39 =	vshrl.u32 v23, $0x1;
	v40 =	vshll.u32 v32, $0x3  }
0x176: {  	v43 =	vshrl.u32 v32, $0x1;
	v44 =	vand.u32 $0x787F, v32;
	v45 =	vshll.u32 v24, $0x3  }
0x177: {  	v17 =	vor.u32 v17, v29;
	v7 =	vnsel vm1, $0x0, v18;
	v18 =	vand.u32 $0x380, v27  }
0x178: {  	v46 =	vand.u32 $0x787F, v24;
	vm1 =	veq.s32 v61, $0x8000;
	v17 =	vor.u32 v18, v17  }
0x179: {  	v18 =	vor.u32 v31, v33;
	v9 =	vnsel vm1, $0x0, v15;
	v15 =	vand.u32 $0x400, v28  }
0x17a: {  	v18 =	vor.u32 v19, v18;
	v41 =	vshll.u32 v26, $0x3;
	v42 =	vshrl.u32 v26, $0x1  }
0x17b: {  	v27 =	vand.u32 $0x787F, v26;
	v15 =	vor.u32 v15, v22;
	v22 =	vand.u32 $0x400, v41  }
0x17c: {  	v25 =	vand.u32 $0x380, v42;
	v15 =	vor.u32 v21, v15;
	v22 =	vor.u32 v22, v27  }
0x17d: {  	s0 =	sadd.s32 $0x10, s31;
	v37 =	vor.u32 v34, v35;
	v20 =	vand.u32 $0x400, v40;
	v22 =	vor.u32 v25, v22  }
0x17e: {  	v55 =	vld [tilespmem:s0+$0x0];
	v20 =	vor.u32 v20, v44;
	v19 =	vor.u32 v36, v37;
	v27 =	vand.u32 $0x380, v43  }
0x17f: {  	v47 =	vshll.u32 v23, $0x3;
	v20 =	vor.u32 v27, v20;
	v25 =	vand.u32 $0x400, v45;
	v17 =	vld.idx.msk [tilespmem:v17+s14+$0x0], $0xffff  }
0x180: {  	vm1 =	veq.s32 v14, $0x8000;
	v14 =	vand.u32 $0x380, v38;
	v25 =	vor.u32 v25, v46;
	v18 =	vld.idx.msk [tilespmem:v18+s14+$0x0], $0xffff  }
0x181: {  	v49 =	vand.u32 $0x787F, v23;
	v48 =	vand.u32 $0x400, v47;
	v14 =	vor.u32 v14, v25;
	v15 =	vld.idx.msk [tilespmem:v15+s14+$0x0], $0xffff  }
0x182: {  	vm2 =	veq.s32 v16, $0x8000;
	v16 =	vand.u32 $0x380, v39;
	v25 =	vor.u32 v48, v49;
	v22 =	vld.idx.msk [tilespmem:v22+s14+$0x0], $0xffff  }
0x183: {  	v11 =	vadd.f32 v11, v55;
	v13 =	vand.u32 $0xFFFF8000, v57;
	v19 =	vld.idx.msk [tilespmem:v19+s14+$0x0], $0xffff;
	v16 =	vor.u32 v16, v25  }
0x184: {  	v12 =	vand.u32 $0xFFFF8000, v56;
	v51 =	vadd.f32 v8, v50;
	v53 =	vand.u32 $0xFFFF8000, v26;
	v52 =	vld.idx.msk [tilespmem:v20+s14+$0x0], $0xffff  }
0x185: {  	v21 =	vand.u32 $0xFFFF8000, v32;
	v17 =	vnsel vm1, $0x0, v17;
	vm1 =	veq.s32 v13, $0x8000  }
0x186: {  	v18 =	vnsel vm1, $0x0, v18;
	v55 =	vld.idx.msk [tilespmem:v14+s14+$0x0], $0xffff;
	v15 =	vnsel vm2, $0x0, v15;
	vm2 =	veq.s32 v53, $0x8000  }
0x187: {  	vm1 =	veq.s32 v12, $0x8000;
	v54 =	vadd.f32 $0.0e+00, v15;
	v20 =	vnsel vm2, $0x0, v22  }
0x188: {  	s0 =	sadd.s32 $0x10, s0;
	v56 =	vnsel vm1, $0x0, v19;
	v16 =	vld.idx.msk [tilespmem:v16+s14+$0x0], $0xffff;
	vm1 =	veq.s32 v21, $0x8000;
	v59 =	vadd.f32 $0.0e+00, v20  }
0x189: {  	v57 =	vld [tilespmem:s0+$0x0];
	s0 =	sadd.s32 $0x10, s0;
	v24 =	vand.u32 $0xFFFF8000, v24;
	v13 =	vnsel vm1, $0x0, v52;
	v58 =	vadd.f32 v17, v54  }
0x18a: {  	v61 =	vld [tilespmem:s0+$0x0];
	s0 =	sadd.s32 $0x10, s0;
	v60 =	vadd.f32 v7, v51;
	vm1 =	veq.s32 v24, $0x8000;
	v62 =	vadd.f32 v13, v59  }
0x18b: {  	v23 =	vand.u32 $0xFFFF8000, v23;
	v63 =	vld [tilespmem:s0+$0x0];
	v12 =	vnsel vm1, $0x0, v55;
	v22 =	vadd.f32 v18, v58  }
0x18c: {  	v21 =	vadd.f32 v9, v60;
	vm1 =	veq.s32 v23, $0x8000;
	v28 =	vadd.f32 v12, v62  }
0x18d: {  	v16 =	vnsel vm1, $0x0, v16;
	v22 =	vadd.f32 v56, v22  }
0x18e: {  	v19 =	vadd.f32 v21, v57;
	v30 =	vadd.f32 v16, v28  }
0x18f: {  	(xrf2) =	vadd.scan.msk.f32 $0xffff, v11;
	v29 =	vadd.f32 v22, v61  }
0x190: {  	(xrf2) =	vadd.scan.msk.f32 $0xffff, v19;
	v31 =	vadd.f32 v30, v63  }
0x191: {  	(xrf2) =	vadd.scan.msk.f32 $0xffff, v29  }
0x192: {  	(xrf2) =	vadd.scan.msk.f32 $0xffff, v31;
	_ =	sdelay $0x5  }
0x193: {  	(v2sf) =	vpush v6, $0xF  }
0x194: {  	v32, _, _ =	vpop (xrf2)  }
0x195: {  	(v2sf) =	vpush v32, $0xF;
	v19, _, _ =	vpop (xrf2)  }
0x196: {  	(v2sf) =	vpush v19, $0xF;
	v33, _, _ =	vpop (xrf2)  }
0x197: {  	(v2sf) =	vpush v33, $0xF;
	v34, _, _ =	vpop (xrf2)  }
0x198: {  	v10 =	vmul.f32 v10, v10;
	(v2sf) =	vpush v34, $0xF;
	_ =	sdelay $0x1  }
0x199: {  	v5 =	vadd.f32 v10, v5;
	v8 =	vmul.f32 v8, v8;
	_ =	sdelay $0x1  }
0x19a: {  	v5 =	vadd.f32 v8, v5;
	v7 =	vmul.f32 v7, v7;
	_ =	sdelay $0x1  }
0x19b: {  	v5 =	vadd.f32 v7, v5;
	v7 =	vmul.f32 v9, v9;
	_ =	sdelay $0x1  }
0x19c: {  	v5 =	vadd.f32 v7, v5  }
0x19d: {  	v7 =	vmul.f32 v15, v15;
	vm1 =	veq.s32 v3, v0;
	v3 =	vmov s30;
	s30 =	sadd.s32 $0xFFFFFFF0, s30  }
0x19e: {  	v6 =	vbroadcast v6, $0xF;
	s18 =	spop (v2sf);
	v35 =	vmov s30;
	s30 =	simm.s32 $0x0  }
0x19f: {  	vm2 =	veq.s32 v4, v0;
	v4 =	vadd.f32 v7, v5;
	v5 =	vmul.f32 v17, v17;
	[tilespmem:s14], [sflag:$0x1] =	stream.linear.gather [hbm4b:s10+s30], $0x8000, $0x38;
	[tilespmem:$0x18E00] =	vst v63  }
0x1a0: {  	s17 =	spop (v2sf)  }
0x1a1: {  	v7 =	vnsel vm1, $0x0, v6;
	v6 =	vnsel vm2, $0x0, v6;
	v4 =	vadd.f32 v5, v4;
	s31 =	spop (v2sf)  }
0x1a2: {  	v5 =	vmul.f32 v18, v18;
	vm1 =	veq.s32 v3, v0;
	v2 =	vadd.f32 v7, v2;
	s0 =	spop (v2sf)  }
0x1a3: {  	v1 =	vadd.f32 v6, v1;
	v6 =	vbroadcast v32, $0xF;
	vm2 =	veq.s32 v35, v0;
	s1 =	spop (v2sf)  }
0x1a4: {  	v3 =	vadd.f32 v5, v4;
	v4 =	vmul.f32 v56, v56;
	v5 =	vmov s29;
	s29 =	sadd.s32 $0xFFFFFFF0, s29;
	_ =	swait.ge [sflag:s21], $0x8000  }
0x1a5: {  	v7 =	vnsel vm1, $0x0, v6;
	v6 =	vnsel vm2, $0x0, v6;
	v36 =	vmov s29;
	[sflag:s21] =	ssyncset.done $0x0  }
0x1a6: {  	s29 =	simm.s32 $0x20;
	vm1 =	veq.s32 v5, v0;
	v3 =	vadd.f32 v4, v3;
	v4 =	vmul.f32 v20, v20;
	[sflag:s21] =	ssyncadd.s32 $0xFFFF8000  }
0x1a7: {  	v2 =	vadd.f32 v7, v2;
	v1 =	vadd.f32 v6, v1;
	v6 =	vbroadcast v19, $0xF;
	v7 =	vld [tilespmem:s29+$0xFFFFFFE0]  }
0x1a8: {  	s30 =	sadd.s32 $0xFFFFFFF0, s28;
	vm2 =	veq.s32 v36, v0;
	v3 =	vadd.f32 v4, v3;
	v4 =	vmul.f32 v13, v13;
	v38 =	vld [tilespmem:s29+$0xFFFFFFF0]  }
0x1a9: {  	v39 =	vmov s30;
	v37 =	vnsel vm1, $0x0, v6;
	v6 =	vnsel vm2, $0x0, v6  }
0x1aa: {  	s30 =	sadd.s32 $0xFFFFFFF0, s26;
	v3 =	vadd.f32 v4, v3;
	v4 =	vmul.f32 v12, v12;
	v1 =	vadd.f32 v6, v1;
	v6 =	vld [tilespmem:s29+$0x0]  }
0x1ab: {  	v5 =	vmov s28;
	v60 =	vmov s30  }
0x1ac: {  	v3 =	vadd.f32 v4, v3;
	v4 =	vmul.f32 v16, v16;
	v40 =	vshll.u32 v7, $0x3  }
0x1ad: {  	v44 =	vld [tilespmem:s29+$0x10];
	v41 =	vshrl.u32 v7, $0x1;
	v42 =	vand.u32 $0x787F, v7;
	v43 =	vshrl.u32 v38, $0x1  }
0x1ae: {  	v45 =	vshll.u32 v38, $0x3;
	v46 =	vand.u32 $0x787F, v38;
	v8 =	vand.u32 $0x400, v40  }
0x1af: {  	v47 =	vshrl.u32 v6, $0x1;
	v11 =	vand.u32 $0x380, v41;
	v8 =	vor.u32 v8, v42  }
0x1b0: {  	v48 =	vshll.u32 v6, $0x3;
	v8 =	vor.u32 v11, v8;
	v11 =	vand.u32 $0x400, v45  }
0x1b1: {  	v49 =	vand.u32 $0x787F, v6;
	v12 =	vand.u32 $0x380, v43;
	v11 =	vor.u32 v11, v46  }
0x1b2: {  	v52 =	vshll.u32 v44, $0x3;
	v50 =	vand.u32 $0x400, v48;
	v11 =	vor.u32 v12, v11  }
0x1b3: {  	v53 =	vshrl.u32 v44, $0x1;
	v51 =	vand.u32 $0x380, v47;
	v12 =	vor.u32 v50, v49  }
0x1b4: {  	v55 =	vand.u32 $0x787F, v44;
	v54 =	vand.u32 $0x400, v52;
	v12 =	vor.u32 v51, v12  }
0x1b5: {  	vm1 =	veq.s32 v5, v0;
	v16 =	vand.u32 $0x380, v53;
	v14 =	vor.u32 v54, v55;
	v8 =	vld.idx.msk [tilespmem:v8+s15+$0x0], $0xffff  }
0x1b6: {  	v3 =	vadd.f32 v4, v3;
	v56 =	vbroadcast v33, $0xF;
	v4 =	vor.u32 v16, v14  }
0x1b7: {  	s18 =	smul.f32 s18, s18;
	vm2 =	veq.s32 v39, v0;
	v5 =	vmov s26;
	v2 =	vadd.f32 v37, v2;
	v11 =	vld.idx.msk [tilespmem:v11+s15+$0x0], $0xffff  }
0x1b8: {  	v59 =	vbroadcast v34, $0xF;
	v57 =	vnsel vm1, $0x0, v56;
	v58 =	vnsel vm2, $0x0, v56  }
0x1b9: {  	s18 =	sadd.f32 s18, s25;
	s17 =	smul.f32 s17, s17;
	vm1 =	veq.s32 v5, v0;
	v2 =	vadd.f32 v57, v2;
	vm2 =	vlt.u32 v7, $0x8000;
	v5 =	vld.idx.msk [tilespmem:v12+s15+$0x0], $0xffff  }
0x1ba: {  	v1 =	vadd.f32 v58, v1;
	v7 =	vnsel vm1, $0x0, v59;
	v8 =	vnsel vm2, $0x0, v8  }
0x1bb: {  	s17 =	sadd.f32 s17, s18;
	s31 =	smul.f32 s31, s31;
	vm1 =	vlt.u32 v38, $0x8000;
	v4 =	vld.idx.msk [tilespmem:v4+s15+$0x0], $0xffff;
	v61 =	vadd.f32 $0.0e+00, v8;
	v8 =	vmul.f32 v8, v8  }
0x1bc: {  	vm2 =	veq.s32 v60, v0;
	v9 =	vnsel vm1, $0x0, v11;
	vm1 =	vlt.u32 v6, $0x8000  }
0x1bd: {  	s17 =	sadd.f32 s31, s17;
	s0 =	smul.f32 s0, s0;
	v3 =	vadd.f32 v8, v3;
	v6 =	vadd.f32 v9, v61;
	v62 =	vmul.f32 v9, v9  }
0x1be: {  	v63 =	vnsel vm2, $0x0, v59;
	v5 =	vnsel vm1, $0x0, v5;
	vm1 =	vlt.u32 v44, $0x8000  }
0x1bf: {  	s1 =	smul.f32 s1, s1;
	s0 =	sadd.f32 s0, s17;
	v3 =	vadd.f32 v62, v3;
	v6 =	vadd.f32 v5, v6;
	v5 =	vmul.f32 v5, v5  }
0x1c0: {  	v2 =	vadd.f32 v7, v2;
	v1 =	vadd.f32 v63, v1;
	v4 =	vnsel vm1, $0x0, v4  }
0x1c1: {  	s17 =	simm.s32 $0x40;
	s25 =	sadd.f32 s1, s0;
	s0 =	simm.s32 $0x0;
	v3 =	vadd.f32 v5, v3;
	v5 =	vadd.f32 v4, v6;
	v4 =	vmul.f32 v4, v4  }
.LBB2_10:
0x1c2: {  	s1 =	smov.u32 s17  }
0x1c3: {  	s18 =	sshra.s32 s17, $0x2;
	s29 =	sadd.s32 $0x80, s29;
	s1 =	sadd.s32 $0x40, s17  }
0x1c4: {  	p0 =	sne.s32 s17, $0x4C0;
	v3 =	vadd.f32 v4, v3;
	[tilespmem:s0+$0x18C00] =	vst v5;
	s0 =	smov.u32 s18  }
0x1c5: {  	v4 =	vld [tilespmem:s29+$0xFFFFFFE0];
	_ =	sdelay $0x1  }
0x1c6: {  	v5 =	vld [tilespmem:s29+$0xFFFFFFF0];
	_ =	sdelay $0x1  }
0x1c7: {  	v6 =	vld [tilespmem:s29+$0x0]  }
0x1c8: {  	v7 =	vshll.u32 v4, $0x3;
	v8 =	vshrl.u32 v4, $0x1  }
0x1c9: {  	v9 =	vand.u32 $0x787F, v4;
	v7 =	vand.u32 $0x400, v7  }
0x1ca: {  	v8 =	vand.u32 $0x380, v8;
	v7 =	vor.u32 v7, v9;
	v9 =	vshrl.u32 v5, $0x1;
	v10 =	vld [tilespmem:s29+$0x10]  }
0x1cb: {  	v11 =	vand.u32 $0x787F, v5;
	v7 =	vor.u32 v8, v7;
	v8 =	vshll.u32 v5, $0x3  }
0x1cc: {  	v9 =	vand.u32 $0x380, v9;
	v8 =	vand.u32 $0x400, v8;
	v12 =	vshrl.u32 v6, $0x1  }
0x1cd: {  	v13 =	vand.u32 $0x787F, v6;
	v8 =	vor.u32 v8, v11;
	v11 =	vshll.u32 v6, $0x3  }
0x1ce: {  	v8 =	vor.u32 v9, v8;
	v9 =	vand.u32 $0x400, v11;
	v11 =	vand.u32 $0x380, v12  }
0x1cf: {  	v9 =	vor.u32 v9, v13;
	v12 =	vshll.u32 v10, $0x3;
	v13 =	vshrl.u32 v10, $0x1  }
0x1d0: {  	v9 =	vor.u32 v11, v9;
	v11 =	vand.u32 $0x400, v12;
	v12 =	vand.u32 $0x787F, v10  }
0x1d1: {  	v13 =	vand.u32 $0x380, v13;
	v7 =	vld.idx.msk [tilespmem:v7+s15+$0x0], $0xffff;
	v11 =	vor.u32 v11, v12  }
0x1d2: {  	v11 =	vor.u32 v13, v11  }
0x1d3: {  	v8 =	vld.idx.msk [tilespmem:v8+s15+$0x0], $0xffff;
	_ =	sdelay $0x1  }
0x1d4: {  	v9 =	vld.idx.msk [tilespmem:v9+s15+$0x0], $0xffff  }
0x1d5: {  	vm1 =	vlt.u32 v4, $0x8000  }
0x1d6: {  	v4 =	vnsel vm1, $0x0, v7;
	v7 =	vld.idx.msk [tilespmem:v11+s15+$0x0], $0xffff  }
0x1d7: {  	vm1 =	vlt.u32 v5, $0x8000;
	v11 =	vadd.f32 $0.0e+00, v4;
	v4 =	vmul.f32 v4, v4  }
0x1d8: {  	v5 =	vnsel vm1, $0x0, v8;
	vm1 =	vlt.u32 v6, $0x8000  }
.Ltmp4:
0x1d9: {  	v3 =	vadd.f32 v4, v3;
	v4 =	vadd.f32 v5, v11;
	v5 =	vmul.f32 v5, v5;
	(pc) =	sbr.rel @p0 .LBB2_10-.Ltmp4, $4  }
0x1da: {  	v6 =	vnsel vm1, $0x0, v9;
	vm1 =	vlt.u32 v10, $0x8000  }
0x1db: {  	v3 =	vadd.f32 v5, v3;
	v4 =	vadd.f32 v6, v4;
	v5 =	vmul.f32 v6, v6  }
0x1dc: {  	v6 =	vnsel vm1, $0x0, v7  }
0x1dd: {  	s17 =	smov.u32 s1;
	v3 =	vadd.f32 v5, v3;
	v5 =	vadd.f32 v6, v4;
	v4 =	vmul.f32 v6, v6  }
0x1de: {  	_ = 	snop  }
0x1df: {  	s18 =	simm.s32 $0x0;
	[tilespmem:s0+$0x18C00] =	vst v5  }
0x1e0: {  	[tilespmem:s15], [sflag:$0x2] =	stream.linear.gather [hbm4b:s11+s18], $0x8000, $0x38;
	[tilespmem:$0x18E00] =	vst v63  }
0x1e1: {  	_ =	swait.ge [sflag:s22], $0x8000  }
0x1e2: {  	[sflag:s22] =	ssyncset.done $0x0  }
0x1e3: {  	s1 =	simm.s32 $0x20;
	[sflag:s22] =	ssyncadd.s32 $0xFFFF8000  }
0x1e4: {  	v5 =	vld [tilespmem:s1+$0x0]  }
0x1e5: {  	v6 =	vld [tilespmem:s1+$0xFFFFFFF0]  }
0x1e6: {  	v7 =	vld [tilespmem:s1+$0xFFFFFFE0];
	_ =	sdelay $0x4  }
0x1e7: {  	v8 =	vshrl.u32 v5, $0x1;
	v9 =	vshll.u32 v6, $0x3;
	v10 =	vshll.u32 v7, $0x3  }
0x1e8: {  	v11 =	vshrl.u32 v7, $0x1;
	v12 =	vand.u32 $0x787F, v7;
	v10 =	vand.u32 $0x400, v10  }
0x1e9: {  	v13 =	vshrl.u32 v6, $0x1;
	v11 =	vand.u32 $0x380, v11;
	v10 =	vor.u32 v10, v12  }
0x1ea: {  	v9 =	vand.u32 $0x400, v9;
	v10 =	vor.u32 v11, v10;
	v11 =	vand.u32 $0x787F, v6  }
0x1eb: {  	v12 =	vand.u32 $0x380, v13;
	v9 =	vor.u32 v9, v11;
	v11 =	vshll.u32 v5, $0x3  }
0x1ec: {  	v9 =	vor.u32 v12, v9;
	v11 =	vand.u32 $0x400, v11;
	v12 =	vand.u32 $0x787F, v5  }
0x1ed: {  	s26 =	simm.s32 $0xA0;
	v8 =	vand.u32 $0x380, v8;
	v13 =	vld [tilespmem:s1+$0x10];
	v11 =	vor.u32 v11, v12  }
0x1ee: {  	v15 =	vld [tilespmem:s26+$0x0];
	v8 =	vor.u32 v8, v11  }
0x1ef: {  	v10 =	vld.idx.msk [tilespmem:v10+s16+$0x0], $0xffff  }
0x1f0: {  	v7 =	vand.u32 $0xFFFF8000, v7  }
0x1f1: {  	v3 =	vadd.f32 v4, v3;
	vm1 =	veq.s32 v7, $0x8000;
	v6 =	vand.u32 $0xFFFF8000, v6;
	v9 =	vld.idx.msk [tilespmem:v9+s16+$0x0], $0xffff  }
0x1f2: {  	v14 =	vld [tilespmem:s26+$0x10];
	v5 =	vand.u32 $0xFFFF8000, v5;
	v4 =	vshll.u32 v13, $0x3;
	v11 =	vshrl.u32 v13, $0x1  }
0x1f3: {  	v12 =	vand.u32 $0x787F, v13;
	v4 =	vand.u32 $0x400, v4;
	v11 =	vand.u32 $0x380, v11;
	v8 =	vld.idx.msk [tilespmem:v8+s16+$0x0], $0xffff  }
0x1f4: {  	v4 =	vor.u32 v4, v12;
	v12 =	vshrl.u32 v15, $0x1;
	v7 =	vnsel vm1, $0x0, v10;
	v10 =	vld [tilespmem:s26+$0xFFFFFFF0]  }
0x1f5: {  	v4 =	vor.u32 v11, v4;
	v12 =	vand.u32 $0x380, v12;
	vm1 =	veq.s32 v6, $0x8000;
	v6 =	vld [tilespmem:s26+$0xFFFFFFE0]  }
0x1f6: {  	v11 =	vmul.f32 v7, v7;
	v7 =	vadd.f32 $0.0e+00, v7;
	v9 =	vnsel vm1, $0x0, v9  }
0x1f7: {  	vm1 =	veq.s32 v5, $0x8000;
	v5 =	vand.u32 $0xFFFF8000, v13;
	v13 =	vshrl.u32 v14, $0x1  }
0x1f8: {  	v3 =	vadd.f32 v11, v3;
	v11 =	vmul.f32 v9, v9;
	v13 =	vand.u32 $0x380, v13  }
0x1f9: {  	v7 =	vadd.f32 v9, v7;
	v8 =	vnsel vm1, $0x0, v8;
	vm1 =	veq.s32 v5, $0x8000  }
0x1fa: {  	v3 =	vadd.f32 v11, v3;
	v5 =	vshll.u32 v10, $0x3;
	v16 =	vshll.u32 v6, $0x3  }
0x1fb: {  	v17 =	vshrl.u32 v6, $0x1;
	v18 =	vand.u32 $0x787F, v6;
	v16 =	vand.u32 $0x400, v16  }
0x1fc: {  	v19 =	vshrl.u32 v10, $0x1;
	v17 =	vand.u32 $0x380, v17;
	v16 =	vor.u32 v16, v18  }
0x1fd: {  	v4 =	vld.idx.msk [tilespmem:v4+s16+$0x0], $0xffff;
	v5 =	vand.u32 $0x400, v5;
	v16 =	vor.u32 v17, v16;
	v17 =	vand.u32 $0x787F, v10  }
0x1fe: {  	v18 =	vand.u32 $0x380, v19;
	v5 =	vor.u32 v5, v17;
	v17 =	vshll.u32 v15, $0x3  }
0x1ff: {  	v5 =	vor.u32 v18, v5;
	v17 =	vand.u32 $0x400, v17;
	v18 =	vand.u32 $0x787F, v15  }
0x200: {  	v11 =	vmul.f32 v8, v8;
	v17 =	vor.u32 v17, v18;
	v18 =	vshll.u32 v14, $0x3  }
0x201: {  	v12 =	vor.u32 v12, v17;
	v17 =	vand.u32 $0x400, v18;
	v18 =	vand.u32 $0x787F, v14  }
0x202: {  	s31 =	simm.s32 $0x18C00;
	v8 =	vadd.f32 v8, v7;
	v4 =	vnsel vm1, $0x0, v4;
	v16 =	vld.idx.msk [tilespmem:v16+s16+$0x0], $0xffff;
	v17 =	vor.u32 v17, v18  }
0x203: {  	v3 =	vadd.f32 v11, v3;
	v11 =	vmul.f32 v4, v4;
	v9 =	vor.u32 v13, v17;
	v13 =	vld [tilespmem:s31+$0x0]  }
0x204: {  	s1 =	simm.s32 $0x120;
	v5 =	vld.idx.msk [tilespmem:v5+s16+$0x0], $0xffff  }
0x205: {  	v6 =	vand.u32 $0xFFFF8000, v6;
	v17 =	vadd.f32 v11, v3;
	v11 =	vadd.f32 v4, v8;
	v8 =	vld [tilespmem:s1+$0x0]  }
0x206: {  	vm1 =	veq.s32 v6, $0x8000;
	v19 =	vand.u32 $0xFFFF8000, v14;
	v10 =	vand.u32 $0xFFFF8000, v10;
	v18 =	vld.idx.msk [tilespmem:v12+s16+$0x0], $0xffff  }
0x207: {  	v3 =	vmov s18;
	v6 =	vnsel vm1, $0x0, v16;
	vm1 =	veq.s32 v10, $0x8000;
	v10 =	vld [tilespmem:s1+$0xFFFFFFE0]  }
0x208: {  	s17 =	simm.s32 $0xFFFFFFF0;
	v16 =	vld.idx.msk [tilespmem:v9+s16+$0x0], $0xffff;
	v13 =	vadd.f32 v11, v13;
	v11 =	vadd.f32 $0.0e+00, v6;
	v6 =	vmul.f32 v6, v6  }
0x209: {  	v4 =	vmov s17;
	v12 =	vnsel vm1, $0x0, v5;
	v5 =	vand.u32 $0xFFFF8000, v15  }
0x20a: {  	v9 =	vld [tilespmem:s1+$0xFFFFFFF0];
	(xrf2) =	vadd.scan.msk.f32 $0xffff, v13;
	v6 =	vadd.f32 v6, v17;
	v13 =	vmul.f32 v12, v12;
	vm1 =	veq.s32 v5, $0x8000  }
0x20b: {  	v20 =	vshrl.u32 v8, $0x1;
	v14 =	vnsel vm1, $0x0, v18;
	vm1 =	veq.s32 v19, $0x8000  }
0x20c: {  	v5 =	vadd.f32 v13, v6;
	v6 =	vmul.f32 v14, v14;
	v19 =	vshrl.u32 v10, $0x1  }
0x20d: {  	v7 =	vld [tilespmem:s1+$0x10];
	v21 =	vand.u32 $0x787F, v10;
	v13 =	vnsel vm1, $0x0, v16;
	v16 =	vshll.u32 v10, $0x3  }
0x20e: {  	v5 =	vadd.f32 v6, v5;
	v6 =	vmul.f32 v13, v13;
	v16 =	vand.u32 $0x400, v16  }
0x20f: {  	v17 =	vshll.u32 v9, $0x3;
	v19 =	vand.u32 $0x380, v19;
	v16 =	vor.u32 v16, v21  }
0x210: {  	v5 =	vadd.f32 v6, v5;
	v6 =	vand.u32 $0x400, v17;
	v17 =	vand.u32 $0x787F, v9  }
0x211: {  	v18 =	vshrl.u32 v9, $0x1;
	v16 =	vor.u32 v19, v16;
	v6 =	vor.u32 v6, v17  }
0x212: {  	v15 =	vshrl.u32 v7, $0x1;
	v18 =	vand.u32 $0x380, v18;
	v19 =	vshll.u32 v8, $0x3  }
0x213: {  	s30 =	simm.s32 $0x1;
	s29 =	simm.s32 $0x2;
	v21 =	vand.u32 $0x787F, v8;
	v17 =	vor.u32 v18, v6;
	v18 =	vand.u32 $0x400, v19  }
0x214: {  	s28 =	simm.s32 $0x3;
	s0 =	simm.s32 $0x5;
	s26 =	simm.s32 $0x4;
	v19 =	vand.u32 $0x380, v20;
	v20 =	vor.u32 v18, v21;
	v18 =	vshll.u32 v7, $0x3;
	v6, _, _ =	vpop (xrf2)  }
.LBB2_12:
0x215: {  	p0 =	sne.s32 s0, $0x13;
	v19 =	vor.u32 v19, v20;
	v18 =	vand.u32 $0x400, v18;
	v20 =	vand.u32 $0x787F, v7  }
0x216: {  	v15 =	vand.u32 $0x380, v15;
	v11 =	vadd.f32 v12, v11;
	s31 =	sadd.s32 $0x10, s31;
	v16 =	vld.idx.msk [tilespmem:v16+s16+$0x0], $0xffff;
	v18 =	vor.u32 v18, v20  }
0x217: {  	v12 =	vor.u32 v15, v18;
	v15 =	vld [tilespmem:s31+$0x0];
	v18 =	vbroadcast v6, $0xF;
	(v2sf) =	vpush v6, $0xF  }
0x218: {  	s1 =	sadd.s32 $0x80, s1;
	vm1 =	veq.s32 v3, v0;
	vm2 =	veq.s32 v4, v0;
	v11 =	vadd.f32 v14, v11;
	v6 =	vld.idx.msk [tilespmem:v17+s16+$0x0], $0xffff  }
0x219: {  	v3 =	vmov s30;
	v14 =	vld [tilespmem:s1+$0x10];
	v4 =	vnsel vm1, $0x0, v18;
	v17 =	vnsel vm2, $0x0, v18  }
0x21a: {  	v10 =	vand.u32 $0xFFFF8000, v10;
	s17 =	sadd.s32 $0xFFFFFFF0, s30;
	s30 =	smov.u32 s29;
	s29 =	smov.u32 s28;
	v11 =	vadd.f32 v13, v11;
	v18 =	vld.idx.msk [tilespmem:v19+s16+$0x0], $0xffff;
	v2 =	vadd.f32 v4, v2  }
0x21b: {  	s28 =	smov.u32 s26;
	s26 =	smov.u32 s0;
	vm1 =	veq.s32 v10, $0x8000;
	v4 =	vmov s17;
	v1 =	vadd.f32 v17, v1;
	v13 =	vld [tilespmem:s1+$0x0]  }
0x21c: {  	v10 =	vnsel vm1, $0x0, v16;
	v16 =	vand.u32 $0xFFFF8000, v9;
	v17 =	vld.idx.msk [tilespmem:v12+s16+$0x0], $0xffff;
	v15 =	vadd.f32 v11, v15  }
0x21d: {  	v11 =	vadd.f32 $0.0e+00, v10;
	v19 =	vmul.f32 v10, v10;
	vm1 =	veq.s32 v16, $0x8000;
	v9 =	vld [tilespmem:s1+$0xFFFFFFF0]  }
0x21e: {  	v16 =	vand.u32 $0xFFFF8000, v7;
	v12 =	vnsel vm1, $0x0, v6;
	v6 =	vand.u32 $0xFFFF8000, v8;
	v10 =	vld [tilespmem:s1+$0xFFFFFFE0];
	(xrf2) =	vadd.scan.msk.f32 $0xffff, v15;
	v7 =	vmovc v14  }
0x21f: {  	v5 =	vadd.f32 v19, v5;
	v19 =	vmul.f32 v12, v12;
	vm1 =	veq.s32 v6, $0x8000  }
0x220: {  	v15 =	vshrl.u32 v7, $0x1;
	v14 =	vnsel vm1, $0x0, v18;
	v20 =	vshrl.u32 v13, $0x1;
	v8 =	vmovc v13  }
0x221: {  	vm1 =	veq.s32 v16, $0x8000;
	v5 =	vadd.f32 v19, v5;
	v6 =	vmul.f32 v14, v14  }
0x222: {  	v13 =	vnsel vm1, $0x0, v17;
	v18 =	vshll.u32 v9, $0x3;
	v19 =	vshrl.u32 v9, $0x1  }
0x223: {  	v5 =	vadd.f32 v6, v5;
	v6 =	vmul.f32 v13, v13;
	v16 =	vshll.u32 v10, $0x3  }
0x224: {  	v17 =	vshrl.u32 v10, $0x1;
	v21 =	vand.u32 $0x787F, v10;
	v16 =	vand.u32 $0x400, v16  }
.Ltmp5:
0x225: {  	v17 =	vand.u32 $0x380, v17;
	v5 =	vadd.f32 v6, v5;
	v16 =	vor.u32 v16, v21;
	(pc) =	sbr.rel @p0 .LBB2_12-.Ltmp5, $4  }
0x226: {  	v23 =	vand.u32 $0x400, v18;
	v16 =	vor.u32 v17, v16;
	v17 =	vand.u32 $0x787F, v9;
	s17 =	spop (v2sf)  }
0x227: {  	v18 =	vand.u32 $0x380, v19;
	v19 =	vshll.u32 v8, $0x3;
	v22 =	vor.u32 v23, v17;
	s17 =	smul.f32 s17, s17  }
0x228: {  	v21 =	vand.u32 $0x787F, v8;
	v17 =	vor.u32 v18, v22;
	v18 =	vand.u32 $0x400, v19;
	v6, _, _ =	vpop (xrf2)  }
0x229: {  	s0 =	sadd.s32 $0x1, s0;
	v19 =	vand.u32 $0x380, v20;
	v20 =	vor.u32 v18, v21;
	v18 =	vshll.u32 v7, $0x3;
	s25 =	sadd.f32 s17, s25  }
0x22a: {  	_ =	sdelay $0x3  }
0x22b: {  	v16 =	vld.idx.msk [tilespmem:v16+s16+$0x0], $0xffff  }
0x22c: {  	v17 =	vld.idx.msk [tilespmem:v17+s16+$0x0], $0xffff;
	s0 =	sadd.s32 $0x80, s1  }
0x22d: {  	v19 =	vor.u32 v19, v20;
	v20 =	vld [tilespmem:s0+$0x10]  }
0x22e: {  	v11 =	vadd.f32 v12, v11;
	v21 =	vld [tilespmem:s0+$0x0]  }
0x22f: {  	v18 =	vand.u32 $0x400, v18;
	v57 =	vand.u32 $0x787F, v7;
	v15 =	vand.u32 $0x380, v15;
	v58 =	vld [tilespmem:s0+$0xFFFFFFF0]  }
0x230: {  	v10 =	vand.u32 $0xFFFF8000, v10;
	v59 =	vand.u32 $0xFFFF8000, v9;
	v8 =	vand.u32 $0xFFFF8000, v8;
	v60 =	vld [tilespmem:s0+$0xFFFFFFE0]  }
0x231: {  	v61 =	vand.u32 $0xFFFF8000, v7;
	vm1 =	veq.s32 v10, $0x8000;
	v11 =	vadd.f32 v14, v11  }
0x232: {  	v18 =	vor.u32 v18, v57;
	v9 =	vnsel vm1, $0x0, v16;
	vm1 =	veq.s32 v59, $0x8000  }
0x233: {  	v15 =	vor.u32 v15, v18;
	v11 =	vadd.f32 v13, v11;
	v10 =	vnsel vm1, $0x0, v17  }
0x234: {  	vm1 =	veq.s32 v8, $0x8000;
	v62 =	vshrl.u32 v21, $0x1;
	v63 =	vshrl.u32 v20, $0x1  }
0x235: {  	s0 =	sadd.s32 $0x80, s0;
	v27 =	vshll.u32 v58, $0x3;
	v28 =	vshrl.u32 v58, $0x1;
	v29 =	vshll.u32 v60, $0x3  }
0x236: {  	v23 =	vld [tilespmem:s0+$0x0];
	v30 =	vshrl.u32 v60, $0x1;
	v22 =	vand.u32 $0x787F, v60;
	v31 =	vand.u32 $0x787F, v58  }
0x237: {  	v24 =	vld [tilespmem:s0+$0xFFFFFFF0];
	v32 =	vshll.u32 v21, $0x3;
	v35 =	vand.u32 $0x787F, v21;
	v25 =	vshll.u32 v20, $0x3  }
0x238: {  	v34 =	vld [tilespmem:s0+$0xFFFFFFE0];
	v37 =	vand.u32 $0x787F, v20;
	v51 =	vadd.f32 $0.0e+00, v9;
	v18 =	vand.u32 $0xFFFF8000, v60  }
0x239: {  	v42 =	vld [tilespmem:s0+$0x10];
	v14 =	vand.u32 $0xFFFF8000, v58;
	v21 =	vand.u32 $0xFFFF8000, v21;
	v20 =	vand.u32 $0xFFFF8000, v20  }
0x23a: {  	v56 =	vld.idx.msk [tilespmem:v19+s16+$0x0], $0xffff;
	v17 =	vand.u32 $0x400, v29;
	v19 =	vand.u32 $0x380, v30;
	v12 =	vand.u32 $0x400, v27  }
0x23b: {  	v13 =	vand.u32 $0x380, v28;
	v33 =	vand.u32 $0x400, v32;
	v8 =	vand.u32 $0x380, v62  }
0x23c: {  	v36 =	vand.u32 $0x400, v25;
	v38 =	vand.u32 $0x380, v63;
	v40 =	vshrl.u32 v23, $0x1  }
0x23d: {  	v41 =	vshll.u32 v24, $0x3;
	v26 =	vshrl.u32 v24, $0x1;
	v27 =	vshll.u32 v34, $0x3  }
0x23e: {  	v28 =	vshrl.u32 v34, $0x1;
	v29 =	vand.u32 $0x787F, v34;
	v43 =	vand.u32 $0x787F, v24  }
0x23f: {  	v44 =	vshll.u32 v23, $0x3;
	v46 =	vand.u32 $0x787F, v23;
	v47 =	vshll.u32 v42, $0x3  }
0x240: {  	v49 =	vand.u32 $0x787F, v42;
	v50 =	vshrl.u32 v42, $0x1;
	v17 =	vor.u32 v17, v22  }
0x241: {  	v12 =	vor.u32 v12, v31;
	v27 =	vand.u32 $0x400, v27;
	v17 =	vor.u32 v19, v17  }
0x242: {  	v28 =	vand.u32 $0x380, v28;
	v12 =	vor.u32 v13, v12;
	v27 =	vor.u32 v27, v29  }
0x243: {  	v22 =	vand.u32 $0x400, v41;
	v13 =	vor.u32 v33, v35;
	v27 =	vor.u32 v28, v27  }
0x244: {  	v26 =	vand.u32 $0x380, v26;
	v22 =	vor.u32 v22, v43;
	v8 =	vor.u32 v8, v13  }
0x245: {  	v15 =	vld.idx.msk [tilespmem:v15+s16+$0x0], $0xffff;
	vm2 =	veq.s32 v18, $0x8000;
	v45 =	vand.u32 $0x400, v44;
	v22 =	vor.u32 v26, v22  }
0x246: {  	v24 =	vand.u32 $0xFFFF8000, v24;
	v16 =	vand.u32 $0x380, v40;
	v26 =	vor.u32 v45, v46;
	v17 =	vld.idx.msk [tilespmem:v17+s16+$0x0], $0xffff  }
0x247: {  	v39 =	vor.u32 v36, v37;
	v48 =	vand.u32 $0x400, v47;
	v16 =	vor.u32 v16, v26;
	v12 =	vld.idx.msk [tilespmem:v12+s16+$0x0], $0xffff  }
0x248: {  	v13 =	vor.u32 v38, v39;
	v28 =	vor.u32 v48, v49;
	v26 =	vand.u32 $0x380, v50;
	v53 =	vld.idx.msk [tilespmem:v27+s16+$0x0], $0xffff  }
0x249: {  	v23 =	vand.u32 $0xFFFF8000, v23;
	v25 =	vand.u32 $0xFFFF8000, v42;
	v52 =	vor.u32 v26, v28;
	v8 =	vld.idx.msk [tilespmem:v8+s16+$0x0], $0xffff  }
0x24a: {  	s18 =	sadd.s32 $0x10, s31;
	v54 =	vadd.f32 v10, v51;
	v7 =	vnsel vm1, $0x0, v56;
	vm1 =	veq.s32 v61, $0x8000;
	v56 =	vld.idx.msk [tilespmem:v22+s16+$0x0], $0xffff  }
0x24b: {  	v57 =	vld [tilespmem:s18+$0x0];
	v19 =	vand.u32 $0xFFFF8000, v34;
	v15 =	vnsel vm1, $0x0, v15;
	vm1 =	veq.s32 v14, $0x8000  }
0x24c: {  	v16 =	vld.idx.msk [tilespmem:v16+s16+$0x0], $0xffff;
	v55 =	vnsel vm2, $0x0, v17;
	v12 =	vnsel vm1, $0x0, v12;
	vm1 =	veq.s32 v19, $0x8000  }
0x24d: {  	v13 =	vld.idx.msk [tilespmem:v13+s16+$0x0], $0xffff;
	vm2 =	veq.s32 v21, $0x8000;
	v59 =	vadd.f32 $0.0e+00, v55;
	v26 =	vnsel vm1, $0x0, v53  }
0x24e: {  	s0 =	sadd.s32 $0x10, s18;
	v18 =	vld.idx.msk [tilespmem:v52+s16+$0x0], $0xffff;
	v8 =	vnsel vm2, $0x0, v8;
	vm2 =	veq.s32 v24, $0x8000;
	v60 =	vadd.f32 $0.0e+00, v26  }
0x24f: {  	v61 =	vld [tilespmem:s0+$0x0];
	s0 =	sadd.s32 $0x10, s0;
	v58 =	vadd.f32 v7, v54;
	v17 =	vnsel vm2, $0x0, v56;
	v19 =	vadd.f32 v12, v59  }
0x250: {  	v62 =	vld [tilespmem:s0+$0x0];
	s0 =	sadd.s32 $0x10, s0;
	vm1 =	veq.s32 v20, $0x8000;
	vm2 =	veq.s32 v23, $0x8000;
	v20 =	vadd.f32 v17, v60  }
0x251: {  	v63 =	vld [tilespmem:s0+$0x0];
	v22 =	vadd.f32 v15, v58;
	v16 =	vnsel vm2, $0x0, v16;
	v19 =	vadd.f32 v8, v19  }
0x252: {  	v13 =	vnsel vm1, $0x0, v13;
	vm2 =	veq.s32 v25, $0x8000;
	v20 =	vadd.f32 v16, v20  }
0x253: {  	v11 =	vadd.f32 v11, v57;
	v18 =	vnsel vm2, $0x0, v18;
	v19 =	vadd.f32 v13, v19  }
0x254: {  	v28 =	vadd.f32 v22, v61;
	v20 =	vadd.f32 v18, v20  }
0x255: {  	(xrf2) =	vadd.scan.msk.f32 $0xffff, v11;
	v29 =	vadd.f32 v19, v62  }
0x256: {  	(xrf2) =	vadd.scan.msk.f32 $0xffff, v28;
	v30 =	vadd.f32 v20, v63  }
0x257: {  	(xrf2) =	vadd.scan.msk.f32 $0xffff, v29  }
0x258: {  	(xrf2) =	vadd.scan.msk.f32 $0xffff, v30;
	_ =	sdelay $0x6  }
0x259: {  	(v2sf) =	vpush v6, $0xF;
	v31, _, _ =	vpop (xrf2)  }
0x25a: {  	(v2sf) =	vpush v31, $0xF;
	v32, _, _ =	vpop (xrf2)  }
0x25b: {  	(v2sf) =	vpush v32, $0xF;
	v33, _, _ =	vpop (xrf2)  }
0x25c: {  	(v2sf) =	vpush v33, $0xF;
	v34, _, _ =	vpop (xrf2)  }
0x25d: {  	(v2sf) =	vpush v34, $0xF;
	_ =	sdelay $0x1  }
0x25e: {  	v9 =	vmul.f32 v9, v9;
	_ =	sdelay $0x1  }
0x25f: {  	v5 =	vadd.f32 v9, v5;
	v35 =	vmul.f32 v10, v10;
	_ =	sdelay $0x1  }
0x260: {  	v5 =	vadd.f32 v35, v5;
	v7 =	vmul.f32 v7, v7;
	_ =	sdelay $0x1  }
0x261: {  	v5 =	vadd.f32 v7, v5;
	v7 =	vmul.f32 v15, v15  }
0x262: {  	v6 =	vbroadcast v6, $0xF  }
0x263: {  	v5 =	vadd.f32 v7, v5;
	v7 =	vmul.f32 v55, v55;
	vm1 =	veq.s32 v3, v0  }
0x264: {  	s18 =	spop (v2sf);
	v3 =	vnsel vm1, $0x0, v6;
	vm2 =	veq.s32 v4, v0  }
0x265: {  	v4 =	vadd.f32 v7, v5;
	v5 =	vmul.f32 v12, v12;
	v7 =	vmov s30;
	s30 =	sadd.s32 $0xFFFFFFF0, s30;
	s31 =	spop (v2sf)  }
0x266: {  	v2 =	vadd.f32 v3, v2;
	v6 =	vnsel vm2, $0x0, v6;
	v3 =	vmov s30;
	s17 =	spop (v2sf)  }
0x267: {  	vm1 =	veq.s32 v7, v0;
	v4 =	vadd.f32 v5, v4;
	v5 =	vmul.f32 v8, v8;
	s1 =	spop (v2sf)  }
0x268: {  	v1 =	vadd.f32 v6, v1;
	v6 =	vbroadcast v31, $0xF;
	vm2 =	veq.s32 v3, v0;
	s0 =	spop (v2sf)  }
0x269: {  	v3 =	vadd.f32 v5, v4;
	v4 =	vmul.f32 v13, v13;
	v5 =	vmov s29;
	s29 =	sadd.s32 $0xFFFFFFF0, s29;
	_ =	swait.ge [sflag:s20], $0x8000  }
0x26a: {  	v7 =	vnsel vm1, $0x0, v6;
	v6 =	vnsel vm2, $0x0, v6;
	v36 =	vmov s29;
	[sflag:s20] =	ssyncset.done $0x0  }
0x26b: {  	s29 =	simm.s32 $0x20;
	v2 =	vadd.f32 v7, v2;
	v3 =	vadd.f32 v4, v3;
	v4 =	vmul.f32 v26, v26;
	[sflag:s20] =	ssyncadd.s32 $0xFFFF8000  }
0x26c: {  	v1 =	vadd.f32 v6, v1;
	vm1 =	veq.s32 v5, v0;
	v6 =	vbroadcast v32, $0xF;
	v7 =	vld [tilespmem:s29+$0xFFFFFFE0]  }
0x26d: {  	s30 =	sadd.s32 $0xFFFFFFF0, s28;
	vm2 =	veq.s32 v36, v0;
	v3 =	vadd.f32 v4, v3;
	v4 =	vmul.f32 v17, v17;
	v38 =	vld [tilespmem:s29+$0xFFFFFFF0]  }
0x26e: {  	v39 =	vmov s30;
	v37 =	vnsel vm1, $0x0, v6;
	v6 =	vnsel vm2, $0x0, v6  }
0x26f: {  	s30 =	sadd.s32 $0xFFFFFFF0, s26;
	v3 =	vadd.f32 v4, v3;
	v4 =	vmul.f32 v16, v16;
	v1 =	vadd.f32 v6, v1;
	v6 =	vld [tilespmem:s29+$0x0]  }
0x270: {  	v60 =	vmov s30;
	v5 =	vmov s28  }
0x271: {  	v3 =	vadd.f32 v4, v3;
	v4 =	vmul.f32 v18, v18;
	v40 =	vshll.u32 v7, $0x3  }
0x272: {  	v44 =	vld [tilespmem:s29+$0x10];
	v41 =	vshrl.u32 v7, $0x1;
	v42 =	vand.u32 $0x787F, v7;
	v43 =	vshrl.u32 v38, $0x1  }
0x273: {  	v45 =	vshll.u32 v38, $0x3;
	v46 =	vand.u32 $0x787F, v38;
	v8 =	vand.u32 $0x400, v40  }
0x274: {  	v47 =	vshrl.u32 v6, $0x1;
	v11 =	vand.u32 $0x380, v41;
	v8 =	vor.u32 v8, v42  }
0x275: {  	v48 =	vshll.u32 v6, $0x3;
	v8 =	vor.u32 v11, v8;
	v11 =	vand.u32 $0x400, v45  }
0x276: {  	v49 =	vand.u32 $0x787F, v6;
	v12 =	vand.u32 $0x380, v43;
	v11 =	vor.u32 v11, v46  }
0x277: {  	v52 =	vshll.u32 v44, $0x3;
	v50 =	vand.u32 $0x400, v48;
	v11 =	vor.u32 v12, v11  }
0x278: {  	v53 =	vshrl.u32 v44, $0x1;
	v51 =	vand.u32 $0x380, v47;
	v12 =	vor.u32 v50, v49  }
0x279: {  	v55 =	vand.u32 $0x787F, v44;
	v54 =	vand.u32 $0x400, v52;
	v12 =	vor.u32 v51, v12  }
0x27a: {  	vm1 =	veq.s32 v5, v0;
	v16 =	vand.u32 $0x380, v53;
	v14 =	vor.u32 v54, v55;
	v8 =	vld.idx.msk [tilespmem:v8+s14+$0x0], $0xffff  }
0x27b: {  	v3 =	vadd.f32 v4, v3;
	v56 =	vbroadcast v33, $0xF;
	v4 =	vor.u32 v16, v14  }
0x27c: {  	s18 =	smul.f32 s18, s18;
	vm2 =	veq.s32 v39, v0;
	v5 =	vmov s26;
	v2 =	vadd.f32 v37, v2;
	v11 =	vld.idx.msk [tilespmem:v11+s14+$0x0], $0xffff  }
0x27d: {  	v59 =	vbroadcast v34, $0xF;
	v57 =	vnsel vm1, $0x0, v56;
	v58 =	vnsel vm2, $0x0, v56  }
0x27e: {  	s18 =	sadd.f32 s18, s25;
	s31 =	smul.f32 s31, s31;
	vm1 =	veq.s32 v5, v0;
	v2 =	vadd.f32 v57, v2;
	vm2 =	vlt.u32 v7, $0x8000;
	v5 =	vld.idx.msk [tilespmem:v12+s14+$0x0], $0xffff  }
0x27f: {  	v1 =	vadd.f32 v58, v1;
	v7 =	vnsel vm1, $0x0, v59;
	v8 =	vnsel vm2, $0x0, v8  }
0x280: {  	s18 =	sadd.f32 s31, s18;
	s17 =	smul.f32 s17, s17;
	vm1 =	vlt.u32 v38, $0x8000;
	v4 =	vld.idx.msk [tilespmem:v4+s14+$0x0], $0xffff;
	v61 =	vadd.f32 $0.0e+00, v8;
	v8 =	vmul.f32 v8, v8  }
0x281: {  	vm2 =	veq.s32 v60, v0;
	v9 =	vnsel vm1, $0x0, v11;
	vm1 =	vlt.u32 v6, $0x8000  }
0x282: {  	s17 =	sadd.f32 s17, s18;
	s1 =	smul.f32 s1, s1;
	v3 =	vadd.f32 v8, v3;
	v6 =	vadd.f32 v9, v61;
	v62 =	vmul.f32 v9, v9  }
0x283: {  	v63 =	vnsel vm2, $0x0, v59;
	v5 =	vnsel vm1, $0x0, v5;
	vm1 =	vlt.u32 v44, $0x8000  }
0x284: {  	s0 =	smul.f32 s0, s0;
	s1 =	sadd.f32 s1, s17;
	v3 =	vadd.f32 v62, v3;
	v6 =	vadd.f32 v5, v6;
	v5 =	vmul.f32 v5, v5  }
0x285: {  	v2 =	vadd.f32 v7, v2;
	v1 =	vadd.f32 v63, v1;
	v4 =	vnsel vm1, $0x0, v4  }
0x286: {  	s17 =	simm.s32 $0x40;
	s25 =	sadd.f32 s0, s1;
	s0 =	simm.s32 $0x0;
	v3 =	vadd.f32 v5, v3;
	v5 =	vadd.f32 v4, v6;
	v4 =	vmul.f32 v4, v4  }
.LBB2_14:
0x287: {  	s1 =	smov.u32 s17  }
0x288: {  	s18 =	sshra.s32 s17, $0x2;
	s29 =	sadd.s32 $0x80, s29;
	s1 =	sadd.s32 $0x40, s17  }
0x289: {  	p0 =	sne.s32 s17, $0x4C0;
	v3 =	vadd.f32 v4, v3;
	[tilespmem:s0+$0x18C00] =	vst v5;
	s0 =	smov.u32 s18  }
0x28a: {  	v4 =	vld [tilespmem:s29+$0xFFFFFFE0];
	_ =	sdelay $0x1  }
0x28b: {  	v5 =	vld [tilespmem:s29+$0xFFFFFFF0];
	_ =	sdelay $0x1  }
0x28c: {  	v6 =	vld [tilespmem:s29+$0x0]  }
0x28d: {  	v7 =	vshll.u32 v4, $0x3;
	v8 =	vshrl.u32 v4, $0x1  }
0x28e: {  	v9 =	vand.u32 $0x787F, v4;
	v7 =	vand.u32 $0x400, v7  }
0x28f: {  	v8 =	vand.u32 $0x380, v8;
	v7 =	vor.u32 v7, v9;
	v9 =	vshrl.u32 v5, $0x1;
	v10 =	vld [tilespmem:s29+$0x10]  }
0x290: {  	v11 =	vand.u32 $0x787F, v5;
	v7 =	vor.u32 v8, v7;
	v8 =	vshll.u32 v5, $0x3  }
0x291: {  	v9 =	vand.u32 $0x380, v9;
	v8 =	vand.u32 $0x400, v8;
	v12 =	vshrl.u32 v6, $0x1  }
0x292: {  	v13 =	vand.u32 $0x787F, v6;
	v8 =	vor.u32 v8, v11;
	v11 =	vshll.u32 v6, $0x3  }
0x293: {  	v8 =	vor.u32 v9, v8;
	v9 =	vand.u32 $0x400, v11;
	v11 =	vand.u32 $0x380, v12  }
0x294: {  	v9 =	vor.u32 v9, v13;
	v12 =	vshll.u32 v10, $0x3;
	v13 =	vshrl.u32 v10, $0x1  }
0x295: {  	v9 =	vor.u32 v11, v9;
	v11 =	vand.u32 $0x400, v12;
	v12 =	vand.u32 $0x787F, v10  }
0x296: {  	v13 =	vand.u32 $0x380, v13;
	v7 =	vld.idx.msk [tilespmem:v7+s14+$0x0], $0xffff;
	v11 =	vor.u32 v11, v12  }
0x297: {  	v11 =	vor.u32 v13, v11  }
0x298: {  	v8 =	vld.idx.msk [tilespmem:v8+s14+$0x0], $0xffff;
	_ =	sdelay $0x1  }
0x299: {  	v9 =	vld.idx.msk [tilespmem:v9+s14+$0x0], $0xffff  }
0x29a: {  	vm1 =	vlt.u32 v4, $0x8000  }
0x29b: {  	v4 =	vnsel vm1, $0x0, v7;
	v7 =	vld.idx.msk [tilespmem:v11+s14+$0x0], $0xffff  }
0x29c: {  	vm1 =	vlt.u32 v5, $0x8000;
	v11 =	vadd.f32 $0.0e+00, v4;
	v4 =	vmul.f32 v4, v4  }
0x29d: {  	v5 =	vnsel vm1, $0x0, v8;
	vm1 =	vlt.u32 v6, $0x8000  }
.Ltmp6:
0x29e: {  	v3 =	vadd.f32 v4, v3;
	v4 =	vadd.f32 v5, v11;
	v5 =	vmul.f32 v5, v5;
	(pc) =	sbr.rel @p0 .LBB2_14-.Ltmp6, $4  }
0x29f: {  	v6 =	vnsel vm1, $0x0, v9;
	vm1 =	vlt.u32 v10, $0x8000  }
0x2a0: {  	v3 =	vadd.f32 v5, v3;
	v4 =	vadd.f32 v6, v4;
	v5 =	vmul.f32 v6, v6  }
0x2a1: {  	v6 =	vnsel vm1, $0x0, v7  }
0x2a2: {  	s17 =	smov.u32 s1;
	v3 =	vadd.f32 v5, v3;
	v5 =	vadd.f32 v6, v4;
	v4 =	vmul.f32 v6, v6  }
0x2a3: {  	_ = 	snop  }
0x2a4: {  	[tilespmem:s0+$0x18C00] =	vst v5  }
0x2a5: {  	_ =	swait.ge [sflag:s21], $0x8000  }
0x2a6: {  	[sflag:s21] =	ssyncset.done $0x0  }
0x2a7: {  	s17 =	simm.s32 $0x20;
	[sflag:s21] =	ssyncadd.s32 $0xFFFF8000  }
0x2a8: {  	v5 =	vld [tilespmem:s17+$0x0]  }
0x2a9: {  	v6 =	vld [tilespmem:s17+$0xFFFFFFF0]  }
0x2aa: {  	v7 =	vld [tilespmem:s17+$0xFFFFFFE0];
	_ =	sdelay $0x4  }
0x2ab: {  	v8 =	vshrl.u32 v5, $0x1;
	v9 =	vshll.u32 v6, $0x3;
	v10 =	vshll.u32 v7, $0x3  }
0x2ac: {  	v11 =	vshrl.u32 v7, $0x1;
	v12 =	vand.u32 $0x787F, v7;
	v10 =	vand.u32 $0x400, v10  }
0x2ad: {  	v13 =	vshrl.u32 v6, $0x1;
	v11 =	vand.u32 $0x380, v11;
	v10 =	vor.u32 v10, v12  }
0x2ae: {  	v9 =	vand.u32 $0x400, v9;
	v10 =	vor.u32 v11, v10;
	v11 =	vand.u32 $0x787F, v6  }
0x2af: {  	v12 =	vand.u32 $0x380, v13;
	v9 =	vor.u32 v9, v11;
	v11 =	vshll.u32 v5, $0x3  }
0x2b0: {  	v9 =	vor.u32 v12, v9;
	v11 =	vand.u32 $0x400, v11;
	v12 =	vand.u32 $0x787F, v5  }
0x2b1: {  	s18 =	simm.s32 $0xA0;
	v8 =	vand.u32 $0x380, v8;
	v13 =	vld [tilespmem:s17+$0x10];
	v11 =	vor.u32 v11, v12  }
0x2b2: {  	v15 =	vld [tilespmem:s18+$0x0];
	v8 =	vor.u32 v8, v11  }
0x2b3: {  	v10 =	vld.idx.msk [tilespmem:v10+s15+$0x0], $0xffff  }
0x2b4: {  	v7 =	vand.u32 $0xFFFF8000, v7  }
0x2b5: {  	v3 =	vadd.f32 v4, v3;
	vm1 =	veq.s32 v7, $0x8000;
	v6 =	vand.u32 $0xFFFF8000, v6;
	v9 =	vld.idx.msk [tilespmem:v9+s15+$0x0], $0xffff  }
0x2b6: {  	v14 =	vld [tilespmem:s18+$0x10];
	v5 =	vand.u32 $0xFFFF8000, v5;
	v4 =	vshll.u32 v13, $0x3;
	v11 =	vshrl.u32 v13, $0x1  }
0x2b7: {  	v12 =	vand.u32 $0x787F, v13;
	v4 =	vand.u32 $0x400, v4;
	v11 =	vand.u32 $0x380, v11;
	v8 =	vld.idx.msk [tilespmem:v8+s15+$0x0], $0xffff  }
0x2b8: {  	v4 =	vor.u32 v4, v12;
	v12 =	vshrl.u32 v15, $0x1;
	v7 =	vnsel vm1, $0x0, v10;
	v10 =	vld [tilespmem:s18+$0xFFFFFFF0]  }
0x2b9: {  	v4 =	vor.u32 v11, v4;
	v12 =	vand.u32 $0x380, v12;
	vm1 =	veq.s32 v6, $0x8000;
	v6 =	vld [tilespmem:s18+$0xFFFFFFE0]  }
0x2ba: {  	v11 =	vmul.f32 v7, v7;
	v7 =	vadd.f32 $0.0e+00, v7;
	v9 =	vnsel vm1, $0x0, v9  }
0x2bb: {  	vm1 =	veq.s32 v5, $0x8000;
	v5 =	vand.u32 $0xFFFF8000, v13;
	v13 =	vshrl.u32 v14, $0x1  }
0x2bc: {  	v3 =	vadd.f32 v11, v3;
	v11 =	vmul.f32 v9, v9;
	v13 =	vand.u32 $0x380, v13  }
0x2bd: {  	v7 =	vadd.f32 v9, v7;
	v8 =	vnsel vm1, $0x0, v8;
	vm1 =	veq.s32 v5, $0x8000  }
0x2be: {  	v3 =	vadd.f32 v11, v3;
	v5 =	vshll.u32 v10, $0x3;
	v16 =	vshll.u32 v6, $0x3  }
0x2bf: {  	v17 =	vshrl.u32 v6, $0x1;
	v18 =	vand.u32 $0x787F, v6;
	v16 =	vand.u32 $0x400, v16  }
0x2c0: {  	v19 =	vshrl.u32 v10, $0x1;
	v17 =	vand.u32 $0x380, v17;
	v16 =	vor.u32 v16, v18  }
0x2c1: {  	v4 =	vld.idx.msk [tilespmem:v4+s15+$0x0], $0xffff;
	v5 =	vand.u32 $0x400, v5;
	v16 =	vor.u32 v17, v16;
	v17 =	vand.u32 $0x787F, v10  }
0x2c2: {  	v18 =	vand.u32 $0x380, v19;
	v5 =	vor.u32 v5, v17;
	v17 =	vshll.u32 v15, $0x3  }
0x2c3: {  	v5 =	vor.u32 v18, v5;
	v17 =	vand.u32 $0x400, v17;
	v18 =	vand.u32 $0x787F, v15  }
0x2c4: {  	v11 =	vmul.f32 v8, v8;
	v17 =	vor.u32 v17, v18;
	v18 =	vshll.u32 v14, $0x3  }
0x2c5: {  	v12 =	vor.u32 v12, v17;
	v17 =	vand.u32 $0x400, v18;
	v18 =	vand.u32 $0x787F, v14  }
0x2c6: {  	s1 =	simm.s32 $0x18C00;
	v8 =	vadd.f32 v8, v7;
	v4 =	vnsel vm1, $0x0, v4;
	v16 =	vld.idx.msk [tilespmem:v16+s15+$0x0], $0xffff;
	v17 =	vor.u32 v17, v18  }
0x2c7: {  	v3 =	vadd.f32 v11, v3;
	v11 =	vmul.f32 v4, v4;
	v9 =	vor.u32 v13, v17;
	v13 =	vld [tilespmem:s1+$0x0]  }
0x2c8: {  	s31 =	simm.s32 $0x120;
	v5 =	vld.idx.msk [tilespmem:v5+s15+$0x0], $0xffff  }
0x2c9: {  	v6 =	vand.u32 $0xFFFF8000, v6;
	v17 =	vadd.f32 v11, v3;
	v11 =	vadd.f32 v4, v8;
	v8 =	vld [tilespmem:s31+$0x0]  }
0x2ca: {  	s26 =	simm.s32 $0x0;
	vm1 =	veq.s32 v6, $0x8000;
	v10 =	vand.u32 $0xFFFF8000, v10;
	v14 =	vand.u32 $0xFFFF8000, v14;
	v18 =	vld.idx.msk [tilespmem:v12+s15+$0x0], $0xffff  }
0x2cb: {  	v3 =	vmov s26;
	v6 =	vnsel vm1, $0x0, v16;
	vm1 =	veq.s32 v10, $0x8000;
	v10 =	vld [tilespmem:s31+$0xFFFFFFE0]  }
0x2cc: {  	s17 =	simm.s32 $0xFFFFFFF0;
	v16 =	vld.idx.msk [tilespmem:v9+s15+$0x0], $0xffff;
	v13 =	vadd.f32 v11, v13;
	v11 =	vadd.f32 $0.0e+00, v6;
	v6 =	vmul.f32 v6, v6  }
0x2cd: {  	v4 =	vmov s17;
	v12 =	vnsel vm1, $0x0, v5;
	v5 =	vand.u32 $0xFFFF8000, v15  }
0x2ce: {  	v9 =	vld [tilespmem:s31+$0xFFFFFFF0];
	(xrf2) =	vadd.scan.msk.f32 $0xffff, v13;
	v6 =	vadd.f32 v6, v17;
	v17 =	vmul.f32 v12, v12;
	vm1 =	veq.s32 v5, $0x8000  }
0x2cf: {  	v19 =	vshrl.u32 v8, $0x1;
	v13 =	vnsel vm1, $0x0, v18;
	vm1 =	veq.s32 v14, $0x8000  }
0x2d0: {  	v5 =	vadd.f32 v17, v6;
	v6 =	vmul.f32 v13, v13;
	v20 =	vshrl.u32 v10, $0x1  }
0x2d1: {  	v7 =	vld [tilespmem:s31+$0x10];
	v21 =	vand.u32 $0x787F, v10;
	v14 =	vnsel vm1, $0x0, v16;
	v16 =	vshll.u32 v10, $0x3  }
0x2d2: {  	v5 =	vadd.f32 v6, v5;
	v6 =	vmul.f32 v14, v14;
	v16 =	vand.u32 $0x400, v16  }
0x2d3: {  	v17 =	vshll.u32 v9, $0x3;
	v20 =	vand.u32 $0x380, v20;
	v16 =	vor.u32 v16, v21  }
0x2d4: {  	v5 =	vadd.f32 v6, v5;
	v6 =	vand.u32 $0x400, v17;
	v17 =	vand.u32 $0x787F, v9  }
0x2d5: {  	v18 =	vshrl.u32 v9, $0x1;
	v16 =	vor.u32 v20, v16;
	v6 =	vor.u32 v6, v17  }
0x2d6: {  	v15 =	vshrl.u32 v7, $0x1;
	v18 =	vand.u32 $0x380, v18;
	v20 =	vshll.u32 v8, $0x3  }
0x2d7: {  	s30 =	simm.s32 $0x1;
	s29 =	simm.s32 $0x2;
	v17 =	vor.u32 v18, v6;
	v18 =	vand.u32 $0x400, v20;
	v20 =	vand.u32 $0x787F, v8  }
0x2d8: {  	s28 =	simm.s32 $0x3;
	s0 =	simm.s32 $0x5;
	s26 =	simm.s32 $0x4;
	v19 =	vand.u32 $0x380, v19;
	v20 =	vor.u32 v18, v20;
	v18 =	vshll.u32 v7, $0x3;
	v6, _, _ =	vpop (xrf2)  }
.LBB2_16:
0x2d9: {  	p0 =	sne.s32 s0, $0x13;
	v19 =	vor.u32 v19, v20;
	v18 =	vand.u32 $0x400, v18;
	v20 =	vand.u32 $0x787F, v7  }
0x2da: {  	v15 =	vand.u32 $0x380, v15;
	v11 =	vadd.f32 v12, v11;
	s1 =	sadd.s32 $0x10, s1;
	v16 =	vld.idx.msk [tilespmem:v16+s15+$0x0], $0xffff;
	v18 =	vor.u32 v18, v20  }
0x2db: {  	v12 =	vor.u32 v15, v18;
	v15 =	vld [tilespmem:s1+$0x0];
	v18 =	vbroadcast v6, $0xF;
	(v2sf) =	vpush v6, $0xF  }
0x2dc: {  	s31 =	sadd.s32 $0x80, s31;
	vm1 =	veq.s32 v3, v0;
	vm2 =	veq.s32 v4, v0;
	v11 =	vadd.f32 v13, v11;
	v6 =	vld.idx.msk [tilespmem:v17+s15+$0x0], $0xffff  }
0x2dd: {  	v3 =	vmov s30;
	v13 =	vld [tilespmem:s31+$0x10];
	v4 =	vnsel vm1, $0x0, v18;
	v17 =	vnsel vm2, $0x0, v18  }
0x2de: {  	v10 =	vand.u32 $0xFFFF8000, v10;
	s17 =	sadd.s32 $0xFFFFFFF0, s30;
	s30 =	smov.u32 s29;
	s29 =	smov.u32 s28;
	v11 =	vadd.f32 v14, v11;
	v18 =	vld.idx.msk [tilespmem:v19+s15+$0x0], $0xffff;
	v2 =	vadd.f32 v4, v2  }
0x2df: {  	s28 =	smov.u32 s26;
	s26 =	smov.u32 s0;
	vm1 =	veq.s32 v10, $0x8000;
	v4 =	vmov s17;
	v1 =	vadd.f32 v17, v1;
	v14 =	vld [tilespmem:s31+$0x0]  }
0x2e0: {  	v10 =	vnsel vm1, $0x0, v16;
	v16 =	vand.u32 $0xFFFF8000, v9;
	v17 =	vld.idx.msk [tilespmem:v12+s15+$0x0], $0xffff;
	v15 =	vadd.f32 v11, v15  }
0x2e1: {  	v11 =	vadd.f32 $0.0e+00, v10;
	v19 =	vmul.f32 v10, v10;
	vm1 =	veq.s32 v16, $0x8000;
	v9 =	vld [tilespmem:s31+$0xFFFFFFF0]  }
0x2e2: {  	v16 =	vand.u32 $0xFFFF8000, v7;
	v12 =	vnsel vm1, $0x0, v6;
	v6 =	vand.u32 $0xFFFF8000, v8;
	v10 =	vld [tilespmem:s31+$0xFFFFFFE0];
	(xrf2) =	vadd.scan.msk.f32 $0xffff, v15;
	v7 =	vmovc v13  }
0x2e3: {  	v5 =	vadd.f32 v19, v5;
	v19 =	vmul.f32 v12, v12;
	vm1 =	veq.s32 v6, $0x8000  }
0x2e4: {  	v15 =	vshrl.u32 v7, $0x1;
	v13 =	vnsel vm1, $0x0, v18;
	v20 =	vshrl.u32 v14, $0x1;
	v8 =	vmovc v14  }
0x2e5: {  	vm1 =	veq.s32 v16, $0x8000;
	v5 =	vadd.f32 v19, v5;
	v6 =	vmul.f32 v13, v13  }
0x2e6: {  	v14 =	vnsel vm1, $0x0, v17;
	v18 =	vshll.u32 v9, $0x3;
	v19 =	vshrl.u32 v9, $0x1  }
0x2e7: {  	v5 =	vadd.f32 v6, v5;
	v6 =	vmul.f32 v14, v14;
	v16 =	vshll.u32 v10, $0x3  }
0x2e8: {  	v17 =	vshrl.u32 v10, $0x1;
	v21 =	vand.u32 $0x787F, v10;
	v16 =	vand.u32 $0x400, v16  }
.Ltmp7:
0x2e9: {  	v17 =	vand.u32 $0x380, v17;
	v5 =	vadd.f32 v6, v5;
	v16 =	vor.u32 v16, v21;
	(pc) =	sbr.rel @p0 .LBB2_16-.Ltmp7, $4  }
0x2ea: {  	v23 =	vand.u32 $0x400, v18;
	v16 =	vor.u32 v17, v16;
	v17 =	vand.u32 $0x787F, v9;
	s17 =	spop (v2sf)  }
0x2eb: {  	v18 =	vand.u32 $0x380, v19;
	v19 =	vshll.u32 v8, $0x3;
	v22 =	vor.u32 v23, v17;
	s17 =	smul.f32 s17, s17  }
0x2ec: {  	v21 =	vand.u32 $0x787F, v8;
	v17 =	vor.u32 v18, v22;
	v18 =	vand.u32 $0x400, v19;
	v6, _, _ =	vpop (xrf2)  }
0x2ed: {  	s0 =	sadd.s32 $0x1, s0;
	v19 =	vand.u32 $0x380, v20;
	v20 =	vor.u32 v18, v21;
	v18 =	vshll.u32 v7, $0x3;
	s25 =	sadd.f32 s17, s25  }
0x2ee: {  	_ =	sdelay $0x3  }
0x2ef: {  	v16 =	vld.idx.msk [tilespmem:v16+s15+$0x0], $0xffff  }
0x2f0: {  	s0 =	sadd.s32 $0x10, s1;
	v57 =	vld.idx.msk [tilespmem:v17+s15+$0x0], $0xffff  }
0x2f1: {  	v11 =	vadd.f32 v12, v11;
	s18 =	sadd.s32 $0x80, s31;
	v56 =	vld [tilespmem:s0+$0x0]  }
0x2f2: {  	v19 =	vor.u32 v19, v20;
	v18 =	vand.u32 $0x400, v18;
	v59 =	vld [tilespmem:s18+$0x10]  }
0x2f3: {  	v21 =	vand.u32 $0x787F, v7;
	v15 =	vand.u32 $0x380, v15;
	v61 =	vld [tilespmem:s18+$0x0];
	v11 =	vadd.f32 v13, v11  }
0x2f4: {  	v10 =	vand.u32 $0xFFFF8000, v10;
	v9 =	vand.u32 $0xFFFF8000, v9;
	v8 =	vand.u32 $0xFFFF8000, v8;
	v62 =	vld [tilespmem:s18+$0xFFFFFFF0]  }
0x2f5: {  	v58 =	vor.u32 v18, v21;
	vm1 =	veq.s32 v10, $0x8000;
	v63 =	vld [tilespmem:s18+$0xFFFFFFE0];
	v11 =	vadd.f32 v14, v11  }
0x2f6: {  	v31 =	vand.u32 $0xFFFF8000, v7;
	v15 =	vor.u32 v15, v58;
	v16 =	vnsel vm1, $0x0, v16  }
0x2f7: {  	vm1 =	veq.s32 v9, $0x8000;
	v11 =	vadd.f32 v11, v56;
	v30 =	vadd.f32 $0.0e+00, v16  }
0x2f8: {  	s1 =	sadd.s32 $0x80, s18;
	v12 =	vnsel vm1, $0x0, v57;
	vm1 =	veq.s32 v8, $0x8000;
	v32 =	vshrl.u32 v61, $0x1  }
0x2f9: {  	v38 =	vld [tilespmem:s1+$0x10];
	v33 =	vshrl.u32 v59, $0x1;
	v34 =	vshll.u32 v62, $0x3;
	v35 =	vshrl.u32 v62, $0x1  }
0x2fa: {  	v24 =	vld [tilespmem:s1+$0x0];
	v36 =	vshll.u32 v63, $0x3;
	v22 =	vshrl.u32 v63, $0x1;
	v23 =	vand.u32 $0x787F, v63  }
0x2fb: {  	v25 =	vld [tilespmem:s1+$0xFFFFFFF0];
	v37 =	vand.u32 $0x787F, v62;
	v39 =	vshll.u32 v61, $0x3;
	v41 =	vand.u32 $0x787F, v61  }
0x2fc: {  	v27 =	vld [tilespmem:s1+$0xFFFFFFE0];
	v26 =	vshll.u32 v59, $0x3;
	v43 =	vand.u32 $0x787F, v59;
	v10 =	vand.u32 $0xFFFF8000, v63  }
0x2fd: {  	v14 =	vand.u32 $0xFFFF8000, v62;
	v17 =	vand.u32 $0xFFFF8000, v61;
	v21 =	vand.u32 $0x400, v36  }
0x2fe: {  	v22 =	vand.u32 $0x380, v22;
	v7 =	vand.u32 $0x400, v34;
	v20 =	vand.u32 $0x380, v35  }
0x2ff: {  	v40 =	vand.u32 $0x400, v39;
	v8 =	vand.u32 $0x380, v32;
	v42 =	vand.u32 $0x400, v26  }
0x300: {  	v60 =	vld.idx.msk [tilespmem:v19+s15+$0x0], $0xffff;
	v19 =	vand.u32 $0x380, v33;
	v44 =	vshrl.u32 v24, $0x1;
	v45 =	vshrl.u32 v38, $0x1  }
0x301: {  	v29 =	vld.idx.msk [tilespmem:v15+s15+$0x0], $0xffff;
	v46 =	vshll.u32 v25, $0x3;
	v47 =	vshll.u32 v27, $0x3;
	v28 =	vshrl.u32 v27, $0x1  }
0x302: {  	v49 =	vand.u32 $0x787F, v25;
	v50 =	vshll.u32 v24, $0x3;
	v21 =	vor.u32 v21, v23  }
0x303: {  	v7 =	vor.u32 v7, v37;
	v15 =	vadd.f32 v12, v30;
	v26 =	vand.u32 $0x400, v47  }
0x304: {  	v30 =	vshrl.u32 v25, $0x1;
	v28 =	vand.u32 $0x380, v28;
	v21 =	vor.u32 v22, v21  }
0x305: {  	v7 =	vor.u32 v20, v7;
	v13 =	vnsel vm1, $0x0, v60;
	vm1 =	veq.s32 v31, $0x8000  }
0x306: {  	v20 =	vor.u32 v40, v41;
	v9 =	vnsel vm1, $0x0, v29;
	v29 =	vand.u32 $0x787F, v27  }
0x307: {  	v22 =	vor.u32 v42, v43;
	v8 =	vor.u32 v8, v20;
	v26 =	vor.u32 v26, v29  }
0x308: {  	v19 =	vor.u32 v19, v22;
	v22 =	vand.u32 $0x400, v46;
	v26 =	vor.u32 v28, v26  }
0x309: {  	v51 =	vand.u32 $0x787F, v24;
	v30 =	vand.u32 $0x380, v30;
	v22 =	vor.u32 v22, v49  }
0x30a: {  	v52 =	vshll.u32 v38, $0x3;
	v22 =	vor.u32 v30, v22;
	v21 =	vld.idx.msk [tilespmem:v21+s15+$0x0], $0xffff;
	v28 =	vand.u32 $0x400, v50  }
0x30b: {  	vm1 =	veq.s32 v10, $0x8000;
	v10 =	vand.u32 $0x380, v44;
	v7 =	vld.idx.msk [tilespmem:v7+s15+$0x0], $0xffff;
	v28 =	vor.u32 v28, v51  }
0x30c: {  	v54 =	vand.u32 $0x787F, v38;
	v53 =	vand.u32 $0x400, v52;
	v8 =	vld.idx.msk [tilespmem:v8+s15+$0x0], $0xffff;
	v10 =	vor.u32 v10, v28  }
0x30d: {  	s0 =	sadd.s32 $0x10, s0;
	v18 =	vand.u32 $0xFFFF8000, v59;
	v20 =	vand.u32 $0x380, v45;
	v28 =	vor.u32 v53, v54;
	v26 =	vld.idx.msk [tilespmem:v26+s15+$0x0], $0xffff  }
0x30e: {  	v48 =	vld [tilespmem:s0+$0x0];
	v16 =	vmul.f32 v16, v16;
	vm2 =	veq.s32 v14, $0x8000;
	v20 =	vor.u32 v20, v28  }
0x30f: {  	v57 =	vand.u32 $0xFFFF8000, v27;
	v24 =	vand.u32 $0xFFFF8000, v24;
	v23 =	vand.u32 $0xFFFF8000, v38;
	v56 =	vld.idx.msk [tilespmem:v22+s15+$0x0], $0xffff  }
0x310: {  	v60 =	vand.u32 $0xFFFF8000, v25;
	v19 =	vld.idx.msk [tilespmem:v19+s15+$0x0], $0xffff;
	v55 =	vnsel vm1, $0x0, v21;
	vm1 =	veq.s32 v17, $0x8000  }
0x311: {  	v8 =	vnsel vm1, $0x0, v8;
	vm1 =	veq.s32 v57, $0x8000;
	v58 =	vadd.f32 $0.0e+00, v55;
	v10 =	vld.idx.msk [tilespmem:v10+s15+$0x0], $0xffff  }
0x312: {  	v15 =	vadd.f32 v13, v15;
	v7 =	vnsel vm2, $0x0, v7;
	v59 =	vnsel vm1, $0x0, v26  }
0x313: {  	s0 =	sadd.s32 $0x10, s0;
	v21 =	vadd.f32 v7, v58;
	v20 =	vld.idx.msk [tilespmem:v20+s15+$0x0], $0xffff;
	vm1 =	veq.s32 v60, $0x8000;
	v61 =	vadd.f32 $0.0e+00, v59  }
0x314: {  	v62 =	vld [tilespmem:s0+$0x0];
	v15 =	vadd.f32 v9, v15;
	vm2 =	veq.s32 v18, $0x8000;
	v17 =	vnsel vm1, $0x0, v56  }
0x315: {  	s0 =	sadd.s32 $0x10, s0;
	v21 =	vadd.f32 v8, v21;
	vm1 =	veq.s32 v24, $0x8000;
	v63 =	vadd.f32 v17, v61  }
0x316: {  	v15 =	vadd.f32 v15, v48;
	v28 =	vld [tilespmem:s0+$0x0];
	v19 =	vnsel vm2, $0x0, v19;
	v10 =	vnsel vm1, $0x0, v10  }
0x317: {  	(xrf2) =	vadd.scan.msk.f32 $0xffff, v11;
	vm1 =	veq.s32 v23, $0x8000;
	v29 =	vadd.f32 v19, v21;
	v30 =	vadd.f32 v10, v63  }
0x318: {  	v5 =	vadd.f32 v16, v5;
	v12 =	vmul.f32 v12, v12;
	v31 =	vnsel vm1, $0x0, v20  }
0x319: {  	(xrf2) =	vadd.scan.msk.f32 $0xffff, v15;
	v11 =	vadd.f32 v29, v62;
	v32 =	vadd.f32 v31, v30  }
0x31a: {  	v5 =	vadd.f32 v12, v5;
	v33 =	vmul.f32 v13, v13  }
0x31b: {  	(xrf2) =	vadd.scan.msk.f32 $0xffff, v11;
	v34 =	vadd.f32 v32, v28  }
0x31c: {  	v5 =	vadd.f32 v33, v5;
	v9 =	vmul.f32 v9, v9  }
0x31d: {  	(v2sf) =	vpush v6, $0xF;
	(xrf2) =	vadd.scan.msk.f32 $0xffff, v34  }
0x31e: {  	v5 =	vadd.f32 v9, v5;
	v35 =	vmul.f32 v55, v55;
	_ =	sdelay $0x1  }
0x31f: {  	v5 =	vadd.f32 v35, v5;
	v7 =	vmul.f32 v7, v7  }
0x320: {  	v36, _, _ =	vpop (xrf2)  }
0x321: {  	(v2sf) =	vpush v36, $0xF;
	v37 =	vmul.f32 v8, v8;
	v5 =	vadd.f32 v7, v5  }
0x322: {  	v38, _, _ =	vpop (xrf2)  }
0x323: {  	v39 =	vmul.f32 v19, v19;
	v5 =	vadd.f32 v37, v5;
	(v2sf) =	vpush v38, $0xF  }
0x324: {  	v40, _, _ =	vpop (xrf2)  }
0x325: {  	v41 =	vmul.f32 v59, v59;
	v5 =	vadd.f32 v39, v5;
	(v2sf) =	vpush v40, $0xF  }
0x326: {  	v42, _, _ =	vpop (xrf2)  }
0x327: {  	v43 =	vmul.f32 v17, v17;
	v5 =	vadd.f32 v41, v5;
	(v2sf) =	vpush v42, $0xF;
	_ =	sdelay $0x1  }
0x328: {  	v44 =	vmul.f32 v10, v10;
	v5 =	vadd.f32 v43, v5;
	_ =	sdelay $0x1  }
0x329: {  	s31 =	spop (v2sf);
	v45 =	vmul.f32 v31, v31;
	v5 =	vadd.f32 v44, v5  }
0x32a: {  	s17 =	sadd.s32 $0xFFFFFFF0, s30;
	v46 =	vbroadcast v6, $0xF;
	s0 =	smul.f32 s31, s31  }
0x32b: {  	v49 =	vmov s17;
	s17 =	sadd.s32 $0xFFFFFFF0, s29;
	vm1 =	veq.s32 v3, v0;
	v3 =	vadd.f32 v45, v5  }
0x32c: {  	v47 =	vmov s30;
	v51 =	vmov s17;
	v50 =	vbroadcast v36, $0xF;
	s0 =	sadd.f32 s0, s25;
	s25 =	sadd.s32 $0xFFFFFFF0, s28  }
0x32d: {  	vm2 =	veq.s32 v4, v0;
	v55 =	vmov s25;
	v48 =	vnsel vm1, $0x0, v46;
	(xrf2) =	vadd.scan.msk.f32 $0xffff, v3  }
0x32e: {  	v6 =	vnsel vm2, $0x0, v46;
	vm1 =	veq.s32 v47, v0;
	v2 =	vadd.f32 v48, v2;
	s18 =	spop (v2sf)  }
0x32f: {  	vm2 =	veq.s32 v49, v0;
	v1 =	vadd.f32 v6, v1;
	v4 =	vnsel vm1, $0x0, v50;
	s1 =	smul.f32 s18, s18  }
0x330: {  	v52 =	vbroadcast v38, $0xF;
	v2 =	vadd.f32 v4, v2;
	v5 =	vnsel vm2, $0x0, v50;
	s18 =	spop (v2sf)  }
0x331: {  	vm2 =	veq.s32 v51, v0;
	v1 =	vadd.f32 v5, v1;
	s0 =	sadd.f32 s1, s0;
	v3 =	vmov s29;
	s30 =	smul.f32 s18, s18  }
0x332: {  	v54 =	vnsel vm2, $0x0, v52;
	vm2 =	veq.s32 v55, v0;
	vm1 =	veq.s32 v3, v0;
	s31 =	spop (v2sf)  }
0x333: {  	v3 =	vmov s28;
	v1 =	vadd.f32 v54, v1;
	v56 =	vbroadcast v40, $0xF;
	s0 =	sadd.f32 s30, s0;
	s28 =	smul.f32 s31, s31  }
0x334: {  	v53 =	vnsel vm1, $0x0, v52;
	vm1 =	veq.s32 v3, v0;
	v3 =	vmov s26;
	s29 =	spop (v2sf)  }
0x335: {  	v2 =	vadd.f32 v53, v2;
	v57 =	vnsel vm1, $0x0, v56;
	v58 =	vnsel vm2, $0x0, v56;
	s30 =	sadd.s32 $0xFFFFFFF0, s26;
	s0 =	sadd.f32 s28, s0;
	s31 =	smul.f32 s29, s29  }
0x336: {  	vm1 =	veq.s32 v3, v0;
	v60 =	vbroadcast v42, $0xF;
	v59 =	vmov s30  }
0x337: {  	v2 =	vadd.f32 v57, v2;
	v1 =	vadd.f32 v58, v1;
	vm2 =	veq.s32 v59, v0;
	v3, _, _ =	vpop (xrf2);
	s0 =	sadd.f32 s31, s0  }
0x338: {  	v61 =	vnsel vm1, $0x0, v60;
	vm1 =	vmmov $0x1;
	v3 =	vbroadcast v3, $0xF  }
0x339: {  	v62 =	vnsel vm2, $0x0, v60;
	v2 =	vadd.f32 v61, v2;
	v63 =	vmov s0  }
0x33a: {  	v1 =	vadd.f32 v62, v1;
	v3 =	vnsel vm1, $0x0, v3;
	v4 =	vnsel vm0, $0x0, v63  }
0x33b: {  	s24 =	sadd.s32 $0x1, s24;
	[tilespmem:$0x18D80] =	vst v2;
	v2 =	vadd.f32 v4, v3  }
0x33c: {  	p0 =	sne.s32 s24, s13;
	[tilespmem:$0x18D90] =	vst v1  }
.Ltmp8:
0x33d: {  	[tilespmem:$0x18DA0] =	vst v2;
	(pc) =	sbr.rel @p0 .LBB2_1-.Ltmp8, $4  }
0x33e: {  	[hbm4b:s12+s2] =	stream.linear.scatter [tilespmem:s23], [sflag:$0x4], $0x80, $0x38;
	[tilespmem:$0x18E00] =	vst v63  }
0x33f: {  	_ =	swait.ge [sflag:s19], $0x80  }
0x340: {  	[sflag:s19] =	ssyncset.done $0x0  }
0x341: {  	[sflag:s19] =	ssyncadd.s32 $0xFFFFFF80  }
0x342: {  	_ =	sfence.sel $0x180000  }
0x343: {  	[bflag:$0x0] =	sbarrier.arrive $0xFFFF  }
0x344: {  	_ =	strace $0x90000047  }
0x345: {  	s0 =	stileid.u32;
	[bflag:$0x2] =	sbarrier.arrive $0xFFFF  }
0x346: {  	p0 =	sne.s32 s0, $0x0;
	s0 =	rddreg [dreg:$0x3]  }
0x347: {  	s0 =	sadd.s32 @!p0 $0x100000, s0  }
0x348: {  	[sflag:s0] =	ssyncadd.tile.s32 @!p0 $0x1;
	_ =	shalt  }
.Lfunc_end2:
_tile_overlayer_lowered:
.L_overlay_start_2:
0x349: {  	(tag) =	ssettag $0x2  }
0x34a: {  	s0 =	rddreg [dreg:$0x0];
	s2 =	stileid.u32  }
0x34b: {  	s1 =	rddreg [dreg:$0x1];
	p0 =	sne.s32 s2, $0x0  }
0x34c: {  	s3 =	rddreg [dreg:$0x2];
	[bflag:$0x3] =	sbarrier.arrive $0xFFFF;
	s2 =	simm.s32 @!p0 $0x1C04  }
0x34d: {  	[timem:s3], [sflag:s2] =	dma.local @!p0 [hbm:s0], s1  }
0x34e: {  	s0 =	simm.s32 @!p0 $0x4  }
0x34f: {  	_ =	swait.ge @!p0 [sflag:s0], s1  }
0x350: {  	s1 =	ssub.s32 @!p0 $0x0, s1;
	[sflag:s0] =	ssyncset.done @!p0 $0x0  }
0x351: {  	[sflag:s0] =	ssyncadd.s32 @!p0 s1  }
0x352: {  	[bflag:$0x3] =	sbarrier.arrive $0xFFFF  }
0x353: {  	_ =	shalt  }

</sc_bundles>
